<compile_context>
chip_gen: v7x
topology: tpu7x:2x2x1
jax: 0.10.2.dev20260603
libtpu: 0.0.44.dev20260713+nightly
codegen_flags: <defaults>
</compile_context>

<pallas_src>
import functools
import numpy as np
import jax
import jax.numpy as jnp
from jax import lax
from jax.experimental import pallas as pl
from jax.experimental.pallas import tpu as pltpu
from jax.experimental.pallas import tpu_sc as plsc

_C, _H, _W = 96, 512, 512
_NU = _C * 16
_UPW = _NU // 32

_GB2 = [((g >> 2) << 11) | (((g >> 1) & 1) << 10) | ((g & 1) << 8)
        for g in range(32)]


def _sc_kernel():
    mesh = plsc.VectorSubcoreMesh(core_axis_name="c", subcore_axis_name="s")

    @functools.partial(
        pl.kernel,
        mesh=mesh,
        out_type=jax.ShapeDtypeStruct((_C, _H, _W), jnp.float32),
        scratch_types=[
            pltpu.VMEM((16384,), jnp.float32),
            pltpu.VMEM((16384,), jnp.float32),
            pltpu.VMEM((32, 512), jnp.float32),
            pltpu.VMEM((32, 512), jnp.float32),
            pltpu.SemaphoreType.DMA,
            pltpu.SemaphoreType.DMA,
            pltpu.SemaphoreType.DMA,
            pltpu.SemaphoreType.DMA,
        ],
        compiler_params=pltpu.CompilerParams(needs_layout_passes=False),
    )
    def k(x_hbm, out_hbm, in0, in1, o0, o1, si0, si1, so0, so1):
        wid = lax.axis_index("s") * 2 + lax.axis_index("c")

        j = lax.iota(jnp.int32, 16)
        spreadj = (j & 1) + ((j >> 1) & 1) * 4 + ((j >> 2) & 1) * 16 \
            + ((j >> 3) & 1) * 64

        ins = (in0, in1)
        outs = (o0, o1)
        sin = (si0, si1)
        sout = (so0, so1)

        def unit_cy(i):
            gu = i * 32 + wid
            return gu >> 4, gu & 15

        def in_copies(i, b):
            c, y4 = unit_cy(i)
            ybits = (((y4 >> 3) & 1) << 6) | (((y4 >> 2) & 1) << 4) \
                | (((y4 >> 1) & 1) << 2) | ((y4 & 1) << 0)
            cps = []
            for u in range(8):
                ubits = (((u >> 2) & 1) << 5) | (((u >> 1) & 1) << 3) \
                    | ((u & 1) << 1)
                cps.append(pltpu.make_async_copy(
                    x_hbm.at[c, ybits + ubits],
                    ins[b].at[pl.ds(u * 2048, 2048)],
                    sin[b]))
            return cps

        def out_copy(i, b):
            c, y4 = unit_cy(i)
            return pltpu.make_async_copy(
                outs[b],
                out_hbm.at[c, pl.ds(y4 * 32, 32)],
                sout[b])

        for cp in in_copies(0, 0):
            cp.start()

        def pair_body(i2, carry):
            for b in range(2):
                i = 2 * i2 + b
                for cp in in_copies(i, b):
                    cp.wait()

                @pl.when(i < _UPW - 1)
                def _():
                    for cp in in_copies(i + 1, 1 - b):
                        cp.start()

                @pl.when(i >= 2)
                def _():
                    out_copy(i - 2, b).wait()

                src = ins[b]
                dst = outs[b]

                def per_row(r, carry2):
                    rbase = (
                        ((r & 1) << 1) | (((r >> 1) & 1) << 3)
                        | (((r >> 2) & 1) << 5) | (((r >> 3) & 1) << 7)
                        | (((r >> 4) & 1) << 9)
                    )
                    base = spreadj + rbase
                    for g in range(32):
                        v = plsc.load_gather(src, [base + _GB2[g]])
                        dst[r, pl.ds(g * 16, 16)] = v
                    return carry2

                lax.fori_loop(0, 32, per_row, 0)
                out_copy(i, b).start()
            return carry

        lax.fori_loop(0, _UPW // 2, pair_body, 0)
        out_copy(_UPW - 2, 0).wait()
        out_copy(_UPW - 1, 1).wait()

    return k


_K = _sc_kernel()


def kernel(x, idx):
    B, C, H, W = x.shape
    del idx
    xs = x.reshape(_C, 128, 2048)
    out = _K(xs)
    return out.reshape(B, C, H * W)

# --- scband reference (transcript-rebuilt; emitter-appended) ---
"""Pipeline reference for scband-fast-morton-transform-58265526337595 (READ-ONLY COPY).

The authoritative reference and input builder live on the scoring server;
editing this copy changes nothing except your own understanding.
"""

import jax, jax.numpy as jnp
import numpy as np


def _morton_idx(N):
    ys, xs = np.meshgrid(np.arange(N), np.arange(N), indexing='ij')
    ys = ys.reshape(-1).astype(np.int64)
    xs = xs.reshape(-1).astype(np.int64)
    code = np.zeros_like(ys)
    for b in range(int(np.log2(N))):
        code |= ((ys >> b) & 1) << (2 * b + 1)
        code |= ((xs >> b) & 1) << (2 * b)
    return code


def setup_inputs(seed: int = 0) -> dict:
    key = jax.random.key(seed)
    x = jax.random.normal(key, (1, 96, 512, 512), dtype=jnp.float32)
    idx = jnp.asarray(_morton_idx(512), dtype=jnp.int32)
    return {"x": x, "idx": idx}


def reference(x, idx):
    # FastMortonTransform.flatten: reshape to (B, C, H*W) then index_select
    # along the flattened spatial axis with the Morton / Z-order codes.
    B, C, H, W = x.shape
    x_flat = x.reshape(B, C, H * W)
    return jnp.take(x_flat, idx, axis=2)

if __name__ == "__main__":
    import jax
    _d = setup_inputs()
    print(jax.jit(kernel)(*tuple(_d.values())))

</pallas_src>

<mosaic_0001>
#map = affine_map<(d0, d1) -> (0, 0, 0)>
module attributes {stable_mosaic.version = 14 : i64} {
  func.func @k(%arg0: i32, %arg1: i32, %arg2: memref<96x128x2048xf32, #tpu.memory_space<hbm>>, %arg3: memref<96x512x512xf32, #tpu.memory_space<hbm>>, %arg4: memref<16384xf32, #tpu.memory_space<vmem>>, %arg5: memref<16384xf32, #tpu.memory_space<vmem>>, %arg6: memref<32x512xf32, #tpu.memory_space<vmem>>, %arg7: memref<32x512xf32, #tpu.memory_space<vmem>>, %arg8: memref<!tpu.dma_semaphore, #tpu.memory_space<semaphore_mem>>, %arg9: memref<!tpu.dma_semaphore, #tpu.memory_space<semaphore_mem>>, %arg10: memref<!tpu.dma_semaphore, #tpu.memory_space<semaphore_mem>>, %arg11: memref<!tpu.dma_semaphore, #tpu.memory_space<semaphore_mem>>) attributes {dimension_semantics = [#tpu.dimension_semantics<core_parallel>, #tpu.dimension_semantics<subcore_parallel>], iteration_bounds = array<i64: 2, 16>, scalar_prefetch = 0 : i64, scratch_operands = 8 : i64, tpu.core_type = #tpu.core_type<sc_vector_subcore>, window_params = [{transform_indices = #map}, {transform_indices = #map}]} {
    %mul3A = arith.constant 2 : i32
    %mul3A_0 = arith.muli %arg1, %mul3A : i32
    %add3A = arith.addi %mul3A_0, %arg0 : i32
    %iota3A = tpu.iota {dimensions = array<i32: 0>} : vector<16xi32>
    %and3A = arith.constant 1 : i32
    %and3A_1 = vector.broadcast %and3A : i32 to vector<16xi32>
    %and3A_2 = arith.andi %iota3A, %and3A_1 : vector<16xi32>
    %shift_right_arithmetic3A = arith.constant 1 : i32
    %shift_right_arithmetic3A_3 = vector.broadcast %shift_right_arithmetic3A : i32 to vector<16xi32>
    %shift_right_arithmetic3A_4 = arith.shrsi %iota3A, %shift_right_arithmetic3A_3 : vector<16xi32>
    %and3A_5 = arith.constant 1 : i32
    %and3A_6 = vector.broadcast %and3A_5 : i32 to vector<16xi32>
    %and3A_7 = arith.andi %shift_right_arithmetic3A_4, %and3A_6 : vector<16xi32>
    %mul3A_8 = arith.constant 4 : i32
    %mul3A_9 = vector.broadcast %mul3A_8 : i32 to vector<16xi32>
    %mul3A_10 = arith.muli %and3A_7, %mul3A_9 : vector<16xi32>
    %add3A_11 = arith.addi %and3A_2, %mul3A_10 : vector<16xi32>
    %shift_right_arithmetic3A_12 = arith.constant 2 : i32
    %shift_right_arithmetic3A_13 = vector.broadcast %shift_right_arithmetic3A_12 : i32 to vector<16xi32>
    %shift_right_arithmetic3A_14 = arith.shrsi %iota3A, %shift_right_arithmetic3A_13 : vector<16xi32>
    %and3A_15 = arith.constant 1 : i32
    %and3A_16 = vector.broadcast %and3A_15 : i32 to vector<16xi32>
    %and3A_17 = arith.andi %shift_right_arithmetic3A_14, %and3A_16 : vector<16xi32>
    %mul3A_18 = arith.constant 16 : i32
    %mul3A_19 = vector.broadcast %mul3A_18 : i32 to vector<16xi32>
    %mul3A_20 = arith.muli %and3A_17, %mul3A_19 : vector<16xi32>
    %add3A_21 = arith.addi %add3A_11, %mul3A_20 : vector<16xi32>
    %shift_right_arithmetic3A_22 = arith.constant 3 : i32
    %shift_right_arithmetic3A_23 = vector.broadcast %shift_right_arithmetic3A_22 : i32 to vector<16xi32>
    %shift_right_arithmetic3A_24 = arith.shrsi %iota3A, %shift_right_arithmetic3A_23 : vector<16xi32>
    %and3A_25 = arith.constant 1 : i32
    %and3A_26 = vector.broadcast %and3A_25 : i32 to vector<16xi32>
    %and3A_27 = arith.andi %shift_right_arithmetic3A_24, %and3A_26 : vector<16xi32>
    %mul3A_28 = arith.constant 64 : i32
    %mul3A_29 = vector.broadcast %mul3A_28 : i32 to vector<16xi32>
    %mul3A_30 = arith.muli %and3A_27, %mul3A_29 : vector<16xi32>
    %add3A_31 = arith.addi %add3A_21, %mul3A_30 : vector<16xi32>
    %add3A_32 = arith.constant 0 : i32
    %add3A_33 = arith.addi %add3A_32, %add3A : i32
    %shift_right_arithmetic3A_34 = arith.constant 4 : i32
    %shift_right_arithmetic3A_35 = arith.shrsi %add3A_33, %shift_right_arithmetic3A_34 : i32
    %and3A_36 = arith.constant 15 : i32
    %and3A_37 = arith.andi %add3A_33, %and3A_36 : i32
    %shift_right_arithmetic3A_38 = arith.constant 3 : i32
    %shift_right_arithmetic3A_39 = arith.shrsi %and3A_37, %shift_right_arithmetic3A_38 : i32
    %and3A_40 = arith.constant 1 : i32
    %and3A_41 = arith.andi %shift_right_arithmetic3A_39, %and3A_40 : i32
    %shift_left3A = arith.constant 6 : i32
    %shift_left3A_42 = arith.shli %and3A_41, %shift_left3A : i32
    %shift_right_arithmetic3A_43 = arith.constant 2 : i32
    %shift_right_arithmetic3A_44 = arith.shrsi %and3A_37, %shift_right_arithmetic3A_43 : i32
    %and3A_45 = arith.constant 1 : i32
    %and3A_46 = arith.andi %shift_right_arithmetic3A_44, %and3A_45 : i32
    %shift_left3A_47 = arith.constant 4 : i32
    %shift_left3A_48 = arith.shli %and3A_46, %shift_left3A_47 : i32
    %or3A = arith.ori %shift_left3A_42, %shift_left3A_48 : i32
    %shift_right_arithmetic3A_49 = arith.constant 1 : i32
    %shift_right_arithmetic3A_50 = arith.shrsi %and3A_37, %shift_right_arithmetic3A_49 : i32
    %and3A_51 = arith.constant 1 : i32
    %and3A_52 = arith.andi %shift_right_arithmetic3A_50, %and3A_51 : i32
    %shift_left3A_53 = arith.constant 2 : i32
    %shift_left3A_54 = arith.shli %and3A_52, %shift_left3A_53 : i32
    %or3A_55 = arith.ori %or3A, %shift_left3A_54 : i32
    %and3A_56 = arith.constant 1 : i32
    %and3A_57 = arith.andi %and3A_37, %and3A_56 : i32
    %shift_left3A_58 = arith.constant 0 : i32
    %shift_left3A_59 = arith.shli %and3A_57, %shift_left3A_58 : i32
    %or3A_60 = arith.ori %or3A_55, %shift_left3A_59 : i32
    %add3A_61 = arith.constant 0 : i32
    %add3A_62 = arith.addi %or3A_60, %add3A_61 : i32
    %add3A_63 = arith.constant 2 : i32
    %add3A_64 = arith.addi %or3A_60, %add3A_63 : i32
    %add3A_65 = arith.constant 8 : i32
    %add3A_66 = arith.addi %or3A_60, %add3A_65 : i32
    %add3A_67 = arith.constant 10 : i32
    %add3A_68 = arith.addi %or3A_60, %add3A_67 : i32
    %add3A_69 = arith.constant 32 : i32
    %add3A_70 = arith.addi %or3A_60, %add3A_69 : i32
    %add3A_71 = arith.constant 34 : i32
    %add3A_72 = arith.addi %or3A_60, %add3A_71 : i32
    %add3A_73 = arith.constant 40 : i32
    %add3A_74 = arith.addi %or3A_60, %add3A_73 : i32
    %add3A_75 = arith.constant 42 : i32
    %add3A_76 = arith.addi %or3A_60, %add3A_75 : i32
    %dma_start3A = arith.constant 0 : i32
    %dma_start3A_77 = tpu.memref_slice %arg4[%dma_start3A] : memref<16384xf32, #tpu.memory_space<vmem>> -> memref<2048xf32, #tpu.memory_space<vmem>>
    %dma_start3A_78 = arith.constant 0 : i32
    %dma_start3A_79 = tpu.memref_slice %arg2[%shift_right_arithmetic3A_35, %add3A_62, %dma_start3A_78] : memref<96x128x2048xf32, #tpu.memory_space<hbm>> -> memref<1x1x2048xf32, #tpu.memory_space<hbm>>
    %dma_start3A_80 = tpu.memref_squeeze %dma_start3A_79 : memref<1x1x2048xf32, #tpu.memory_space<hbm>> -> memref<2048xf32, #tpu.memory_space<hbm>>
    %dma_start3A_81 = arith.constant 0 : i32
    %dma_start3A_82 = tpu.memref_slice %arg4[%dma_start3A_81] : memref<16384xf32, #tpu.memory_space<vmem>> -> memref<2048xf32, #tpu.memory_space<vmem>>
    %dma_start3A_83 = arith.constant 0 : i32
    %dma_start3A_84 = tpu.memref_slice %arg2[%shift_right_arithmetic3A_35, %add3A_62, %dma_start3A_83] : memref<96x128x2048xf32, #tpu.memory_space<hbm>> -> memref<1x1x2048xf32, #tpu.memory_space<hbm>>
    %dma_start3A_85 = tpu.memref_squeeze %dma_start3A_84 : memref<1x1x2048xf32, #tpu.memory_space<hbm>> -> memref<2048xf32, #tpu.memory_space<hbm>>
    tpu.enqueue_dma source(%dma_start3A_85 : memref<2048xf32, #tpu.memory_space<hbm>>) target(%dma_start3A_82 : memref<2048xf32, #tpu.memory_space<vmem>>) target_semaphore(%arg8 : memref<!tpu.dma_semaphore, #tpu.memory_space<semaphore_mem>>)
    %dma_start3A_86 = arith.constant 2048 : i32
    %dma_start3A_87 = tpu.memref_slice %arg4[%dma_start3A_86] : memref<16384xf32, #tpu.memory_space<vmem>> -> memref<2048xf32, #tpu.memory_space<vmem>>
    %dma_start3A_88 = arith.constant 0 : i32
    %dma_start3A_89 = tpu.memref_slice %arg2[%shift_right_arithmetic3A_35, %add3A_64, %dma_start3A_88] : memref<96x128x2048xf32, #tpu.memory_space<hbm>> -> memref<1x1x2048xf32, #tpu.memory_space<hbm>>
    %dma_start3A_90 = tpu.memref_squeeze %dma_start3A_89 : memref<1x1x2048xf32, #tpu.memory_space<hbm>> -> memref<2048xf32, #tpu.memory_space<hbm>>
    %dma_start3A_91 = arith.constant 2048 : i32
    %dma_start3A_92 = tpu.memref_slice %arg4[%dma_start3A_91] : memref<16384xf32, #tpu.memory_space<vmem>> -> memref<2048xf32, #tpu.memory_space<vmem>>
    %dma_start3A_93 = arith.constant 0 : i32
    %dma_start3A_94 = tpu.memref_slice %arg2[%shift_right_arithmetic3A_35, %add3A_64, %dma_start3A_93] : memref<96x128x2048xf32, #tpu.memory_space<hbm>> -> memref<1x1x2048xf32, #tpu.memory_space<hbm>>
    %dma_start3A_95 = tpu.memref_squeeze %dma_start3A_94 : memref<1x1x2048xf32, #tpu.memory_space<hbm>> -> memref<2048xf32, #tpu.memory_space<hbm>>
    tpu.enqueue_dma source(%dma_start3A_95 : memref<2048xf32, #tpu.memory_space<hbm>>) target(%dma_start3A_92 : memref<2048xf32, #tpu.memory_space<vmem>>) target_semaphore(%arg8 : memref<!tpu.dma_semaphore, #tpu.memory_space<semaphore_mem>>)
    %dma_start3A_96 = arith.constant 4096 : i32
    %dma_start3A_97 = tpu.memref_slice %arg4[%dma_start3A_96] : memref<16384xf32, #tpu.memory_space<vmem>> -> memref<2048xf32, #tpu.memory_space<vmem>>
    %dma_start3A_98 = arith.constant 0 : i32
    %dma_start3A_99 = tpu.memref_slice %arg2[%shift_right_arithmetic3A_35, %add3A_66, %dma_start3A_98] : memref<96x128x2048xf32, #tpu.memory_space<hbm>> -> memref<1x1x2048xf32, #tpu.memory_space<hbm>>
    %dma_start3A_100 = tpu.memref_squeeze %dma_start3A_99 : memref<1x1x2048xf32, #tpu.memory_space<hbm>> -> memref<2048xf32, #tpu.memory_space<hbm>>
    %dma_start3A_101 = arith.constant 4096 : i32
    %dma_start3A_102 = tpu.memref_slice %arg4[%dma_start3A_101] : memref<16384xf32, #tpu.memory_space<vmem>> -> memref<2048xf32, #tpu.memory_space<vmem>>
    %dma_start3A_103 = arith.constant 0 : i32
    %dma_start3A_104 = tpu.memref_slice %arg2[%shift_right_arithmetic3A_35, %add3A_66, %dma_start3A_103] : memref<96x128x2048xf32, #tpu.memory_space<hbm>> -> memref<1x1x2048xf32, #tpu.memory_space<hbm>>
    %dma_start3A_105 = tpu.memref_squeeze %dma_start3A_104 : memref<1x1x2048xf32, #tpu.memory_space<hbm>> -> memref<2048xf32, #tpu.memory_space<hbm>>
    tpu.enqueue_dma source(%dma_start3A_105 : memref<2048xf32, #tpu.memory_space<hbm>>) target(%dma_start3A_102 : memref<2048xf32, #tpu.memory_space<vmem>>) target_semaphore(%arg8 : memref<!tpu.dma_semaphore, #tpu.memory_space<semaphore_mem>>)
    %dma_start3A_106 = arith.constant 6144 : i32
    %dma_start3A_107 = tpu.memref_slice %arg4[%dma_start3A_106] : memref<16384xf32, #tpu.memory_space<vmem>> -> memref<2048xf32, #tpu.memory_space<vmem>>
    %dma_start3A_108 = arith.constant 0 : i32
    %dma_start3A_109 = tpu.memref_slice %arg2[%shift_right_arithmetic3A_35, %add3A_68, %dma_start3A_108] : memref<96x128x2048xf32, #tpu.memory_space<hbm>> -> memref<1x1x2048xf32, #tpu.memory_space<hbm>>
    %dma_start3A_110 = tpu.memref_squeeze %dma_start3A_109 : memref<1x1x2048xf32, #tpu.memory_space<hbm>> -> memref<2048xf32, #tpu.memory_space<hbm>>
    %dma_start3A_111 = arith.constant 6144 : i32
    %dma_start3A_112 = tpu.memref_slice %arg4[%dma_start3A_111] : memref<16384xf32, #tpu.memory_space<vmem>> -> memref<2048xf32, #tpu.memory_space<vmem>>
    %dma_start3A_113 = arith.constant 0 : i32
    %dma_start3A_114 = tpu.memref_slice %arg2[%shift_right_arithmetic3A_35, %add3A_68, %dma_start3A_113] : memref<96x128x2048xf32, #tpu.memory_space<hbm>> -> memref<1x1x2048xf32, #tpu.memory_space<hbm>>
    %dma_start3A_115 = tpu.memref_squeeze %dma_start3A_114 : memref<1x1x2048xf32, #tpu.memory_space<hbm>> -> memref<2048xf32, #tpu.memory_space<hbm>>
    tpu.enqueue_dma source(%dma_start3A_115 : memref<2048xf32, #tpu.memory_space<hbm>>) target(%dma_start3A_112 : memref<2048xf32, #tpu.memory_space<vmem>>) target_semaphore(%arg8 : memref<!tpu.dma_semaphore, #tpu.memory_space<semaphore_mem>>)
    %dma_start3A_116 = arith.constant 8192 : i32
    %dma_start3A_117 = tpu.memref_slice %arg4[%dma_start3A_116] : memref<16384xf32, #tpu.memory_space<vmem>> -> memref<2048xf32, #tpu.memory_space<vmem>>
    %dma_start3A_118 = arith.constant 0 : i32
    %dma_start3A_119 = tpu.memref_slice %arg2[%shift_right_arithmetic3A_35, %add3A_70, %dma_start3A_118] : memref<96x128x2048xf32, #tpu.memory_space<hbm>> -> memref<1x1x2048xf32, #tpu.memory_space<hbm>>
    %dma_start3A_120 = tpu.memref_squeeze %dma_start3A_119 : memref<1x1x2048xf32, #tpu.memory_space<hbm>> -> memref<2048xf32, #tpu.memory_space<hbm>>
    %dma_start3A_121 = arith.constant 8192 : i32
    %dma_start3A_122 = tpu.memref_slice %arg4[%dma_start3A_121] : memref<16384xf32, #tpu.memory_space<vmem>> -> memref<2048xf32, #tpu.memory_space<vmem>>
    %dma_start3A_123 = arith.constant 0 : i32
    %dma_start3A_124 = tpu.memref_slice %arg2[%shift_right_arithmetic3A_35, %add3A_70, %dma_start3A_123] : memref<96x128x2048xf32, #tpu.memory_space<hbm>> -> memref<1x1x2048xf32, #tpu.memory_space<hbm>>
    %dma_start3A_125 = tpu.memref_squeeze %dma_start3A_124 : memref<1x1x2048xf32, #tpu.memory_space<hbm>> -> memref<2048xf32, #tpu.memory_space<hbm>>
    tpu.enqueue_dma source(%dma_start3A_125 : memref<2048xf32, #tpu.memory_space<hbm>>) target(%dma_start3A_122 : memref<2048xf32, #tpu.memory_space<vmem>>) target_semaphore(%arg8 : memref<!tpu.dma_semaphore, #tpu.memory_space<semaphore_mem>>)
    %dma_start3A_126 = arith.constant 10240 : i32
    %dma_start3A_127 = tpu.memref_slice %arg4[%dma_start3A_126] : memref<16384xf32, #tpu.memory_space<vmem>> -> memref<2048xf32, #tpu.memory_space<vmem>>
    %dma_start3A_128 = arith.constant 0 : i32
    %dma_start3A_129 = tpu.memref_slice %arg2[%shift_right_arithmetic3A_35, %add3A_72, %dma_start3A_128] : memref<96x128x2048xf32, #tpu.memory_space<hbm>> -> memref<1x1x2048xf32, #tpu.memory_space<hbm>>
    %dma_start3A_130 = tpu.memref_squeeze %dma_start3A_129 : memref<1x1x2048xf32, #tpu.memory_space<hbm>> -> memref<2048xf32, #tpu.memory_space<hbm>>
    %dma_start3A_131 = arith.constant 10240 : i32
    %dma_start3A_132 = tpu.memref_slice %arg4[%dma_start3A_131] : memref<16384xf32, #tpu.memory_space<vmem>> -> memref<2048xf32, #tpu.memory_space<vmem>>
    %dma_start3A_133 = arith.constant 0 : i32
    %dma_start3A_134 = tpu.memref_slice %arg2[%shift_right_arithmetic3A_35, %add3A_72, %dma_start3A_133] : memref<96x128x2048xf32, #tpu.memory_space<hbm>> -> memref<1x1x2048xf32, #tpu.memory_space<hbm>>
    %dma_start3A_135 = tpu.memref_squeeze %dma_start3A_134 : memref<1x1x2048xf32, #tpu.memory_space<hbm>> -> memref<2048xf32, #tpu.memory_space<hbm>>
    tpu.enqueue_dma source(%dma_start3A_135 : memref<2048xf32, #tpu.memory_space<hbm>>) target(%dma_start3A_132 : memref<2048xf32, #tpu.memory_space<vmem>>) target_semaphore(%arg8 : memref<!tpu.dma_semaphore, #tpu.memory_space<semaphore_mem>>)
    %dma_start3A_136 = arith.constant 12288 : i32
    %dma_start3A_137 = tpu.memref_slice %arg4[%dma_start3A_136] : memref<16384xf32, #tpu.memory_space<vmem>> -> memref<2048xf32, #tpu.memory_space<vmem>>
    %dma_start3A_138 = arith.constant 0 : i32
    %dma_start3A_139 = tpu.memref_slice %arg2[%shift_right_arithmetic3A_35, %add3A_74, %dma_start3A_138] : memref<96x128x2048xf32, #tpu.memory_space<hbm>> -> memref<1x1x2048xf32, #tpu.memory_space<hbm>>
    %dma_start3A_140 = tpu.memref_squeeze %dma_start3A_139 : memref<1x1x2048xf32, #tpu.memory_space<hbm>> -> memref<2048xf32, #tpu.memory_space<hbm>>
    %dma_start3A_141 = arith.constant 12288 : i32
    %dma_start3A_142 = tpu.memref_slice %arg4[%dma_start3A_141] : memref<16384xf32, #tpu.memory_space<vmem>> -> memref<2048xf32, #tpu.memory_space<vmem>>
    %dma_start3A_143 = arith.constant 0 : i32
    %dma_start3A_144 = tpu.memref_slice %arg2[%shift_right_arithmetic3A_35, %add3A_74, %dma_start3A_143] : memref<96x128x2048xf32, #tpu.memory_space<hbm>> -> memref<1x1x2048xf32, #tpu.memory_space<hbm>>
    %dma_start3A_145 = tpu.memref_squeeze %dma_start3A_144 : memref<1x1x2048xf32, #tpu.memory_space<hbm>> -> memref<2048xf32, #tpu.memory_space<hbm>>
    tpu.enqueue_dma source(%dma_start3A_145 : memref<2048xf32, #tpu.memory_space<hbm>>) target(%dma_start3A_142 : memref<2048xf32, #tpu.memory_space<vmem>>) target_semaphore(%arg8 : memref<!tpu.dma_semaphore, #tpu.memory_space<semaphore_mem>>)
    %dma_start3A_146 = arith.constant 14336 : i32
    %dma_start3A_147 = tpu.memref_slice %arg4[%dma_start3A_146] : memref<16384xf32, #tpu.memory_space<vmem>> -> memref<2048xf32, #tpu.memory_space<vmem>>
    %dma_start3A_148 = arith.constant 0 : i32
    %dma_start3A_149 = tpu.memref_slice %arg2[%shift_right_arithmetic3A_35, %add3A_76, %dma_start3A_148] : memref<96x128x2048xf32, #tpu.memory_space<hbm>> -> memref<1x1x2048xf32, #tpu.memory_space<hbm>>
    %dma_start3A_150 = tpu.memref_squeeze %dma_start3A_149 : memref<1x1x2048xf32, #tpu.memory_space<hbm>> -> memref<2048xf32, #tpu.memory_space<hbm>>
    %dma_start3A_151 = arith.constant 14336 : i32
    %dma_start3A_152 = tpu.memref_slice %arg4[%dma_start3A_151] : memref<16384xf32, #tpu.memory_space<vmem>> -> memref<2048xf32, #tpu.memory_space<vmem>>
    %dma_start3A_153 = arith.constant 0 : i32
    %dma_start3A_154 = tpu.memref_slice %arg2[%shift_right_arithmetic3A_35, %add3A_76, %dma_start3A_153] : memref<96x128x2048xf32, #tpu.memory_space<hbm>> -> memref<1x1x2048xf32, #tpu.memory_space<hbm>>
    %dma_start3A_155 = tpu.memref_squeeze %dma_start3A_154 : memref<1x1x2048xf32, #tpu.memory_space<hbm>> -> memref<2048xf32, #tpu.memory_space<hbm>>
    tpu.enqueue_dma source(%dma_start3A_155 : memref<2048xf32, #tpu.memory_space<hbm>>) target(%dma_start3A_152 : memref<2048xf32, #tpu.memory_space<vmem>>) target_semaphore(%arg8 : memref<!tpu.dma_semaphore, #tpu.memory_space<semaphore_mem>>)
    %scan3A = arith.constant 0 : i32
    %scan3A_156 = arith.constant 0 : i32
    %scan3A_157 = arith.constant 24 : i32
    %scan3A_158 = arith.addi %scan3A_156, %scan3A_157 : i32
    %scan3A_159 = arith.constant 1 : i32
    scf.for %scan3A_188 = %scan3A_156 to %scan3A_158 step %scan3A_159  : i32 {
      %mul3A_189 = arith.constant 2 : i32
      %mul3A_190 = arith.muli %mul3A_189, %scan3A_188 : i32
      %add3A_191 = arith.constant 0 : i32
      %add3A_192 = arith.addi %mul3A_190, %add3A_191 : i32
      %mul3A_193 = arith.constant 32 : i32
      %mul3A_194 = arith.muli %add3A_192, %mul3A_193 : i32
      %add3A_195 = arith.addi %mul3A_194, %add3A : i32
      %shift_right_arithmetic3A_196 = arith.constant 4 : i32
      %shift_right_arithmetic3A_197 = arith.shrsi %add3A_195, %shift_right_arithmetic3A_196 : i32
      %and3A_198 = arith.constant 15 : i32
      %and3A_199 = arith.andi %add3A_195, %and3A_198 : i32
      %shift_right_arithmetic3A_200 = arith.constant 3 : i32
      %shift_right_arithmetic3A_201 = arith.shrsi %and3A_199, %shift_right_arithmetic3A_200 : i32
      %and3A_202 = arith.constant 1 : i32
      %and3A_203 = arith.andi %shift_right_arithmetic3A_201, %and3A_202 : i32
      %shift_left3A_204 = arith.constant 6 : i32
      %shift_left3A_205 = arith.shli %and3A_203, %shift_left3A_204 : i32
      %shift_right_arithmetic3A_206 = arith.constant 2 : i32
      %shift_right_arithmetic3A_207 = arith.shrsi %and3A_199, %shift_right_arithmetic3A_206 : i32
      %and3A_208 = arith.constant 1 : i32
      %and3A_209 = arith.andi %shift_right_arithmetic3A_207, %and3A_208 : i32
      %shift_left3A_210 = arith.constant 4 : i32
      %shift_left3A_211 = arith.shli %and3A_209, %shift_left3A_210 : i32
      %or3A_212 = arith.ori %shift_left3A_205, %shift_left3A_211 : i32
      %shift_right_arithmetic3A_213 = arith.constant 1 : i32
      %shift_right_arithmetic3A_214 = arith.shrsi %and3A_199, %shift_right_arithmetic3A_213 : i32
      %and3A_215 = arith.constant 1 : i32
      %and3A_216 = arith.andi %shift_right_arithmetic3A_214, %and3A_215 : i32
      %shift_left3A_217 = arith.constant 2 : i32
      %shift_left3A_218 = arith.shli %and3A_216, %shift_left3A_217 : i32
      %or3A_219 = arith.ori %or3A_212, %shift_left3A_218 : i32
      %and3A_220 = arith.constant 1 : i32
      %and3A_221 = arith.andi %and3A_199, %and3A_220 : i32
      %shift_left3A_222 = arith.constant 0 : i32
      %shift_left3A_223 = arith.shli %and3A_221, %shift_left3A_222 : i32
      %or3A_224 = arith.ori %or3A_219, %shift_left3A_223 : i32
      %add3A_225 = arith.constant 0 : i32
      %add3A_226 = arith.addi %or3A_224, %add3A_225 : i32
      %add3A_227 = arith.constant 2 : i32
      %add3A_228 = arith.addi %or3A_224, %add3A_227 : i32
      %add3A_229 = arith.constant 8 : i32
      %add3A_230 = arith.addi %or3A_224, %add3A_229 : i32
      %add3A_231 = arith.constant 10 : i32
      %add3A_232 = arith.addi %or3A_224, %add3A_231 : i32
      %add3A_233 = arith.constant 32 : i32
      %add3A_234 = arith.addi %or3A_224, %add3A_233 : i32
      %add3A_235 = arith.constant 34 : i32
      %add3A_236 = arith.addi %or3A_224, %add3A_235 : i32
      %add3A_237 = arith.constant 40 : i32
      %add3A_238 = arith.addi %or3A_224, %add3A_237 : i32
      %add3A_239 = arith.constant 42 : i32
      %add3A_240 = arith.addi %or3A_224, %add3A_239 : i32
      %dma_wait3A_241 = arith.constant 0 : i32
      %dma_wait3A_242 = tpu.memref_slice %arg4[%dma_wait3A_241] : memref<16384xf32, #tpu.memory_space<vmem>> -> memref<2048xf32, #tpu.memory_space<vmem>>
      %dma_wait3A_243 = arith.constant 0 : i32
      %dma_wait3A_244 = tpu.memref_slice %arg2[%shift_right_arithmetic3A_197, %add3A_226, %dma_wait3A_243] : memref<96x128x2048xf32, #tpu.memory_space<hbm>> -> memref<1x1x2048xf32, #tpu.memory_space<hbm>>
      %dma_wait3A_245 = tpu.memref_squeeze %dma_wait3A_244 : memref<1x1x2048xf32, #tpu.memory_space<hbm>> -> memref<2048xf32, #tpu.memory_space<hbm>>
      %dma_wait3A_246 = arith.constant 0 : i32
      %dma_wait3A_247 = tpu.memref_slice %arg4[%dma_wait3A_246] : memref<16384xf32, #tpu.memory_space<vmem>> -> memref<2048xf32, #tpu.memory_space<vmem>>
      %dma_wait3A_248 = arith.constant 0 : i32
      %dma_wait3A_249 = tpu.memref_slice %arg2[%shift_right_arithmetic3A_197, %add3A_226, %dma_wait3A_248] : memref<96x128x2048xf32, #tpu.memory_space<hbm>> -> memref<1x1x2048xf32, #tpu.memory_space<hbm>>
      %dma_wait3A_250 = tpu.memref_squeeze %dma_wait3A_249 : memref<1x1x2048xf32, #tpu.memory_space<hbm>> -> memref<2048xf32, #tpu.memory_space<hbm>>
      tpu.wait_dma2 semaphore(%arg8 : memref<!tpu.dma_semaphore, #tpu.memory_space<semaphore_mem>>) src(%dma_wait3A_250 : memref<2048xf32, #tpu.memory_space<hbm>>) dst(%dma_wait3A_247 : memref<2048xf32, #tpu.memory_space<vmem>>)
      %dma_wait3A_251 = arith.constant 2048 : i32
      %dma_wait3A_252 = tpu.memref_slice %arg4[%dma_wait3A_251] : memref<16384xf32, #tpu.memory_space<vmem>> -> memref<2048xf32, #tpu.memory_space<vmem>>
      %dma_wait3A_253 = arith.constant 0 : i32
      %dma_wait3A_254 = tpu.memref_slice %arg2[%shift_right_arithmetic3A_197, %add3A_228, %dma_wait3A_253] : memref<96x128x2048xf32, #tpu.memory_space<hbm>> -> memref<1x1x2048xf32, #tpu.memory_space<hbm>>
      %dma_wait3A_255 = tpu.memref_squeeze %dma_wait3A_254 : memref<1x1x2048xf32, #tpu.memory_space<hbm>> -> memref<2048xf32, #tpu.memory_space<hbm>>
      %dma_wait3A_256 = arith.constant 2048 : i32
      %dma_wait3A_257 = tpu.memref_slice %arg4[%dma_wait3A_256] : memref<16384xf32, #tpu.memory_space<vmem>> -> memref<2048xf32, #tpu.memory_space<vmem>>
      %dma_wait3A_258 = arith.constant 0 : i32
      %dma_wait3A_259 = tpu.memref_slice %arg2[%shift_right_arithmetic3A_197, %add3A_228, %dma_wait3A_258] : memref<96x128x2048xf32, #tpu.memory_space<hbm>> -> memref<1x1x2048xf32, #tpu.memory_space<hbm>>
      %dma_wait3A_260 = tpu.memref_squeeze %dma_wait3A_259 : memref<1x1x2048xf32, #tpu.memory_space<hbm>> -> memref<2048xf32, #tpu.memory_space<hbm>>
      tpu.wait_dma2 semaphore(%arg8 : memref<!tpu.dma_semaphore, #tpu.memory_space<semaphore_mem>>) src(%dma_wait3A_260 : memref<2048xf32, #tpu.memory_space<hbm>>) dst(%dma_wait3A_257 : memref<2048xf32, #tpu.memory_space<vmem>>)
      %dma_wait3A_261 = arith.constant 4096 : i32
      %dma_wait3A_262 = tpu.memref_slice %arg4[%dma_wait3A_261] : memref<16384xf32, #tpu.memory_space<vmem>> -> memref<2048xf32, #tpu.memory_space<vmem>>
      %dma_wait3A_263 = arith.constant 0 : i32
      %dma_wait3A_264 = tpu.memref_slice %arg2[%shift_right_arithmetic3A_197, %add3A_230, %dma_wait3A_263] : memref<96x128x2048xf32, #tpu.memory_space<hbm>> -> memref<1x1x2048xf32, #tpu.memory_space<hbm>>
      %dma_wait3A_265 = tpu.memref_squeeze %dma_wait3A_264 : memref<1x1x2048xf32, #tpu.memory_space<hbm>> -> memref<2048xf32, #tpu.memory_space<hbm>>
      %dma_wait3A_266 = arith.constant 4096 : i32
      %dma_wait3A_267 = tpu.memref_slice %arg4[%dma_wait3A_266] : memref<16384xf32, #tpu.memory_space<vmem>> -> memref<2048xf32, #tpu.memory_space<vmem>>
      %dma_wait3A_268 = arith.constant 0 : i32
      %dma_wait3A_269 = tpu.memref_slice %arg2[%shift_right_arithmetic3A_197, %add3A_230, %dma_wait3A_268] : memref<96x128x2048xf32, #tpu.memory_space<hbm>> -> memref<1x1x2048xf32, #tpu.memory_space<hbm>>
      %dma_wait3A_270 = tpu.memref_squeeze %dma_wait3A_269 : memref<1x1x2048xf32, #tpu.memory_space<hbm>> -> memref<2048xf32, #tpu.memory_space<hbm>>
      tpu.wait_dma2 semaphore(%arg8 : memref<!tpu.dma_semaphore, #tpu.memory_space<semaphore_mem>>) src(%dma_wait3A_270 : memref<2048xf32, #tpu.memory_space<hbm>>) dst(%dma_wait3A_267 : memref<2048xf32, #tpu.memory_space<vmem>>)
      %dma_wait3A_271 = arith.constant 6144 : i32
      %dma_wait3A_272 = tpu.memref_slice %arg4[%dma_wait3A_271] : memref<16384xf32, #tpu.memory_space<vmem>> -> memref<2048xf32, #tpu.memory_space<vmem>>
      %dma_wait3A_273 = arith.constant 0 : i32
      %dma_wait3A_274 = tpu.memref_slice %arg2[%shift_right_arithmetic3A_197, %add3A_232, %dma_wait3A_273] : memref<96x128x2048xf32, #tpu.memory_space<hbm>> -> memref<1x1x2048xf32, #tpu.memory_space<hbm>>
      %dma_wait3A_275 = tpu.memref_squeeze %dma_wait3A_274 : memref<1x1x2048xf32, #tpu.memory_space<hbm>> -> memref<2048xf32, #tpu.memory_space<hbm>>
      %dma_wait3A_276 = arith.constant 6144 : i32
      %dma_wait3A_277 = tpu.memref_slice %arg4[%dma_wait3A_276] : memref<16384xf32, #tpu.memory_space<vmem>> -> memref<2048xf32, #tpu.memory_space<vmem>>
      %dma_wait3A_278 = arith.constant 0 : i32
      %dma_wait3A_279 = tpu.memref_slice %arg2[%shift_right_arithmetic3A_197, %add3A_232, %dma_wait3A_278] : memref<96x128x2048xf32, #tpu.memory_space<hbm>> -> memref<1x1x2048xf32, #tpu.memory_space<hbm>>
      %dma_wait3A_280 = tpu.memref_squeeze %dma_wait3A_279 : memref<1x1x2048xf32, #tpu.memory_space<hbm>> -> memref<2048xf32, #tpu.memory_space<hbm>>
      tpu.wait_dma2 semaphore(%arg8 : memref<!tpu.dma_semaphore, #tpu.memory_space<semaphore_mem>>) src(%dma_wait3A_280 : memref<2048xf32, #tpu.memory_space<hbm>>) dst(%dma_wait3A_277 : memref<2048xf32, #tpu.memory_space<vmem>>)
      %dma_wait3A_281 = arith.constant 8192 : i32
      %dma_wait3A_282 = tpu.memref_slice %arg4[%dma_wait3A_281] : memref<16384xf32, #tpu.memory_space<vmem>> -> memref<2048xf32, #tpu.memory_space<vmem>>
      %dma_wait3A_283 = arith.constant 0 : i32
      %dma_wait3A_284 = tpu.memref_slice %arg2[%shift_right_arithmetic3A_197, %add3A_234, %dma_wait3A_283] : memref<96x128x2048xf32, #tpu.memory_space<hbm>> -> memref<1x1x2048xf32, #tpu.memory_space<hbm>>
      %dma_wait3A_285 = tpu.memref_squeeze %dma_wait3A_284 : memref<1x1x2048xf32, #tpu.memory_space<hbm>> -> memref<2048xf32, #tpu.memory_space<hbm>>
      %dma_wait3A_286 = arith.constant 8192 : i32
      %dma_wait3A_287 = tpu.memref_slice %arg4[%dma_wait3A_286] : memref<16384xf32, #tpu.memory_space<vmem>> -> memref<2048xf32, #tpu.memory_space<vmem>>
      %dma_wait3A_288 = arith.constant 0 : i32
      %dma_wait3A_289 = tpu.memref_slice %arg2[%shift_right_arithmetic3A_197, %add3A_234, %dma_wait3A_288] : memref<96x128x2048xf32, #tpu.memory_space<hbm>> -> memref<1x1x2048xf32, #tpu.memory_space<hbm>>
      %dma_wait3A_290 = tpu.memref_squeeze %dma_wait3A_289 : memref<1x1x2048xf32, #tpu.memory_space<hbm>> -> memref<2048xf32, #tpu.memory_space<hbm>>
      tpu.wait_dma2 semaphore(%arg8 : memref<!tpu.dma_semaphore, #tpu.memory_space<semaphore_mem>>) src(%dma_wait3A_290 : memref<2048xf32, #tpu.memory_space<hbm>>) dst(%dma_wait3A_287 : memref<2048xf32, #tpu.memory_space<vmem>>)
      %dma_wait3A_291 = arith.constant 10240 : i32
      %dma_wait3A_292 = tpu.memref_slice %arg4[%dma_wait3A_291] : memref<16384xf32, #tpu.memory_space<vmem>> -> memref<2048xf32, #tpu.memory_space<vmem>>
      %dma_wait3A_293 = arith.constant 0 : i32
      %dma_wait3A_294 = tpu.memref_slice %arg2[%shift_right_arithmetic3A_197, %add3A_236, %dma_wait3A_293] : memref<96x128x2048xf32, #tpu.memory_space<hbm>> -> memref<1x1x2048xf32, #tpu.memory_space<hbm>>
      %dma_wait3A_295 = tpu.memref_squeeze %dma_wait3A_294 : memref<1x1x2048xf32, #tpu.memory_space<hbm>> -> memref<2048xf32, #tpu.memory_space<hbm>>
      %dma_wait3A_296 = arith.constant 10240 : i32
      %dma_wait3A_297 = tpu.memref_slice %arg4[%dma_wait3A_296] : memref<16384xf32, #tpu.memory_space<vmem>> -> memref<2048xf32, #tpu.memory_space<vmem>>
      %dma_wait3A_298 = arith.constant 0 : i32
      %dma_wait3A_299 = tpu.memref_slice %arg2[%shift_right_arithmetic3A_197, %add3A_236, %dma_wait3A_298] : memref<96x128x2048xf32, #tpu.memory_space<hbm>> -> memref<1x1x2048xf32, #tpu.memory_space<hbm>>
      %dma_wait3A_300 = tpu.memref_squeeze %dma_wait3A_299 : memref<1x1x2048xf32, #tpu.memory_space<hbm>> -> memref<2048xf32, #tpu.memory_space<hbm>>
      tpu.wait_dma2 semaphore(%arg8 : memref<!tpu.dma_semaphore, #tpu.memory_space<semaphore_mem>>) src(%dma_wait3A_300 : memref<2048xf32, #tpu.memory_space<hbm>>) dst(%dma_wait3A_297 : memref<2048xf32, #tpu.memory_space<vmem>>)
      %dma_wait3A_301 = arith.constant 12288 : i32
      %dma_wait3A_302 = tpu.memref_slice %arg4[%dma_wait3A_301] : memref<16384xf32, #tpu.memory_space<vmem>> -> memref<2048xf32, #tpu.memory_space<vmem>>
      %dma_wait3A_303 = arith.constant 0 : i32
      %dma_wait3A_304 = tpu.memref_slice %arg2[%shift_right_arithmetic3A_197, %add3A_238, %dma_wait3A_303] : memref<96x128x2048xf32, #tpu.memory_space<hbm>> -> memref<1x1x2048xf32, #tpu.memory_space<hbm>>
      %dma_wait3A_305 = tpu.memref_squeeze %dma_wait3A_304 : memref<1x1x2048xf32, #tpu.memory_space<hbm>> -> memref<2048xf32, #tpu.memory_space<hbm>>
      %dma_wait3A_306 = arith.constant 12288 : i32
      %dma_wait3A_307 = tpu.memref_slice %arg4[%dma_wait3A_306] : memref<16384xf32, #tpu.memory_space<vmem>> -> memref<2048xf32, #tpu.memory_space<vmem>>
      %dma_wait3A_308 = arith.constant 0 : i32
      %dma_wait3A_309 = tpu.memref_slice %arg2[%shift_right_arithmetic3A_197, %add3A_238, %dma_wait3A_308] : memref<96x128x2048xf32, #tpu.memory_space<hbm>> -> memref<1x1x2048xf32, #tpu.memory_space<hbm>>
      %dma_wait3A_310 = tpu.memref_squeeze %dma_wait3A_309 : memref<1x1x2048xf32, #tpu.memory_space<hbm>> -> memref<2048xf32, #tpu.memory_space<hbm>>
      tpu.wait_dma2 semaphore(%arg8 : memref<!tpu.dma_semaphore, #tpu.memory_space<semaphore_mem>>) src(%dma_wait3A_310 : memref<2048xf32, #tpu.memory_space<hbm>>) dst(%dma_wait3A_307 : memref<2048xf32, #tpu.memory_space<vmem>>)
      %dma_wait3A_311 = arith.constant 14336 : i32
      %dma_wait3A_312 = tpu.memref_slice %arg4[%dma_wait3A_311] : memref<16384xf32, #tpu.memory_space<vmem>> -> memref<2048xf32, #tpu.memory_space<vmem>>
      %dma_wait3A_313 = arith.constant 0 : i32
      %dma_wait3A_314 = tpu.memref_slice %arg2[%shift_right_arithmetic3A_197, %add3A_240, %dma_wait3A_313] : memref<96x128x2048xf32, #tpu.memory_space<hbm>> -> memref<1x1x2048xf32, #tpu.memory_space<hbm>>
      %dma_wait3A_315 = tpu.memref_squeeze %dma_wait3A_314 : memref<1x1x2048xf32, #tpu.memory_space<hbm>> -> memref<2048xf32, #tpu.memory_space<hbm>>
      %dma_wait3A_316 = arith.constant 14336 : i32
      %dma_wait3A_317 = tpu.memref_slice %arg4[%dma_wait3A_316] : memref<16384xf32, #tpu.memory_space<vmem>> -> memref<2048xf32, #tpu.memory_space<vmem>>
      %dma_wait3A_318 = arith.constant 0 : i32
      %dma_wait3A_319 = tpu.memref_slice %arg2[%shift_right_arithmetic3A_197, %add3A_240, %dma_wait3A_318] : memref<96x128x2048xf32, #tpu.memory_space<hbm>> -> memref<1x1x2048xf32, #tpu.memory_space<hbm>>
      %dma_wait3A_320 = tpu.memref_squeeze %dma_wait3A_319 : memref<1x1x2048xf32, #tpu.memory_space<hbm>> -> memref<2048xf32, #tpu.memory_space<hbm>>
      tpu.wait_dma2 semaphore(%arg8 : memref<!tpu.dma_semaphore, #tpu.memory_space<semaphore_mem>>) src(%dma_wait3A_320 : memref<2048xf32, #tpu.memory_space<hbm>>) dst(%dma_wait3A_317 : memref<2048xf32, #tpu.memory_space<vmem>>)
      %lt3A = arith.constant 47 : i32
      %lt3A_321 = arith.cmpi slt, %add3A_192, %lt3A : i32
      %convert_element_type3A = arith.extui %lt3A_321 : i1 to i32
      %cond3A = arith.constant 0 : i32
      %cond3A_322 = arith.cmpi ne, %convert_element_type3A, %cond3A : i32
      scf.if %cond3A_322 {
        %add3A_511 = arith.constant 1 : i32
        %add3A_512 = arith.addi %add3A_192, %add3A_511 : i32
        %mul3A_513 = arith.constant 32 : i32
        %mul3A_514 = arith.muli %add3A_512, %mul3A_513 : i32
        %add3A_515 = arith.addi %mul3A_514, %add3A : i32
        %shift_right_arithmetic3A_516 = arith.constant 4 : i32
        %shift_right_arithmetic3A_517 = arith.shrsi %add3A_515, %shift_right_arithmetic3A_516 : i32
        %and3A_518 = arith.constant 15 : i32
        %and3A_519 = arith.andi %add3A_515, %and3A_518 : i32
        %shift_right_arithmetic3A_520 = arith.constant 3 : i32
        %shift_right_arithmetic3A_521 = arith.shrsi %and3A_519, %shift_right_arithmetic3A_520 : i32
        %and3A_522 = arith.constant 1 : i32
        %and3A_523 = arith.andi %shift_right_arithmetic3A_521, %and3A_522 : i32
        %shift_left3A_524 = arith.constant 6 : i32
        %shift_left3A_525 = arith.shli %and3A_523, %shift_left3A_524 : i32
        %shift_right_arithmetic3A_526 = arith.constant 2 : i32
        %shift_right_arithmetic3A_527 = arith.shrsi %and3A_519, %shift_right_arithmetic3A_526 : i32
        %and3A_528 = arith.constant 1 : i32
        %and3A_529 = arith.andi %shift_right_arithmetic3A_527, %and3A_528 : i32
        %shift_left3A_530 = arith.constant 4 : i32
        %shift_left3A_531 = arith.shli %and3A_529, %shift_left3A_530 : i32
        %or3A_532 = arith.ori %shift_left3A_525, %shift_left3A_531 : i32
        %shift_right_arithmetic3A_533 = arith.constant 1 : i32
        %shift_right_arithmetic3A_534 = arith.shrsi %and3A_519, %shift_right_arithmetic3A_533 : i32
        %and3A_535 = arith.constant 1 : i32
        %and3A_536 = arith.andi %shift_right_arithmetic3A_534, %and3A_535 : i32
        %shift_left3A_537 = arith.constant 2 : i32
        %shift_left3A_538 = arith.shli %and3A_536, %shift_left3A_537 : i32
        %or3A_539 = arith.ori %or3A_532, %shift_left3A_538 : i32
        %and3A_540 = arith.constant 1 : i32
        %and3A_541 = arith.andi %and3A_519, %and3A_540 : i32
        %shift_left3A_542 = arith.constant 0 : i32
        %shift_left3A_543 = arith.shli %and3A_541, %shift_left3A_542 : i32
        %or3A_544 = arith.ori %or3A_539, %shift_left3A_543 : i32
        %add3A_545 = arith.constant 0 : i32
        %add3A_546 = arith.addi %or3A_544, %add3A_545 : i32
        %add3A_547 = arith.constant 2 : i32
        %add3A_548 = arith.addi %or3A_544, %add3A_547 : i32
        %add3A_549 = arith.constant 8 : i32
        %add3A_550 = arith.addi %or3A_544, %add3A_549 : i32
        %add3A_551 = arith.constant 10 : i32
        %add3A_552 = arith.addi %or3A_544, %add3A_551 : i32
        %add3A_553 = arith.constant 32 : i32
        %add3A_554 = arith.addi %or3A_544, %add3A_553 : i32
        %add3A_555 = arith.constant 34 : i32
        %add3A_556 = arith.addi %or3A_544, %add3A_555 : i32
        %add3A_557 = arith.constant 40 : i32
        %add3A_558 = arith.addi %or3A_544, %add3A_557 : i32
        %add3A_559 = arith.constant 42 : i32
        %add3A_560 = arith.addi %or3A_544, %add3A_559 : i32
        %dma_start3A_561 = arith.constant 0 : i32
        %dma_start3A_562 = tpu.memref_slice %arg5[%dma_start3A_561] : memref<16384xf32, #tpu.memory_space<vmem>> -> memref<2048xf32, #tpu.memory_space<vmem>>
        %dma_start3A_563 = arith.constant 0 : i32
        %dma_start3A_564 = tpu.memref_slice %arg2[%shift_right_arithmetic3A_517, %add3A_546, %dma_start3A_563] : memref<96x128x2048xf32, #tpu.memory_space<hbm>> -> memref<1x1x2048xf32, #tpu.memory_space<hbm>>
        %dma_start3A_565 = tpu.memref_squeeze %dma_start3A_564 : memref<1x1x2048xf32, #tpu.memory_space<hbm>> -> memref<2048xf32, #tpu.memory_space<hbm>>
        %dma_start3A_566 = arith.constant 0 : i32
        %dma_start3A_567 = tpu.memref_slice %arg5[%dma_start3A_566] : memref<16384xf32, #tpu.memory_space<vmem>> -> memref<2048xf32, #tpu.memory_space<vmem>>
        %dma_start3A_568 = arith.constant 0 : i32
        %dma_start3A_569 = tpu.memref_slice %arg2[%shift_right_arithmetic3A_517, %add3A_546, %dma_start3A_568] : memref<96x128x2048xf32, #tpu.memory_space<hbm>> -> memref<1x1x2048xf32, #tpu.memory_space<hbm>>
        %dma_start3A_570 = tpu.memref_squeeze %dma_start3A_569 : memref<1x1x2048xf32, #tpu.memory_space<hbm>> -> memref<2048xf32, #tpu.memory_space<hbm>>
        tpu.enqueue_dma source(%dma_start3A_570 : memref<2048xf32, #tpu.memory_space<hbm>>) target(%dma_start3A_567 : memref<2048xf32, #tpu.memory_space<vmem>>) target_semaphore(%arg9 : memref<!tpu.dma_semaphore, #tpu.memory_space<semaphore_mem>>)
        %dma_start3A_571 = arith.constant 2048 : i32
        %dma_start3A_572 = tpu.memref_slice %arg5[%dma_start3A_571] : memref<16384xf32, #tpu.memory_space<vmem>> -> memref<2048xf32, #tpu.memory_space<vmem>>
        %dma_start3A_573 = arith.constant 0 : i32
        %dma_start3A_574 = tpu.memref_slice %arg2[%shift_right_arithmetic3A_517, %add3A_548, %dma_start3A_573] : memref<96x128x2048xf32, #tpu.memory_space<hbm>> -> memref<1x1x2048xf32, #tpu.memory_space<hbm>>
        %dma_start3A_575 = tpu.memref_squeeze %dma_start3A_574 : memref<1x1x2048xf32, #tpu.memory_space<hbm>> -> memref<2048xf32, #tpu.memory_space<hbm>>
        %dma_start3A_576 = arith.constant 2048 : i32
        %dma_start3A_577 = tpu.memref_slice %arg5[%dma_start3A_576] : memref<16384xf32, #tpu.memory_space<vmem>> -> memref<2048xf32, #tpu.memory_space<vmem>>
        %dma_start3A_578 = arith.constant 0 : i32
        %dma_start3A_579 = tpu.memref_slice %arg2[%shift_right_arithmetic3A_517, %add3A_548, %dma_start3A_578] : memref<96x128x2048xf32, #tpu.memory_space<hbm>> -> memref<1x1x2048xf32, #tpu.memory_space<hbm>>
        %dma_start3A_580 = tpu.memref_squeeze %dma_start3A_579 : memref<1x1x2048xf32, #tpu.memory_space<hbm>> -> memref<2048xf32, #tpu.memory_space<hbm>>
        tpu.enqueue_dma source(%dma_start3A_580 : memref<2048xf32, #tpu.memory_space<hbm>>) target(%dma_start3A_577 : memref<2048xf32, #tpu.memory_space<vmem>>) target_semaphore(%arg9 : memref<!tpu.dma_semaphore, #tpu.memory_space<semaphore_mem>>)
        %dma_start3A_581 = arith.constant 4096 : i32
        %dma_start3A_582 = tpu.memref_slice %arg5[%dma_start3A_581] : memref<16384xf32, #tpu.memory_space<vmem>> -> memref<2048xf32, #tpu.memory_space<vmem>>
        %dma_start3A_583 = arith.constant 0 : i32
        %dma_start3A_584 = tpu.memref_slice %arg2[%shift_right_arithmetic3A_517, %add3A_550, %dma_start3A_583] : memref<96x128x2048xf32, #tpu.memory_space<hbm>> -> memref<1x1x2048xf32, #tpu.memory_space<hbm>>
        %dma_start3A_585 = tpu.memref_squeeze %dma_start3A_584 : memref<1x1x2048xf32, #tpu.memory_space<hbm>> -> memref<2048xf32, #tpu.memory_space<hbm>>
        %dma_start3A_586 = arith.constant 4096 : i32
        %dma_start3A_587 = tpu.memref_slice %arg5[%dma_start3A_586] : memref<16384xf32, #tpu.memory_space<vmem>> -> memref<2048xf32, #tpu.memory_space<vmem>>
        %dma_start3A_588 = arith.constant 0 : i32
        %dma_start3A_589 = tpu.memref_slice %arg2[%shift_right_arithmetic3A_517, %add3A_550, %dma_start3A_588] : memref<96x128x2048xf32, #tpu.memory_space<hbm>> -> memref<1x1x2048xf32, #tpu.memory_space<hbm>>
        %dma_start3A_590 = tpu.memref_squeeze %dma_start3A_589 : memref<1x1x2048xf32, #tpu.memory_space<hbm>> -> memref<2048xf32, #tpu.memory_space<hbm>>
        tpu.enqueue_dma source(%dma_start3A_590 : memref<2048xf32, #tpu.memory_space<hbm>>) target(%dma_start3A_587 : memref<2048xf32, #tpu.memory_space<vmem>>) target_semaphore(%arg9 : memref<!tpu.dma_semaphore, #tpu.memory_space<semaphore_mem>>)
        %dma_start3A_591 = arith.constant 6144 : i32
        %dma_start3A_592 = tpu.memref_slice %arg5[%dma_start3A_591] : memref<16384xf32, #tpu.memory_space<vmem>> -> memref<2048xf32, #tpu.memory_space<vmem>>
        %dma_start3A_593 = arith.constant 0 : i32
        %dma_start3A_594 = tpu.memref_slice %arg2[%shift_right_arithmetic3A_517, %add3A_552, %dma_start3A_593] : memref<96x128x2048xf32, #tpu.memory_space<hbm>> -> memref<1x1x2048xf32, #tpu.memory_space<hbm>>
        %dma_start3A_595 = tpu.memref_squeeze %dma_start3A_594 : memref<1x1x2048xf32, #tpu.memory_space<hbm>> -> memref<2048xf32, #tpu.memory_space<hbm>>
        %dma_start3A_596 = arith.constant 6144 : i32
        %dma_start3A_597 = tpu.memref_slice %arg5[%dma_start3A_596] : memref<16384xf32, #tpu.memory_space<vmem>> -> memref<2048xf32, #tpu.memory_space<vmem>>
        %dma_start3A_598 = arith.constant 0 : i32
        %dma_start3A_599 = tpu.memref_slice %arg2[%shift_right_arithmetic3A_517, %add3A_552, %dma_start3A_598] : memref<96x128x2048xf32, #tpu.memory_space<hbm>> -> memref<1x1x2048xf32, #tpu.memory_space<hbm>>
        %dma_start3A_600 = tpu.memref_squeeze %dma_start3A_599 : memref<1x1x2048xf32, #tpu.memory_space<hbm>> -> memref<2048xf32, #tpu.memory_space<hbm>>
        tpu.enqueue_dma source(%dma_start3A_600 : memref<2048xf32, #tpu.memory_space<hbm>>) target(%dma_start3A_597 : memref<2048xf32, #tpu.memory_space<vmem>>) target_semaphore(%arg9 : memref<!tpu.dma_semaphore, #tpu.memory_space<semaphore_mem>>)
        %dma_start3A_601 = arith.constant 8192 : i32
        %dma_start3A_602 = tpu.memref_slice %arg5[%dma_start3A_601] : memref<16384xf32, #tpu.memory_space<vmem>> -> memref<2048xf32, #tpu.memory_space<vmem>>
        %dma_start3A_603 = arith.constant 0 : i32
        %dma_start3A_604 = tpu.memref_slice %arg2[%shift_right_arithmetic3A_517, %add3A_554, %dma_start3A_603] : memref<96x128x2048xf32, #tpu.memory_space<hbm>> -> memref<1x1x2048xf32, #tpu.memory_space<hbm>>
        %dma_start3A_605 = tpu.memref_squeeze %dma_start3A_604 : memref<1x1x2048xf32, #tpu.memory_space<hbm>> -> memref<2048xf32, #tpu.memory_space<hbm>>
        %dma_start3A_606 = arith.constant 8192 : i32
        %dma_start3A_607 = tpu.memref_slice %arg5[%dma_start3A_606] : memref<16384xf32, #tpu.memory_space<vmem>> -> memref<2048xf32, #tpu.memory_space<vmem>>
        %dma_start3A_608 = arith.constant 0 : i32
        %dma_start3A_609 = tpu.memref_slice %arg2[%shift_right_arithmetic3A_517, %add3A_554, %dma_start3A_608] : memref<96x128x2048xf32, #tpu.memory_space<hbm>> -> memref<1x1x2048xf32, #tpu.memory_space<hbm>>
        %dma_start3A_610 = tpu.memref_squeeze %dma_start3A_609 : memref<1x1x2048xf32, #tpu.memory_space<hbm>> -> memref<2048xf32, #tpu.memory_space<hbm>>
        tpu.enqueue_dma source(%dma_start3A_610 : memref<2048xf32, #tpu.memory_space<hbm>>) target(%dma_start3A_607 : memref<2048xf32, #tpu.memory_space<vmem>>) target_semaphore(%arg9 : memref<!tpu.dma_semaphore, #tpu.memory_space<semaphore_mem>>)
        %dma_start3A_611 = arith.constant 10240 : i32
        %dma_start3A_612 = tpu.memref_slice %arg5[%dma_start3A_611] : memref<16384xf32, #tpu.memory_space<vmem>> -> memref<2048xf32, #tpu.memory_space<vmem>>
        %dma_start3A_613 = arith.constant 0 : i32
        %dma_start3A_614 = tpu.memref_slice %arg2[%shift_right_arithmetic3A_517, %add3A_556, %dma_start3A_613] : memref<96x128x2048xf32, #tpu.memory_space<hbm>> -> memref<1x1x2048xf32, #tpu.memory_space<hbm>>
        %dma_start3A_615 = tpu.memref_squeeze %dma_start3A_614 : memref<1x1x2048xf32, #tpu.memory_space<hbm>> -> memref<2048xf32, #tpu.memory_space<hbm>>
        %dma_start3A_616 = arith.constant 10240 : i32
        %dma_start3A_617 = tpu.memref_slice %arg5[%dma_start3A_616] : memref<16384xf32, #tpu.memory_space<vmem>> -> memref<2048xf32, #tpu.memory_space<vmem>>
        %dma_start3A_618 = arith.constant 0 : i32
        %dma_start3A_619 = tpu.memref_slice %arg2[%shift_right_arithmetic3A_517, %add3A_556, %dma_start3A_618] : memref<96x128x2048xf32, #tpu.memory_space<hbm>> -> memref<1x1x2048xf32, #tpu.memory_space<hbm>>
        %dma_start3A_620 = tpu.memref_squeeze %dma_start3A_619 : memref<1x1x2048xf32, #tpu.memory_space<hbm>> -> memref<2048xf32, #tpu.memory_space<hbm>>
        tpu.enqueue_dma source(%dma_start3A_620 : memref<2048xf32, #tpu.memory_space<hbm>>) target(%dma_start3A_617 : memref<2048xf32, #tpu.memory_space<vmem>>) target_semaphore(%arg9 : memref<!tpu.dma_semaphore, #tpu.memory_space<semaphore_mem>>)
        %dma_start3A_621 = arith.constant 12288 : i32
        %dma_start3A_622 = tpu.memref_slice %arg5[%dma_start3A_621] : memref<16384xf32, #tpu.memory_space<vmem>> -> memref<2048xf32, #tpu.memory_space<vmem>>
        %dma_start3A_623 = arith.constant 0 : i32
        %dma_start3A_624 = tpu.memref_slice %arg2[%shift_right_arithmetic3A_517, %add3A_558, %dma_start3A_623] : memref<96x128x2048xf32, #tpu.memory_space<hbm>> -> memref<1x1x2048xf32, #tpu.memory_space<hbm>>
        %dma_start3A_625 = tpu.memref_squeeze %dma_start3A_624 : memref<1x1x2048xf32, #tpu.memory_space<hbm>> -> memref<2048xf32, #tpu.memory_space<hbm>>
        %dma_start3A_626 = arith.constant 12288 : i32
        %dma_start3A_627 = tpu.memref_slice %arg5[%dma_start3A_626] : memref<16384xf32, #tpu.memory_space<vmem>> -> memref<2048xf32, #tpu.memory_space<vmem>>
        %dma_start3A_628 = arith.constant 0 : i32
        %dma_start3A_629 = tpu.memref_slice %arg2[%shift_right_arithmetic3A_517, %add3A_558, %dma_start3A_628] : memref<96x128x2048xf32, #tpu.memory_space<hbm>> -> memref<1x1x2048xf32, #tpu.memory_space<hbm>>
        %dma_start3A_630 = tpu.memref_squeeze %dma_start3A_629 : memref<1x1x2048xf32, #tpu.memory_space<hbm>> -> memref<2048xf32, #tpu.memory_space<hbm>>
        tpu.enqueue_dma source(%dma_start3A_630 : memref<2048xf32, #tpu.memory_space<hbm>>) target(%dma_start3A_627 : memref<2048xf32, #tpu.memory_space<vmem>>) target_semaphore(%arg9 : memref<!tpu.dma_semaphore, #tpu.memory_space<semaphore_mem>>)
        %dma_start3A_631 = arith.constant 14336 : i32
        %dma_start3A_632 = tpu.memref_slice %arg5[%dma_start3A_631] : memref<16384xf32, #tpu.memory_space<vmem>> -> memref<2048xf32, #tpu.memory_space<vmem>>
        %dma_start3A_633 = arith.constant 0 : i32
        %dma_start3A_634 = tpu.memref_slice %arg2[%shift_right_arithmetic3A_517, %add3A_560, %dma_start3A_633] : memref<96x128x2048xf32, #tpu.memory_space<hbm>> -> memref<1x1x2048xf32, #tpu.memory_space<hbm>>
        %dma_start3A_635 = tpu.memref_squeeze %dma_start3A_634 : memref<1x1x2048xf32, #tpu.memory_space<hbm>> -> memref<2048xf32, #tpu.memory_space<hbm>>
        %dma_start3A_636 = arith.constant 14336 : i32
        %dma_start3A_637 = tpu.memref_slice %arg5[%dma_start3A_636] : memref<16384xf32, #tpu.memory_space<vmem>> -> memref<2048xf32, #tpu.memory_space<vmem>>
        %dma_start3A_638 = arith.constant 0 : i32
        %dma_start3A_639 = tpu.memref_slice %arg2[%shift_right_arithmetic3A_517, %add3A_560, %dma_start3A_638] : memref<96x128x2048xf32, #tpu.memory_space<hbm>> -> memref<1x1x2048xf32, #tpu.memory_space<hbm>>
        %dma_start3A_640 = tpu.memref_squeeze %dma_start3A_639 : memref<1x1x2048xf32, #tpu.memory_space<hbm>> -> memref<2048xf32, #tpu.memory_space<hbm>>
        tpu.enqueue_dma source(%dma_start3A_640 : memref<2048xf32, #tpu.memory_space<hbm>>) target(%dma_start3A_637 : memref<2048xf32, #tpu.memory_space<vmem>>) target_semaphore(%arg9 : memref<!tpu.dma_semaphore, #tpu.memory_space<semaphore_mem>>)
      } else {
      }
      %ge3A = arith.constant 2 : i32
      %ge3A_323 = arith.cmpi sge, %add3A_192, %ge3A : i32
      %convert_element_type3A_324 = arith.extui %ge3A_323 : i1 to i32
      %cond3A_325 = arith.constant 0 : i32
      %cond3A_326 = arith.cmpi ne, %convert_element_type3A_324, %cond3A_325 : i32
      scf.if %cond3A_326 {
        %sub3A = arith.constant 2 : i32
        %sub3A_511 = arith.subi %add3A_192, %sub3A : i32
        %mul3A_512 = arith.constant 32 : i32
        %mul3A_513 = arith.muli %sub3A_511, %mul3A_512 : i32
        %add3A_514 = arith.addi %mul3A_513, %add3A : i32
        %shift_right_arithmetic3A_515 = arith.constant 4 : i32
        %shift_right_arithmetic3A_516 = arith.shrsi %add3A_514, %shift_right_arithmetic3A_515 : i32
        %and3A_517 = arith.constant 15 : i32
        %and3A_518 = arith.andi %add3A_514, %and3A_517 : i32
        %mul3A_519 = arith.constant 32 : i32
        %mul3A_520 = arith.muli %and3A_518, %mul3A_519 : i32
        %dma_wait3A_521 = arith.constant 0 : i32
        %dma_wait3A_522 = tpu.memref_slice %arg3[%shift_right_arithmetic3A_516, %mul3A_520, %dma_wait3A_521] : memref<96x512x512xf32, #tpu.memory_space<hbm>> -> memref<1x32x512xf32, #tpu.memory_space<hbm>>
        %dma_wait3A_523 = tpu.memref_squeeze %dma_wait3A_522 : memref<1x32x512xf32, #tpu.memory_space<hbm>> -> memref<32x512xf32, #tpu.memory_space<hbm>>
        %dma_wait3A_524 = arith.constant 0 : i32
        %dma_wait3A_525 = tpu.memref_slice %arg3[%shift_right_arithmetic3A_516, %mul3A_520, %dma_wait3A_524] : memref<96x512x512xf32, #tpu.memory_space<hbm>> -> memref<1x32x512xf32, #tpu.memory_space<hbm>>
        %dma_wait3A_526 = tpu.memref_squeeze %dma_wait3A_525 : memref<1x32x512xf32, #tpu.memory_space<hbm>> -> memref<32x512xf32, #tpu.memory_space<hbm>>
        tpu.wait_dma2 semaphore(%arg10 : memref<!tpu.dma_semaphore, #tpu.memory_space<semaphore_mem>>) src(%arg6 : memref<32x512xf32, #tpu.memory_space<vmem>>) dst(%dma_wait3A_526 : memref<32x512xf32, #tpu.memory_space<hbm>>)
      } else {
      }
      %scan3A_327 = arith.constant 0 : i32
      %scan3A_328 = arith.constant 0 : i32
      %scan3A_329 = arith.constant 32 : i32
      %scan3A_330 = arith.addi %scan3A_328, %scan3A_329 : i32
      %scan3A_331 = arith.constant 1 : i32
      scf.for %scan3A_511 = %scan3A_328 to %scan3A_330 step %scan3A_331  : i32 {
        %and3A_512 = arith.constant 1 : i32
        %and3A_513 = arith.andi %scan3A_511, %and3A_512 : i32
        %shift_left3A_514 = arith.constant 1 : i32
        %shift_left3A_515 = arith.shli %and3A_513, %shift_left3A_514 : i32
        %shift_right_arithmetic3A_516 = arith.constant 1 : i32
        %shift_right_arithmetic3A_517 = arith.shrsi %scan3A_511, %shift_right_arithmetic3A_516 : i32
        %and3A_518 = arith.constant 1 : i32
        %and3A_519 = arith.andi %shift_right_arithmetic3A_517, %and3A_518 : i32
        %shift_left3A_520 = arith.constant 3 : i32
        %shift_left3A_521 = arith.shli %and3A_519, %shift_left3A_520 : i32
        %or3A_522 = arith.ori %shift_left3A_515, %shift_left3A_521 : i32
        %shift_right_arithmetic3A_523 = arith.constant 2 : i32
        %shift_right_arithmetic3A_524 = arith.shrsi %scan3A_511, %shift_right_arithmetic3A_523 : i32
        %and3A_525 = arith.constant 1 : i32
        %and3A_526 = arith.andi %shift_right_arithmetic3A_524, %and3A_525 : i32
        %shift_left3A_527 = arith.constant 5 : i32
        %shift_left3A_528 = arith.shli %and3A_526, %shift_left3A_527 : i32
        %or3A_529 = arith.ori %or3A_522, %shift_left3A_528 : i32
        %shift_right_arithmetic3A_530 = arith.constant 3 : i32
        %shift_right_arithmetic3A_531 = arith.shrsi %scan3A_511, %shift_right_arithmetic3A_530 : i32
        %and3A_532 = arith.constant 1 : i32
        %and3A_533 = arith.andi %shift_right_arithmetic3A_531, %and3A_532 : i32
        %shift_left3A_534 = arith.constant 7 : i32
        %shift_left3A_535 = arith.shli %and3A_533, %shift_left3A_534 : i32
        %or3A_536 = arith.ori %or3A_529, %shift_left3A_535 : i32
        %shift_right_arithmetic3A_537 = arith.constant 4 : i32
        %shift_right_arithmetic3A_538 = arith.shrsi %scan3A_511, %shift_right_arithmetic3A_537 : i32
        %and3A_539 = arith.constant 1 : i32
        %and3A_540 = arith.andi %shift_right_arithmetic3A_538, %and3A_539 : i32
        %shift_left3A_541 = arith.constant 9 : i32
        %shift_left3A_542 = arith.shli %and3A_540, %shift_left3A_541 : i32
        %or3A_543 = arith.ori %or3A_536, %shift_left3A_542 : i32
        %add3A_544 = vector.broadcast %or3A_543 : i32 to vector<16xi32>
        %add3A_545 = arith.addi %add3A_31, %add3A_544 : vector<16xi32>
        %add3A_546 = arith.constant 0 : i32
        %add3A_547 = vector.broadcast %add3A_546 : i32 to vector<16xi32>
        %add3A_548 = arith.addi %add3A_545, %add3A_547 : vector<16xi32>
        %gather3A = tpu.vector_load_idx %arg4[%add3A_548] : memref<16384xf32, #tpu.memory_space<vmem>>[vector<16xi32>], vector<16xf32>,
        %swap3A = arith.index_cast %scan3A_511 : i32 to index
        %swap3A_549 = arith.constant 0 : index
        %swap3A_550 = tpu.vector_load %arg6[%swap3A, %swap3A_549] {strides = array<i32>} : memref<32x512xf32, #tpu.memory_space<vmem>>, vector<16xf32>,
        tpu.vector_store %arg6[%swap3A, %swap3A_549], %gather3A {strides = array<i32>} : memref<32x512xf32, #tpu.memory_space<vmem>>, vector<16xf32>,
        %add3A_551 = arith.constant 256 : i32
        %add3A_552 = vector.broadcast %add3A_551 : i32 to vector<16xi32>
        %add3A_553 = arith.addi %add3A_545, %add3A_552 : vector<16xi32>
        %gather3A_554 = tpu.vector_load_idx %arg4[%add3A_553] : memref<16384xf32, #tpu.memory_space<vmem>>[vector<16xi32>], vector<16xf32>,
        %swap3A_555 = arith.index_cast %scan3A_511 : i32 to index
        %swap3A_556 = arith.constant 16 : index
        %swap3A_557 = tpu.vector_load %arg6[%swap3A_555, %swap3A_556] {strides = array<i32>} : memref<32x512xf32, #tpu.memory_space<vmem>>, vector<16xf32>,
        tpu.vector_store %arg6[%swap3A_555, %swap3A_556], %gather3A_554 {strides = array<i32>} : memref<32x512xf32, #tpu.memory_space<vmem>>, vector<16xf32>,
        %add3A_558 = arith.constant 1024 : i32
        %add3A_559 = vector.broadcast %add3A_558 : i32 to vector<16xi32>
        %add3A_560 = arith.addi %add3A_545, %add3A_559 : vector<16xi32>
        %gather3A_561 = tpu.vector_load_idx %arg4[%add3A_560] : memref<16384xf32, #tpu.memory_space<vmem>>[vector<16xi32>], vector<16xf32>,
        %swap3A_562 = arith.index_cast %scan3A_511 : i32 to index
        %swap3A_563 = arith.constant 32 : index
        %swap3A_564 = tpu.vector_load %arg6[%swap3A_562, %swap3A_563] {strides = array<i32>} : memref<32x512xf32, #tpu.memory_space<vmem>>, vector<16xf32>,
        tpu.vector_store %arg6[%swap3A_562, %swap3A_563], %gather3A_561 {strides = array<i32>} : memref<32x512xf32, #tpu.memory_space<vmem>>, vector<16xf32>,
        %add3A_565 = arith.constant 1280 : i32
        %add3A_566 = vector.broadcast %add3A_565 : i32 to vector<16xi32>
        %add3A_567 = arith.addi %add3A_545, %add3A_566 : vector<16xi32>
        %gather3A_568 = tpu.vector_load_idx %arg4[%add3A_567] : memref<16384xf32, #tpu.memory_space<vmem>>[vector<16xi32>], vector<16xf32>,
        %swap3A_569 = arith.index_cast %scan3A_511 : i32 to index
        %swap3A_570 = arith.constant 48 : index
        %swap3A_571 = tpu.vector_load %arg6[%swap3A_569, %swap3A_570] {strides = array<i32>} : memref<32x512xf32, #tpu.memory_space<vmem>>, vector<16xf32>,
        tpu.vector_store %arg6[%swap3A_569, %swap3A_570], %gather3A_568 {strides = array<i32>} : memref<32x512xf32, #tpu.memory_space<vmem>>, vector<16xf32>,
        %add3A_572 = arith.constant 2048 : i32
        %add3A_573 = vector.broadcast %add3A_572 : i32 to vector<16xi32>
        %add3A_574 = arith.addi %add3A_545, %add3A_573 : vector<16xi32>
        %gather3A_575 = tpu.vector_load_idx %arg4[%add3A_574] : memref<16384xf32, #tpu.memory_space<vmem>>[vector<16xi32>], vector<16xf32>,
        %swap3A_576 = arith.index_cast %scan3A_511 : i32 to index
        %swap3A_577 = arith.constant 64 : index
        %swap3A_578 = tpu.vector_load %arg6[%swap3A_576, %swap3A_577] {strides = array<i32>} : memref<32x512xf32, #tpu.memory_space<vmem>>, vector<16xf32>,
        tpu.vector_store %arg6[%swap3A_576, %swap3A_577], %gather3A_575 {strides = array<i32>} : memref<32x512xf32, #tpu.memory_space<vmem>>, vector<16xf32>,
        %add3A_579 = arith.constant 2304 : i32
        %add3A_580 = vector.broadcast %add3A_579 : i32 to vector<16xi32>
        %add3A_581 = arith.addi %add3A_545, %add3A_580 : vector<16xi32>
        %gather3A_582 = tpu.vector_load_idx %arg4[%add3A_581] : memref<16384xf32, #tpu.memory_space<vmem>>[vector<16xi32>], vector<16xf32>,
        %swap3A_583 = arith.index_cast %scan3A_511 : i32 to index
        %swap3A_584 = arith.constant 80 : index
        %swap3A_585 = tpu.vector_load %arg6[%swap3A_583, %swap3A_584] {strides = array<i32>} : memref<32x512xf32, #tpu.memory_space<vmem>>, vector<16xf32>,
        tpu.vector_store %arg6[%swap3A_583, %swap3A_584], %gather3A_582 {strides = array<i32>} : memref<32x512xf32, #tpu.memory_space<vmem>>, vector<16xf32>,
        %add3A_586 = arith.constant 3072 : i32
        %add3A_587 = vector.broadcast %add3A_586 : i32 to vector<16xi32>
        %add3A_588 = arith.addi %add3A_545, %add3A_587 : vector<16xi32>
        %gather3A_589 = tpu.vector_load_idx %arg4[%add3A_588] : memref<16384xf32, #tpu.memory_space<vmem>>[vector<16xi32>], vector<16xf32>,
        %swap3A_590 = arith.index_cast %scan3A_511 : i32 to index
        %swap3A_591 = arith.constant 96 : index
        %swap3A_592 = tpu.vector_load %arg6[%swap3A_590, %swap3A_591] {strides = array<i32>} : memref<32x512xf32, #tpu.memory_space<vmem>>, vector<16xf32>,
        tpu.vector_store %arg6[%swap3A_590, %swap3A_591], %gather3A_589 {strides = array<i32>} : memref<32x512xf32, #tpu.memory_space<vmem>>, vector<16xf32>,
        %add3A_593 = arith.constant 3328 : i32
        %add3A_594 = vector.broadcast %add3A_593 : i32 to vector<16xi32>
        %add3A_595 = arith.addi %add3A_545, %add3A_594 : vector<16xi32>
        %gather3A_596 = tpu.vector_load_idx %arg4[%add3A_595] : memref<16384xf32, #tpu.memory_space<vmem>>[vector<16xi32>], vector<16xf32>,
        %swap3A_597 = arith.index_cast %scan3A_511 : i32 to index
        %swap3A_598 = arith.constant 112 : index
        %swap3A_599 = tpu.vector_load %arg6[%swap3A_597, %swap3A_598] {strides = array<i32>} : memref<32x512xf32, #tpu.memory_space<vmem>>, vector<16xf32>,
        tpu.vector_store %arg6[%swap3A_597, %swap3A_598], %gather3A_596 {strides = array<i32>} : memref<32x512xf32, #tpu.memory_space<vmem>>, vector<16xf32>,
        %add3A_600 = arith.constant 4096 : i32
        %add3A_601 = vector.broadcast %add3A_600 : i32 to vector<16xi32>
        %add3A_602 = arith.addi %add3A_545, %add3A_601 : vector<16xi32>
        %gather3A_603 = tpu.vector_load_idx %arg4[%add3A_602] : memref<16384xf32, #tpu.memory_space<vmem>>[vector<16xi32>], vector<16xf32>,
        %swap3A_604 = arith.index_cast %scan3A_511 : i32 to index
        %swap3A_605 = arith.constant 128 : index
        %swap3A_606 = tpu.vector_load %arg6[%swap3A_604, %swap3A_605] {strides = array<i32>} : memref<32x512xf32, #tpu.memory_space<vmem>>, vector<16xf32>,
        tpu.vector_store %arg6[%swap3A_604, %swap3A_605], %gather3A_603 {strides = array<i32>} : memref<32x512xf32, #tpu.memory_space<vmem>>, vector<16xf32>,
        %add3A_607 = arith.constant 4352 : i32
        %add3A_608 = vector.broadcast %add3A_607 : i32 to vector<16xi32>
        %add3A_609 = arith.addi %add3A_545, %add3A_608 : vector<16xi32>
        %gather3A_610 = tpu.vector_load_idx %arg4[%add3A_609] : memref<16384xf32, #tpu.memory_space<vmem>>[vector<16xi32>], vector<16xf32>,
        %swap3A_611 = arith.index_cast %scan3A_511 : i32 to index
        %swap3A_612 = arith.constant 144 : index
        %swap3A_613 = tpu.vector_load %arg6[%swap3A_611, %swap3A_612] {strides = array<i32>} : memref<32x512xf32, #tpu.memory_space<vmem>>, vector<16xf32>,
        tpu.vector_store %arg6[%swap3A_611, %swap3A_612], %gather3A_610 {strides = array<i32>} : memref<32x512xf32, #tpu.memory_space<vmem>>, vector<16xf32>,
        %add3A_614 = arith.constant 5120 : i32
        %add3A_615 = vector.broadcast %add3A_614 : i32 to vector<16xi32>
        %add3A_616 = arith.addi %add3A_545, %add3A_615 : vector<16xi32>
        %gather3A_617 = tpu.vector_load_idx %arg4[%add3A_616] : memref<16384xf32, #tpu.memory_space<vmem>>[vector<16xi32>], vector<16xf32>,
        %swap3A_618 = arith.index_cast %scan3A_511 : i32 to index
        %swap3A_619 = arith.constant 160 : index
        %swap3A_620 = tpu.vector_load %arg6[%swap3A_618, %swap3A_619] {strides = array<i32>} : memref<32x512xf32, #tpu.memory_space<vmem>>, vector<16xf32>,
        tpu.vector_store %arg6[%swap3A_618, %swap3A_619], %gather3A_617 {strides = array<i32>} : memref<32x512xf32, #tpu.memory_space<vmem>>, vector<16xf32>,
        %add3A_621 = arith.constant 5376 : i32
        %add3A_622 = vector.broadcast %add3A_621 : i32 to vector<16xi32>
        %add3A_623 = arith.addi %add3A_545, %add3A_622 : vector<16xi32>
        %gather3A_624 = tpu.vector_load_idx %arg4[%add3A_623] : memref<16384xf32, #tpu.memory_space<vmem>>[vector<16xi32>], vector<16xf32>,
        %swap3A_625 = arith.index_cast %scan3A_511 : i32 to index
        %swap3A_626 = arith.constant 176 : index
        %swap3A_627 = tpu.vector_load %arg6[%swap3A_625, %swap3A_626] {strides = array<i32>} : memref<32x512xf32, #tpu.memory_space<vmem>>, vector<16xf32>,
        tpu.vector_store %arg6[%swap3A_625, %swap3A_626], %gather3A_624 {strides = array<i32>} : memref<32x512xf32, #tpu.memory_space<vmem>>, vector<16xf32>,
        %add3A_628 = arith.constant 6144 : i32
        %add3A_629 = vector.broadcast %add3A_628 : i32 to vector<16xi32>
        %add3A_630 = arith.addi %add3A_545, %add3A_629 : vector<16xi32>
        %gather3A_631 = tpu.vector_load_idx %arg4[%add3A_630] : memref<16384xf32, #tpu.memory_space<vmem>>[vector<16xi32>], vector<16xf32>,
        %swap3A_632 = arith.index_cast %scan3A_511 : i32 to index
        %swap3A_633 = arith.constant 192 : index
        %swap3A_634 = tpu.vector_load %arg6[%swap3A_632, %swap3A_633] {strides = array<i32>} : memref<32x512xf32, #tpu.memory_space<vmem>>, vector<16xf32>,
        tpu.vector_store %arg6[%swap3A_632, %swap3A_633], %gather3A_631 {strides = array<i32>} : memref<32x512xf32, #tpu.memory_space<vmem>>, vector<16xf32>,
        %add3A_635 = arith.constant 6400 : i32
        %add3A_636 = vector.broadcast %add3A_635 : i32 to vector<16xi32>
        %add3A_637 = arith.addi %add3A_545, %add3A_636 : vector<16xi32>
        %gather3A_638 = tpu.vector_load_idx %arg4[%add3A_637] : memref<16384xf32, #tpu.memory_space<vmem>>[vector<16xi32>], vector<16xf32>,
        %swap3A_639 = arith.index_cast %scan3A_511 : i32 to index
        %swap3A_640 = arith.constant 208 : index
        %swap3A_641 = tpu.vector_load %arg6[%swap3A_639, %swap3A_640] {strides = array<i32>} : memref<32x512xf32, #tpu.memory_space<vmem>>, vector<16xf32>,
        tpu.vector_store %arg6[%swap3A_639, %swap3A_640], %gather3A_638 {strides = array<i32>} : memref<32x512xf32, #tpu.memory_space<vmem>>, vector<16xf32>,
        %add3A_642 = arith.constant 7168 : i32
        %add3A_643 = vector.broadcast %add3A_642 : i32 to vector<16xi32>
        %add3A_644 = arith.addi %add3A_545, %add3A_643 : vector<16xi32>
        %gather3A_645 = tpu.vector_load_idx %arg4[%add3A_644] : memref<16384xf32, #tpu.memory_space<vmem>>[vector<16xi32>], vector<16xf32>,
        %swap3A_646 = arith.index_cast %scan3A_511 : i32 to index
        %swap3A_647 = arith.constant 224 : index
        %swap3A_648 = tpu.vector_load %arg6[%swap3A_646, %swap3A_647] {strides = array<i32>} : memref<32x512xf32, #tpu.memory_space<vmem>>, vector<16xf32>,
        tpu.vector_store %arg6[%swap3A_646, %swap3A_647], %gather3A_645 {strides = array<i32>} : memref<32x512xf32, #tpu.memory_space<vmem>>, vector<16xf32>,
        %add3A_649 = arith.constant 7424 : i32
        %add3A_650 = vector.broadcast %add3A_649 : i32 to vector<16xi32>
        %add3A_651 = arith.addi %add3A_545, %add3A_650 : vector<16xi32>
        %gather3A_652 = tpu.vector_load_idx %arg4[%add3A_651] : memref<16384xf32, #tpu.memory_space<vmem>>[vector<16xi32>], vector<16xf32>,
        %swap3A_653 = arith.index_cast %scan3A_511 : i32 to index
        %swap3A_654 = arith.constant 240 : index
        %swap3A_655 = tpu.vector_load %arg6[%swap3A_653, %swap3A_654] {strides = array<i32>} : memref<32x512xf32, #tpu.memory_space<vmem>>, vector<16xf32>,
        tpu.vector_store %arg6[%swap3A_653, %swap3A_654], %gather3A_652 {strides = array<i32>} : memref<32x512xf32, #tpu.memory_space<vmem>>, vector<16xf32>,
        %add3A_656 = arith.constant 8192 : i32
        %add3A_657 = vector.broadcast %add3A_656 : i32 to vector<16xi32>
        %add3A_658 = arith.addi %add3A_545, %add3A_657 : vector<16xi32>
        %gather3A_659 = tpu.vector_load_idx %arg4[%add3A_658] : memref<16384xf32, #tpu.memory_space<vmem>>[vector<16xi32>], vector<16xf32>,
        %swap3A_660 = arith.index_cast %scan3A_511 : i32 to index
        %swap3A_661 = arith.constant 256 : index
        %swap3A_662 = tpu.vector_load %arg6[%swap3A_660, %swap3A_661] {strides = array<i32>} : memref<32x512xf32, #tpu.memory_space<vmem>>, vector<16xf32>,
        tpu.vector_store %arg6[%swap3A_660, %swap3A_661], %gather3A_659 {strides = array<i32>} : memref<32x512xf32, #tpu.memory_space<vmem>>, vector<16xf32>,
        %add3A_663 = arith.constant 8448 : i32
        %add3A_664 = vector.broadcast %add3A_663 : i32 to vector<16xi32>
        %add3A_665 = arith.addi %add3A_545, %add3A_664 : vector<16xi32>
        %gather3A_666 = tpu.vector_load_idx %arg4[%add3A_665] : memref<16384xf32, #tpu.memory_space<vmem>>[vector<16xi32>], vector<16xf32>,
        %swap3A_667 = arith.index_cast %scan3A_511 : i32 to index
        %swap3A_668 = arith.constant 272 : index
        %swap3A_669 = tpu.vector_load %arg6[%swap3A_667, %swap3A_668] {strides = array<i32>} : memref<32x512xf32, #tpu.memory_space<vmem>>, vector<16xf32>,
        tpu.vector_store %arg6[%swap3A_667, %swap3A_668], %gather3A_666 {strides = array<i32>} : memref<32x512xf32, #tpu.memory_space<vmem>>, vector<16xf32>,
        %add3A_670 = arith.constant 9216 : i32
        %add3A_671 = vector.broadcast %add3A_670 : i32 to vector<16xi32>
        %add3A_672 = arith.addi %add3A_545, %add3A_671 : vector<16xi32>
        %gather3A_673 = tpu.vector_load_idx %arg4[%add3A_672] : memref<16384xf32, #tpu.memory_space<vmem>>[vector<16xi32>], vector<16xf32>,
        %swap3A_674 = arith.index_cast %scan3A_511 : i32 to index
        %swap3A_675 = arith.constant 288 : index
        %swap3A_676 = tpu.vector_load %arg6[%swap3A_674, %swap3A_675] {strides = array<i32>} : memref<32x512xf32, #tpu.memory_space<vmem>>, vector<16xf32>,
        tpu.vector_store %arg6[%swap3A_674, %swap3A_675], %gather3A_673 {strides = array<i32>} : memref<32x512xf32, #tpu.memory_space<vmem>>, vector<16xf32>,
        %add3A_677 = arith.constant 9472 : i32
        %add3A_678 = vector.broadcast %add3A_677 : i32 to vector<16xi32>
        %add3A_679 = arith.addi %add3A_545, %add3A_678 : vector<16xi32>
        %gather3A_680 = tpu.vector_load_idx %arg4[%add3A_679] : memref<16384xf32, #tpu.memory_space<vmem>>[vector<16xi32>], vector<16xf32>,
        %swap3A_681 = arith.index_cast %scan3A_511 : i32 to index
        %swap3A_682 = arith.constant 304 : index
        %swap3A_683 = tpu.vector_load %arg6[%swap3A_681, %swap3A_682] {strides = array<i32>} : memref<32x512xf32, #tpu.memory_space<vmem>>, vector<16xf32>,
        tpu.vector_store %arg6[%swap3A_681, %swap3A_682], %gather3A_680 {strides = array<i32>} : memref<32x512xf32, #tpu.memory_space<vmem>>, vector<16xf32>,
        %add3A_684 = arith.constant 10240 : i32
        %add3A_685 = vector.broadcast %add3A_684 : i32 to vector<16xi32>
        %add3A_686 = arith.addi %add3A_545, %add3A_685 : vector<16xi32>
        %gather3A_687 = tpu.vector_load_idx %arg4[%add3A_686] : memref<16384xf32, #tpu.memory_space<vmem>>[vector<16xi32>], vector<16xf32>,
        %swap3A_688 = arith.index_cast %scan3A_511 : i32 to index
        %swap3A_689 = arith.constant 320 : index
        %swap3A_690 = tpu.vector_load %arg6[%swap3A_688, %swap3A_689] {strides = array<i32>} : memref<32x512xf32, #tpu.memory_space<vmem>>, vector<16xf32>,
        tpu.vector_store %arg6[%swap3A_688, %swap3A_689], %gather3A_687 {strides = array<i32>} : memref<32x512xf32, #tpu.memory_space<vmem>>, vector<16xf32>,
        %add3A_691 = arith.constant 10496 : i32
        %add3A_692 = vector.broadcast %add3A_691 : i32 to vector<16xi32>
        %add3A_693 = arith.addi %add3A_545, %add3A_692 : vector<16xi32>
        %gather3A_694 = tpu.vector_load_idx %arg4[%add3A_693] : memref<16384xf32, #tpu.memory_space<vmem>>[vector<16xi32>], vector<16xf32>,
        %swap3A_695 = arith.index_cast %scan3A_511 : i32 to index
        %swap3A_696 = arith.constant 336 : index
        %swap3A_697 = tpu.vector_load %arg6[%swap3A_695, %swap3A_696] {strides = array<i32>} : memref<32x512xf32, #tpu.memory_space<vmem>>, vector<16xf32>,
        tpu.vector_store %arg6[%swap3A_695, %swap3A_696], %gather3A_694 {strides = array<i32>} : memref<32x512xf32, #tpu.memory_space<vmem>>, vector<16xf32>,
        %add3A_698 = arith.constant 11264 : i32
        %add3A_699 = vector.broadcast %add3A_698 : i32 to vector<16xi32>
        %add3A_700 = arith.addi %add3A_545, %add3A_699 : vector<16xi32>
        %gather3A_701 = tpu.vector_load_idx %arg4[%add3A_700] : memref<16384xf32, #tpu.memory_space<vmem>>[vector<16xi32>], vector<16xf32>,
        %swap3A_702 = arith.index_cast %scan3A_511 : i32 to index
        %swap3A_703 = arith.constant 352 : index
        %swap3A_704 = tpu.vector_load %arg6[%swap3A_702, %swap3A_703] {strides = array<i32>} : memref<32x512xf32, #tpu.memory_space<vmem>>, vector<16xf32>,
        tpu.vector_store %arg6[%swap3A_702, %swap3A_703], %gather3A_701 {strides = array<i32>} : memref<32x512xf32, #tpu.memory_space<vmem>>, vector<16xf32>,
        %add3A_705 = arith.constant 11520 : i32
        %add3A_706 = vector.broadcast %add3A_705 : i32 to vector<16xi32>
        %add3A_707 = arith.addi %add3A_545, %add3A_706 : vector<16xi32>
        %gather3A_708 = tpu.vector_load_idx %arg4[%add3A_707] : memref<16384xf32, #tpu.memory_space<vmem>>[vector<16xi32>], vector<16xf32>,
        %swap3A_709 = arith.index_cast %scan3A_511 : i32 to index
        %swap3A_710 = arith.constant 368 : index
        %swap3A_711 = tpu.vector_load %arg6[%swap3A_709, %swap3A_710] {strides = array<i32>} : memref<32x512xf32, #tpu.memory_space<vmem>>, vector<16xf32>,
        tpu.vector_store %arg6[%swap3A_709, %swap3A_710], %gather3A_708 {strides = array<i32>} : memref<32x512xf32, #tpu.memory_space<vmem>>, vector<16xf32>,
        %add3A_712 = arith.constant 12288 : i32
        %add3A_713 = vector.broadcast %add3A_712 : i32 to vector<16xi32>
        %add3A_714 = arith.addi %add3A_545, %add3A_713 : vector<16xi32>
        %gather3A_715 = tpu.vector_load_idx %arg4[%add3A_714] : memref<16384xf32, #tpu.memory_space<vmem>>[vector<16xi32>], vector<16xf32>,
        %swap3A_716 = arith.index_cast %scan3A_511 : i32 to index
        %swap3A_717 = arith.constant 384 : index
        %swap3A_718 = tpu.vector_load %arg6[%swap3A_716, %swap3A_717] {strides = array<i32>} : memref<32x512xf32, #tpu.memory_space<vmem>>, vector<16xf32>,
        tpu.vector_store %arg6[%swap3A_716, %swap3A_717], %gather3A_715 {strides = array<i32>} : memref<32x512xf32, #tpu.memory_space<vmem>>, vector<16xf32>,
        %add3A_719 = arith.constant 12544 : i32
        %add3A_720 = vector.broadcast %add3A_719 : i32 to vector<16xi32>
        %add3A_721 = arith.addi %add3A_545, %add3A_720 : vector<16xi32>
        %gather3A_722 = tpu.vector_load_idx %arg4[%add3A_721] : memref<16384xf32, #tpu.memory_space<vmem>>[vector<16xi32>], vector<16xf32>,
        %swap3A_723 = arith.index_cast %scan3A_511 : i32 to index
        %swap3A_724 = arith.constant 400 : index
        %swap3A_725 = tpu.vector_load %arg6[%swap3A_723, %swap3A_724] {strides = array<i32>} : memref<32x512xf32, #tpu.memory_space<vmem>>, vector<16xf32>,
        tpu.vector_store %arg6[%swap3A_723, %swap3A_724], %gather3A_722 {strides = array<i32>} : memref<32x512xf32, #tpu.memory_space<vmem>>, vector<16xf32>,
        %add3A_726 = arith.constant 13312 : i32
        %add3A_727 = vector.broadcast %add3A_726 : i32 to vector<16xi32>
        %add3A_728 = arith.addi %add3A_545, %add3A_727 : vector<16xi32>
        %gather3A_729 = tpu.vector_load_idx %arg4[%add3A_728] : memref<16384xf32, #tpu.memory_space<vmem>>[vector<16xi32>], vector<16xf32>,
        %swap3A_730 = arith.index_cast %scan3A_511 : i32 to index
        %swap3A_731 = arith.constant 416 : index
        %swap3A_732 = tpu.vector_load %arg6[%swap3A_730, %swap3A_731] {strides = array<i32>} : memref<32x512xf32, #tpu.memory_space<vmem>>, vector<16xf32>,
        tpu.vector_store %arg6[%swap3A_730, %swap3A_731], %gather3A_729 {strides = array<i32>} : memref<32x512xf32, #tpu.memory_space<vmem>>, vector<16xf32>,
        %add3A_733 = arith.constant 13568 : i32
        %add3A_734 = vector.broadcast %add3A_733 : i32 to vector<16xi32>
        %add3A_735 = arith.addi %add3A_545, %add3A_734 : vector<16xi32>
        %gather3A_736 = tpu.vector_load_idx %arg4[%add3A_735] : memref<16384xf32, #tpu.memory_space<vmem>>[vector<16xi32>], vector<16xf32>,
        %swap3A_737 = arith.index_cast %scan3A_511 : i32 to index
        %swap3A_738 = arith.constant 432 : index
        %swap3A_739 = tpu.vector_load %arg6[%swap3A_737, %swap3A_738] {strides = array<i32>} : memref<32x512xf32, #tpu.memory_space<vmem>>, vector<16xf32>,
        tpu.vector_store %arg6[%swap3A_737, %swap3A_738], %gather3A_736 {strides = array<i32>} : memref<32x512xf32, #tpu.memory_space<vmem>>, vector<16xf32>,
        %add3A_740 = arith.constant 14336 : i32
        %add3A_741 = vector.broadcast %add3A_740 : i32 to vector<16xi32>
        %add3A_742 = arith.addi %add3A_545, %add3A_741 : vector<16xi32>
        %gather3A_743 = tpu.vector_load_idx %arg4[%add3A_742] : memref<16384xf32, #tpu.memory_space<vmem>>[vector<16xi32>], vector<16xf32>,
        %swap3A_744 = arith.index_cast %scan3A_511 : i32 to index
        %swap3A_745 = arith.constant 448 : index
        %swap3A_746 = tpu.vector_load %arg6[%swap3A_744, %swap3A_745] {strides = array<i32>} : memref<32x512xf32, #tpu.memory_space<vmem>>, vector<16xf32>,
        tpu.vector_store %arg6[%swap3A_744, %swap3A_745], %gather3A_743 {strides = array<i32>} : memref<32x512xf32, #tpu.memory_space<vmem>>, vector<16xf32>,
        %add3A_747 = arith.constant 14592 : i32
        %add3A_748 = vector.broadcast %add3A_747 : i32 to vector<16xi32>
        %add3A_749 = arith.addi %add3A_545, %add3A_748 : vector<16xi32>
        %gather3A_750 = tpu.vector_load_idx %arg4[%add3A_749] : memref<16384xf32, #tpu.memory_space<vmem>>[vector<16xi32>], vector<16xf32>,
        %swap3A_751 = arith.index_cast %scan3A_511 : i32 to index
        %swap3A_752 = arith.constant 464 : index
        %swap3A_753 = tpu.vector_load %arg6[%swap3A_751, %swap3A_752] {strides = array<i32>} : memref<32x512xf32, #tpu.memory_space<vmem>>, vector<16xf32>,
        tpu.vector_store %arg6[%swap3A_751, %swap3A_752], %gather3A_750 {strides = array<i32>} : memref<32x512xf32, #tpu.memory_space<vmem>>, vector<16xf32>,
        %add3A_754 = arith.constant 15360 : i32
        %add3A_755 = vector.broadcast %add3A_754 : i32 to vector<16xi32>
        %add3A_756 = arith.addi %add3A_545, %add3A_755 : vector<16xi32>
        %gather3A_757 = tpu.vector_load_idx %arg4[%add3A_756] : memref<16384xf32, #tpu.memory_space<vmem>>[vector<16xi32>], vector<16xf32>,
        %swap3A_758 = arith.index_cast %scan3A_511 : i32 to index
        %swap3A_759 = arith.constant 480 : index
        %swap3A_760 = tpu.vector_load %arg6[%swap3A_758, %swap3A_759] {strides = array<i32>} : memref<32x512xf32, #tpu.memory_space<vmem>>, vector<16xf32>,
        tpu.vector_store %arg6[%swap3A_758, %swap3A_759], %gather3A_757 {strides = array<i32>} : memref<32x512xf32, #tpu.memory_space<vmem>>, vector<16xf32>,
        %add3A_761 = arith.constant 15616 : i32
        %add3A_762 = vector.broadcast %add3A_761 : i32 to vector<16xi32>
        %add3A_763 = arith.addi %add3A_545, %add3A_762 : vector<16xi32>
        %gather3A_764 = tpu.vector_load_idx %arg4[%add3A_763] : memref<16384xf32, #tpu.memory_space<vmem>>[vector<16xi32>], vector<16xf32>,
        %swap3A_765 = arith.index_cast %scan3A_511 : i32 to index
        %swap3A_766 = arith.constant 496 : index
        %swap3A_767 = tpu.vector_load %arg6[%swap3A_765, %swap3A_766] {strides = array<i32>} : memref<32x512xf32, #tpu.memory_space<vmem>>, vector<16xf32>,
        tpu.vector_store %arg6[%swap3A_765, %swap3A_766], %gather3A_764 {strides = array<i32>} : memref<32x512xf32, #tpu.memory_space<vmem>>, vector<16xf32>,
      }
      %scan3A_332 = arith.constant 32 : i32
      %mul3A_333 = arith.constant 32 : i32
      %mul3A_334 = arith.muli %add3A_192, %mul3A_333 : i32
      %add3A_335 = arith.addi %mul3A_334, %add3A : i32
      %shift_right_arithmetic3A_336 = arith.constant 4 : i32
      %shift_right_arithmetic3A_337 = arith.shrsi %add3A_335, %shift_right_arithmetic3A_336 : i32
      %and3A_338 = arith.constant 15 : i32
      %and3A_339 = arith.andi %add3A_335, %and3A_338 : i32
      %mul3A_340 = arith.constant 32 : i32
      %mul3A_341 = arith.muli %and3A_339, %mul3A_340 : i32
      %dma_start3A_342 = arith.constant 0 : i32
      %dma_start3A_343 = tpu.memref_slice %arg3[%shift_right_arithmetic3A_337, %mul3A_341, %dma_start3A_342] : memref<96x512x512xf32, #tpu.memory_space<hbm>> -> memref<1x32x512xf32, #tpu.memory_space<hbm>>
      %dma_start3A_344 = tpu.memref_squeeze %dma_start3A_343 : memref<1x32x512xf32, #tpu.memory_space<hbm>> -> memref<32x512xf32, #tpu.memory_space<hbm>>
      %dma_start3A_345 = arith.constant 0 : i32
      %dma_start3A_346 = tpu.memref_slice %arg3[%shift_right_arithmetic3A_337, %mul3A_341, %dma_start3A_345] : memref<96x512x512xf32, #tpu.memory_space<hbm>> -> memref<1x32x512xf32, #tpu.memory_space<hbm>>
      %dma_start3A_347 = tpu.memref_squeeze %dma_start3A_346 : memref<1x32x512xf32, #tpu.memory_space<hbm>> -> memref<32x512xf32, #tpu.memory_space<hbm>>
      tpu.enqueue_dma source(%arg6 : memref<32x512xf32, #tpu.memory_space<vmem>>) target(%dma_start3A_347 : memref<32x512xf32, #tpu.memory_space<hbm>>) target_semaphore(%arg10 : memref<!tpu.dma_semaphore, #tpu.memory_space<semaphore_mem>>)
      %mul3A_348 = arith.constant 2 : i32
      %mul3A_349 = arith.muli %mul3A_348, %scan3A_188 : i32
      %add3A_350 = arith.constant 1 : i32
      %add3A_351 = arith.addi %mul3A_349, %add3A_350 : i32
      %mul3A_352 = arith.constant 32 : i32
      %mul3A_353 = arith.muli %add3A_351, %mul3A_352 : i32
      %add3A_354 = arith.addi %mul3A_353, %add3A : i32
      %shift_right_arithmetic3A_355 = arith.constant 4 : i32
      %shift_right_arithmetic3A_356 = arith.shrsi %add3A_354, %shift_right_arithmetic3A_355 : i32
      %and3A_357 = arith.constant 15 : i32
      %and3A_358 = arith.andi %add3A_354, %and3A_357 : i32
      %shift_right_arithmetic3A_359 = arith.constant 3 : i32
      %shift_right_arithmetic3A_360 = arith.shrsi %and3A_358, %shift_right_arithmetic3A_359 : i32
      %and3A_361 = arith.constant 1 : i32
      %and3A_362 = arith.andi %shift_right_arithmetic3A_360, %and3A_361 : i32
      %shift_left3A_363 = arith.constant 6 : i32
      %shift_left3A_364 = arith.shli %and3A_362, %shift_left3A_363 : i32
      %shift_right_arithmetic3A_365 = arith.constant 2 : i32
      %shift_right_arithmetic3A_366 = arith.shrsi %and3A_358, %shift_right_arithmetic3A_365 : i32
      %and3A_367 = arith.constant 1 : i32
      %and3A_368 = arith.andi %shift_right_arithmetic3A_366, %and3A_367 : i32
      %shift_left3A_369 = arith.constant 4 : i32
      %shift_left3A_370 = arith.shli %and3A_368, %shift_left3A_369 : i32
      %or3A_371 = arith.ori %shift_left3A_364, %shift_left3A_370 : i32
      %shift_right_arithmetic3A_372 = arith.constant 1 : i32
      %shift_right_arithmetic3A_373 = arith.shrsi %and3A_358, %shift_right_arithmetic3A_372 : i32
      %and3A_374 = arith.constant 1 : i32
      %and3A_375 = arith.andi %shift_right_arithmetic3A_373, %and3A_374 : i32
      %shift_left3A_376 = arith.constant 2 : i32
      %shift_left3A_377 = arith.shli %and3A_375, %shift_left3A_376 : i32
      %or3A_378 = arith.ori %or3A_371, %shift_left3A_377 : i32
      %and3A_379 = arith.constant 1 : i32
      %and3A_380 = arith.andi %and3A_358, %and3A_379 : i32
      %shift_left3A_381 = arith.constant 0 : i32
      %shift_left3A_382 = arith.shli %and3A_380, %shift_left3A_381 : i32
      %or3A_383 = arith.ori %or3A_378, %shift_left3A_382 : i32
      %add3A_384 = arith.constant 0 : i32
      %add3A_385 = arith.addi %or3A_383, %add3A_384 : i32
      %add3A_386 = arith.constant 2 : i32
      %add3A_387 = arith.addi %or3A_383, %add3A_386 : i32
      %add3A_388 = arith.constant 8 : i32
      %add3A_389 = arith.addi %or3A_383, %add3A_388 : i32
      %add3A_390 = arith.constant 10 : i32
      %add3A_391 = arith.addi %or3A_383, %add3A_390 : i32
      %add3A_392 = arith.constant 32 : i32
      %add3A_393 = arith.addi %or3A_383, %add3A_392 : i32
      %add3A_394 = arith.constant 34 : i32
      %add3A_395 = arith.addi %or3A_383, %add3A_394 : i32
      %add3A_396 = arith.constant 40 : i32
      %add3A_397 = arith.addi %or3A_383, %add3A_396 : i32
      %add3A_398 = arith.constant 42 : i32
      %add3A_399 = arith.addi %or3A_383, %add3A_398 : i32
      %dma_wait3A_400 = arith.constant 0 : i32
      %dma_wait3A_401 = tpu.memref_slice %arg5[%dma_wait3A_400] : memref<16384xf32, #tpu.memory_space<vmem>> -> memref<2048xf32, #tpu.memory_space<vmem>>
      %dma_wait3A_402 = arith.constant 0 : i32
      %dma_wait3A_403 = tpu.memref_slice %arg2[%shift_right_arithmetic3A_356, %add3A_385, %dma_wait3A_402] : memref<96x128x2048xf32, #tpu.memory_space<hbm>> -> memref<1x1x2048xf32, #tpu.memory_space<hbm>>
      %dma_wait3A_404 = tpu.memref_squeeze %dma_wait3A_403 : memref<1x1x2048xf32, #tpu.memory_space<hbm>> -> memref<2048xf32, #tpu.memory_space<hbm>>
      %dma_wait3A_405 = arith.constant 0 : i32
      %dma_wait3A_406 = tpu.memref_slice %arg5[%dma_wait3A_405] : memref<16384xf32, #tpu.memory_space<vmem>> -> memref<2048xf32, #tpu.memory_space<vmem>>
      %dma_wait3A_407 = arith.constant 0 : i32
      %dma_wait3A_408 = tpu.memref_slice %arg2[%shift_right_arithmetic3A_356, %add3A_385, %dma_wait3A_407] : memref<96x128x2048xf32, #tpu.memory_space<hbm>> -> memref<1x1x2048xf32, #tpu.memory_space<hbm>>
      %dma_wait3A_409 = tpu.memref_squeeze %dma_wait3A_408 : memref<1x1x2048xf32, #tpu.memory_space<hbm>> -> memref<2048xf32, #tpu.memory_space<hbm>>
      tpu.wait_dma2 semaphore(%arg9 : memref<!tpu.dma_semaphore, #tpu.memory_space<semaphore_mem>>) src(%dma_wait3A_409 : memref<2048xf32, #tpu.memory_space<hbm>>) dst(%dma_wait3A_406 : memref<2048xf32, #tpu.memory_space<vmem>>)
      %dma_wait3A_410 = arith.constant 2048 : i32
      %dma_wait3A_411 = tpu.memref_slice %arg5[%dma_wait3A_410] : memref<16384xf32, #tpu.memory_space<vmem>> -> memref<2048xf32, #tpu.memory_space<vmem>>
      %dma_wait3A_412 = arith.constant 0 : i32
      %dma_wait3A_413 = tpu.memref_slice %arg2[%shift_right_arithmetic3A_356, %add3A_387, %dma_wait3A_412] : memref<96x128x2048xf32, #tpu.memory_space<hbm>> -> memref<1x1x2048xf32, #tpu.memory_space<hbm>>
      %dma_wait3A_414 = tpu.memref_squeeze %dma_wait3A_413 : memref<1x1x2048xf32, #tpu.memory_space<hbm>> -> memref<2048xf32, #tpu.memory_space<hbm>>
      %dma_wait3A_415 = arith.constant 2048 : i32
      %dma_wait3A_416 = tpu.memref_slice %arg5[%dma_wait3A_415] : memref<16384xf32, #tpu.memory_space<vmem>> -> memref<2048xf32, #tpu.memory_space<vmem>>
      %dma_wait3A_417 = arith.constant 0 : i32
      %dma_wait3A_418 = tpu.memref_slice %arg2[%shift_right_arithmetic3A_356, %add3A_387, %dma_wait3A_417] : memref<96x128x2048xf32, #tpu.memory_space<hbm>> -> memref<1x1x2048xf32, #tpu.memory_space<hbm>>
      %dma_wait3A_419 = tpu.memref_squeeze %dma_wait3A_418 : memref<1x1x2048xf32, #tpu.memory_space<hbm>> -> memref<2048xf32, #tpu.memory_space<hbm>>
      tpu.wait_dma2 semaphore(%arg9 : memref<!tpu.dma_semaphore, #tpu.memory_space<semaphore_mem>>) src(%dma_wait3A_419 : memref<2048xf32, #tpu.memory_space<hbm>>) dst(%dma_wait3A_416 : memref<2048xf32, #tpu.memory_space<vmem>>)
      %dma_wait3A_420 = arith.constant 4096 : i32
      %dma_wait3A_421 = tpu.memref_slice %arg5[%dma_wait3A_420] : memref<16384xf32, #tpu.memory_space<vmem>> -> memref<2048xf32, #tpu.memory_space<vmem>>
      %dma_wait3A_422 = arith.constant 0 : i32
      %dma_wait3A_423 = tpu.memref_slice %arg2[%shift_right_arithmetic3A_356, %add3A_389, %dma_wait3A_422] : memref<96x128x2048xf32, #tpu.memory_space<hbm>> -> memref<1x1x2048xf32, #tpu.memory_space<hbm>>
      %dma_wait3A_424 = tpu.memref_squeeze %dma_wait3A_423 : memref<1x1x2048xf32, #tpu.memory_space<hbm>> -> memref<2048xf32, #tpu.memory_space<hbm>>
      %dma_wait3A_425 = arith.constant 4096 : i32
      %dma_wait3A_426 = tpu.memref_slice %arg5[%dma_wait3A_425] : memref<16384xf32, #tpu.memory_space<vmem>> -> memref<2048xf32, #tpu.memory_space<vmem>>
      %dma_wait3A_427 = arith.constant 0 : i32
      %dma_wait3A_428 = tpu.memref_slice %arg2[%shift_right_arithmetic3A_356, %add3A_389, %dma_wait3A_427] : memref<96x128x2048xf32, #tpu.memory_space<hbm>> -> memref<1x1x2048xf32, #tpu.memory_space<hbm>>
      %dma_wait3A_429 = tpu.memref_squeeze %dma_wait3A_428 : memref<1x1x2048xf32, #tpu.memory_space<hbm>> -> memref<2048xf32, #tpu.memory_space<hbm>>
      tpu.wait_dma2 semaphore(%arg9 : memref<!tpu.dma_semaphore, #tpu.memory_space<semaphore_mem>>) src(%dma_wait3A_429 : memref<2048xf32, #tpu.memory_space<hbm>>) dst(%dma_wait3A_426 : memref<2048xf32, #tpu.memory_space<vmem>>)
      %dma_wait3A_430 = arith.constant 6144 : i32
      %dma_wait3A_431 = tpu.memref_slice %arg5[%dma_wait3A_430] : memref<16384xf32, #tpu.memory_space<vmem>> -> memref<2048xf32, #tpu.memory_space<vmem>>
      %dma_wait3A_432 = arith.constant 0 : i32
      %dma_wait3A_433 = tpu.memref_slice %arg2[%shift_right_arithmetic3A_356, %add3A_391, %dma_wait3A_432] : memref<96x128x2048xf32, #tpu.memory_space<hbm>> -> memref<1x1x2048xf32, #tpu.memory_space<hbm>>
      %dma_wait3A_434 = tpu.memref_squeeze %dma_wait3A_433 : memref<1x1x2048xf32, #tpu.memory_space<hbm>> -> memref<2048xf32, #tpu.memory_space<hbm>>
      %dma_wait3A_435 = arith.constant 6144 : i32
      %dma_wait3A_436 = tpu.memref_slice %arg5[%dma_wait3A_435] : memref<16384xf32, #tpu.memory_space<vmem>> -> memref<2048xf32, #tpu.memory_space<vmem>>
      %dma_wait3A_437 = arith.constant 0 : i32
      %dma_wait3A_438 = tpu.memref_slice %arg2[%shift_right_arithmetic3A_356, %add3A_391, %dma_wait3A_437] : memref<96x128x2048xf32, #tpu.memory_space<hbm>> -> memref<1x1x2048xf32, #tpu.memory_space<hbm>>
      %dma_wait3A_439 = tpu.memref_squeeze %dma_wait3A_438 : memref<1x1x2048xf32, #tpu.memory_space<hbm>> -> memref<2048xf32, #tpu.memory_space<hbm>>
      tpu.wait_dma2 semaphore(%arg9 : memref<!tpu.dma_semaphore, #tpu.memory_space<semaphore_mem>>) src(%dma_wait3A_439 : memref<2048xf32, #tpu.memory_space<hbm>>) dst(%dma_wait3A_436 : memref<2048xf32, #tpu.memory_space<vmem>>)
      %dma_wait3A_440 = arith.constant 8192 : i32
      %dma_wait3A_441 = tpu.memref_slice %arg5[%dma_wait3A_440] : memref<16384xf32, #tpu.memory_space<vmem>> -> memref<2048xf32, #tpu.memory_space<vmem>>
      %dma_wait3A_442 = arith.constant 0 : i32
      %dma_wait3A_443 = tpu.memref_slice %arg2[%shift_right_arithmetic3A_356, %add3A_393, %dma_wait3A_442] : memref<96x128x2048xf32, #tpu.memory_space<hbm>> -> memref<1x1x2048xf32, #tpu.memory_space<hbm>>
      %dma_wait3A_444 = tpu.memref_squeeze %dma_wait3A_443 : memref<1x1x2048xf32, #tpu.memory_space<hbm>> -> memref<2048xf32, #tpu.memory_space<hbm>>
      %dma_wait3A_445 = arith.constant 8192 : i32
      %dma_wait3A_446 = tpu.memref_slice %arg5[%dma_wait3A_445] : memref<16384xf32, #tpu.memory_space<vmem>> -> memref<2048xf32, #tpu.memory_space<vmem>>
      %dma_wait3A_447 = arith.constant 0 : i32
      %dma_wait3A_448 = tpu.memref_slice %arg2[%shift_right_arithmetic3A_356, %add3A_393, %dma_wait3A_447] : memref<96x128x2048xf32, #tpu.memory_space<hbm>> -> memref<1x1x2048xf32, #tpu.memory_space<hbm>>
      %dma_wait3A_449 = tpu.memref_squeeze %dma_wait3A_448 : memref<1x1x2048xf32, #tpu.memory_space<hbm>> -> memref<2048xf32, #tpu.memory_space<hbm>>
      tpu.wait_dma2 semaphore(%arg9 : memref<!tpu.dma_semaphore, #tpu.memory_space<semaphore_mem>>) src(%dma_wait3A_449 : memref<2048xf32, #tpu.memory_space<hbm>>) dst(%dma_wait3A_446 : memref<2048xf32, #tpu.memory_space<vmem>>)
      %dma_wait3A_450 = arith.constant 10240 : i32
      %dma_wait3A_451 = tpu.memref_slice %arg5[%dma_wait3A_450] : memref<16384xf32, #tpu.memory_space<vmem>> -> memref<2048xf32, #tpu.memory_space<vmem>>
      %dma_wait3A_452 = arith.constant 0 : i32
      %dma_wait3A_453 = tpu.memref_slice %arg2[%shift_right_arithmetic3A_356, %add3A_395, %dma_wait3A_452] : memref<96x128x2048xf32, #tpu.memory_space<hbm>> -> memref<1x1x2048xf32, #tpu.memory_space<hbm>>
      %dma_wait3A_454 = tpu.memref_squeeze %dma_wait3A_453 : memref<1x1x2048xf32, #tpu.memory_space<hbm>> -> memref<2048xf32, #tpu.memory_space<hbm>>
      %dma_wait3A_455 = arith.constant 10240 : i32
      %dma_wait3A_456 = tpu.memref_slice %arg5[%dma_wait3A_455] : memref<16384xf32, #tpu.memory_space<vmem>> -> memref<2048xf32, #tpu.memory_space<vmem>>
      %dma_wait3A_457 = arith.constant 0 : i32
      %dma_wait3A_458 = tpu.memref_slice %arg2[%shift_right_arithmetic3A_356, %add3A_395, %dma_wait3A_457] : memref<96x128x2048xf32, #tpu.memory_space<hbm>> -> memref<1x1x2048xf32, #tpu.memory_space<hbm>>
      %dma_wait3A_459 = tpu.memref_squeeze %dma_wait3A_458 : memref<1x1x2048xf32, #tpu.memory_space<hbm>> -> memref<2048xf32, #tpu.memory_space<hbm>>
      tpu.wait_dma2 semaphore(%arg9 : memref<!tpu.dma_semaphore, #tpu.memory_space<semaphore_mem>>) src(%dma_wait3A_459 : memref<2048xf32, #tpu.memory_space<hbm>>) dst(%dma_wait3A_456 : memref<2048xf32, #tpu.memory_space<vmem>>)
      %dma_wait3A_460 = arith.constant 12288 : i32
      %dma_wait3A_461 = tpu.memref_slice %arg5[%dma_wait3A_460] : memref<16384xf32, #tpu.memory_space<vmem>> -> memref<2048xf32, #tpu.memory_space<vmem>>
      %dma_wait3A_462 = arith.constant 0 : i32
      %dma_wait3A_463 = tpu.memref_slice %arg2[%shift_right_arithmetic3A_356, %add3A_397, %dma_wait3A_462] : memref<96x128x2048xf32, #tpu.memory_space<hbm>> -> memref<1x1x2048xf32, #tpu.memory_space<hbm>>
      %dma_wait3A_464 = tpu.memref_squeeze %dma_wait3A_463 : memref<1x1x2048xf32, #tpu.memory_space<hbm>> -> memref<2048xf32, #tpu.memory_space<hbm>>
      %dma_wait3A_465 = arith.constant 12288 : i32
      %dma_wait3A_466 = tpu.memref_slice %arg5[%dma_wait3A_465] : memref<16384xf32, #tpu.memory_space<vmem>> -> memref<2048xf32, #tpu.memory_space<vmem>>
      %dma_wait3A_467 = arith.constant 0 : i32
      %dma_wait3A_468 = tpu.memref_slice %arg2[%shift_right_arithmetic3A_356, %add3A_397, %dma_wait3A_467] : memref<96x128x2048xf32, #tpu.memory_space<hbm>> -> memref<1x1x2048xf32, #tpu.memory_space<hbm>>
      %dma_wait3A_469 = tpu.memref_squeeze %dma_wait3A_468 : memref<1x1x2048xf32, #tpu.memory_space<hbm>> -> memref<2048xf32, #tpu.memory_space<hbm>>
      tpu.wait_dma2 semaphore(%arg9 : memref<!tpu.dma_semaphore, #tpu.memory_space<semaphore_mem>>) src(%dma_wait3A_469 : memref<2048xf32, #tpu.memory_space<hbm>>) dst(%dma_wait3A_466 : memref<2048xf32, #tpu.memory_space<vmem>>)
      %dma_wait3A_470 = arith.constant 14336 : i32
      %dma_wait3A_471 = tpu.memref_slice %arg5[%dma_wait3A_470] : memref<16384xf32, #tpu.memory_space<vmem>> -> memref<2048xf32, #tpu.memory_space<vmem>>
      %dma_wait3A_472 = arith.constant 0 : i32
      %dma_wait3A_473 = tpu.memref_slice %arg2[%shift_right_arithmetic3A_356, %add3A_399, %dma_wait3A_472] : memref<96x128x2048xf32, #tpu.memory_space<hbm>> -> memref<1x1x2048xf32, #tpu.memory_space<hbm>>
      %dma_wait3A_474 = tpu.memref_squeeze %dma_wait3A_473 : memref<1x1x2048xf32, #tpu.memory_space<hbm>> -> memref<2048xf32, #tpu.memory_space<hbm>>
      %dma_wait3A_475 = arith.constant 14336 : i32
      %dma_wait3A_476 = tpu.memref_slice %arg5[%dma_wait3A_475] : memref<16384xf32, #tpu.memory_space<vmem>> -> memref<2048xf32, #tpu.memory_space<vmem>>
      %dma_wait3A_477 = arith.constant 0 : i32
      %dma_wait3A_478 = tpu.memref_slice %arg2[%shift_right_arithmetic3A_356, %add3A_399, %dma_wait3A_477] : memref<96x128x2048xf32, #tpu.memory_space<hbm>> -> memref<1x1x2048xf32, #tpu.memory_space<hbm>>
      %dma_wait3A_479 = tpu.memref_squeeze %dma_wait3A_478 : memref<1x1x2048xf32, #tpu.memory_space<hbm>> -> memref<2048xf32, #tpu.memory_space<hbm>>
      tpu.wait_dma2 semaphore(%arg9 : memref<!tpu.dma_semaphore, #tpu.memory_space<semaphore_mem>>) src(%dma_wait3A_479 : memref<2048xf32, #tpu.memory_space<hbm>>) dst(%dma_wait3A_476 : memref<2048xf32, #tpu.memory_space<vmem>>)
      %lt3A_480 = arith.constant 47 : i32
      %lt3A_481 = arith.cmpi slt, %add3A_351, %lt3A_480 : i32
      %convert_element_type3A_482 = arith.extui %lt3A_481 : i1 to i32
      %cond3A_483 = arith.constant 0 : i32
      %cond3A_484 = arith.cmpi ne, %convert_element_type3A_482, %cond3A_483 : i32
      scf.if %cond3A_484 {
        %add3A_511 = arith.constant 1 : i32
        %add3A_512 = arith.addi %add3A_351, %add3A_511 : i32
        %mul3A_513 = arith.constant 32 : i32
        %mul3A_514 = arith.muli %add3A_512, %mul3A_513 : i32
        %add3A_515 = arith.addi %mul3A_514, %add3A : i32
        %shift_right_arithmetic3A_516 = arith.constant 4 : i32
        %shift_right_arithmetic3A_517 = arith.shrsi %add3A_515, %shift_right_arithmetic3A_516 : i32
        %and3A_518 = arith.constant 15 : i32
        %and3A_519 = arith.andi %add3A_515, %and3A_518 : i32
        %shift_right_arithmetic3A_520 = arith.constant 3 : i32
        %shift_right_arithmetic3A_521 = arith.shrsi %and3A_519, %shift_right_arithmetic3A_520 : i32
        %and3A_522 = arith.constant 1 : i32
        %and3A_523 = arith.andi %shift_right_arithmetic3A_521, %and3A_522 : i32
        %shift_left3A_524 = arith.constant 6 : i32
        %shift_left3A_525 = arith.shli %and3A_523, %shift_left3A_524 : i32
        %shift_right_arithmetic3A_526 = arith.constant 2 : i32
        %shift_right_arithmetic3A_527 = arith.shrsi %and3A_519, %shift_right_arithmetic3A_526 : i32
        %and3A_528 = arith.constant 1 : i32
        %and3A_529 = arith.andi %shift_right_arithmetic3A_527, %and3A_528 : i32
        %shift_left3A_530 = arith.constant 4 : i32
        %shift_left3A_531 = arith.shli %and3A_529, %shift_left3A_530 : i32
        %or3A_532 = arith.ori %shift_left3A_525, %shift_left3A_531 : i32
        %shift_right_arithmetic3A_533 = arith.constant 1 : i32
        %shift_right_arithmetic3A_534 = arith.shrsi %and3A_519, %shift_right_arithmetic3A_533 : i32
        %and3A_535 = arith.constant 1 : i32
        %and3A_536 = arith.andi %shift_right_arithmetic3A_534, %and3A_535 : i32
        %shift_left3A_537 = arith.constant 2 : i32
        %shift_left3A_538 = arith.shli %and3A_536, %shift_left3A_537 : i32
        %or3A_539 = arith.ori %or3A_532, %shift_left3A_538 : i32
        %and3A_540 = arith.constant 1 : i32
        %and3A_541 = arith.andi %and3A_519, %and3A_540 : i32
        %shift_left3A_542 = arith.constant 0 : i32
        %shift_left3A_543 = arith.shli %and3A_541, %shift_left3A_542 : i32
        %or3A_544 = arith.ori %or3A_539, %shift_left3A_543 : i32
        %add3A_545 = arith.constant 0 : i32
        %add3A_546 = arith.addi %or3A_544, %add3A_545 : i32
        %add3A_547 = arith.constant 2 : i32
        %add3A_548 = arith.addi %or3A_544, %add3A_547 : i32
        %add3A_549 = arith.constant 8 : i32
        %add3A_550 = arith.addi %or3A_544, %add3A_549 : i32
        %add3A_551 = arith.constant 10 : i32
        %add3A_552 = arith.addi %or3A_544, %add3A_551 : i32
        %add3A_553 = arith.constant 32 : i32
        %add3A_554 = arith.addi %or3A_544, %add3A_553 : i32
        %add3A_555 = arith.constant 34 : i32
        %add3A_556 = arith.addi %or3A_544, %add3A_555 : i32
        %add3A_557 = arith.constant 40 : i32
        %add3A_558 = arith.addi %or3A_544, %add3A_557 : i32
        %add3A_559 = arith.constant 42 : i32
        %add3A_560 = arith.addi %or3A_544, %add3A_559 : i32
        %dma_start3A_561 = arith.constant 0 : i32
        %dma_start3A_562 = tpu.memref_slice %arg4[%dma_start3A_561] : memref<16384xf32, #tpu.memory_space<vmem>> -> memref<2048xf32, #tpu.memory_space<vmem>>
        %dma_start3A_563 = arith.constant 0 : i32
        %dma_start3A_564 = tpu.memref_slice %arg2[%shift_right_arithmetic3A_517, %add3A_546, %dma_start3A_563] : memref<96x128x2048xf32, #tpu.memory_space<hbm>> -> memref<1x1x2048xf32, #tpu.memory_space<hbm>>
        %dma_start3A_565 = tpu.memref_squeeze %dma_start3A_564 : memref<1x1x2048xf32, #tpu.memory_space<hbm>> -> memref<2048xf32, #tpu.memory_space<hbm>>
        %dma_start3A_566 = arith.constant 0 : i32
        %dma_start3A_567 = tpu.memref_slice %arg4[%dma_start3A_566] : memref<16384xf32, #tpu.memory_space<vmem>> -> memref<2048xf32, #tpu.memory_space<vmem>>
        %dma_start3A_568 = arith.constant 0 : i32
        %dma_start3A_569 = tpu.memref_slice %arg2[%shift_right_arithmetic3A_517, %add3A_546, %dma_start3A_568] : memref<96x128x2048xf32, #tpu.memory_space<hbm>> -> memref<1x1x2048xf32, #tpu.memory_space<hbm>>
        %dma_start3A_570 = tpu.memref_squeeze %dma_start3A_569 : memref<1x1x2048xf32, #tpu.memory_space<hbm>> -> memref<2048xf32, #tpu.memory_space<hbm>>
        tpu.enqueue_dma source(%dma_start3A_570 : memref<2048xf32, #tpu.memory_space<hbm>>) target(%dma_start3A_567 : memref<2048xf32, #tpu.memory_space<vmem>>) target_semaphore(%arg8 : memref<!tpu.dma_semaphore, #tpu.memory_space<semaphore_mem>>)
        %dma_start3A_571 = arith.constant 2048 : i32
        %dma_start3A_572 = tpu.memref_slice %arg4[%dma_start3A_571] : memref<16384xf32, #tpu.memory_space<vmem>> -> memref<2048xf32, #tpu.memory_space<vmem>>
        %dma_start3A_573 = arith.constant 0 : i32
        %dma_start3A_574 = tpu.memref_slice %arg2[%shift_right_arithmetic3A_517, %add3A_548, %dma_start3A_573] : memref<96x128x2048xf32, #tpu.memory_space<hbm>> -> memref<1x1x2048xf32, #tpu.memory_space<hbm>>
        %dma_start3A_575 = tpu.memref_squeeze %dma_start3A_574 : memref<1x1x2048xf32, #tpu.memory_space<hbm>> -> memref<2048xf32, #tpu.memory_space<hbm>>
        %dma_start3A_576 = arith.constant 2048 : i32
        %dma_start3A_577 = tpu.memref_slice %arg4[%dma_start3A_576] : memref<16384xf32, #tpu.memory_space<vmem>> -> memref<2048xf32, #tpu.memory_space<vmem>>
        %dma_start3A_578 = arith.constant 0 : i32
        %dma_start3A_579 = tpu.memref_slice %arg2[%shift_right_arithmetic3A_517, %add3A_548, %dma_start3A_578] : memref<96x128x2048xf32, #tpu.memory_space<hbm>> -> memref<1x1x2048xf32, #tpu.memory_space<hbm>>
        %dma_start3A_580 = tpu.memref_squeeze %dma_start3A_579 : memref<1x1x2048xf32, #tpu.memory_space<hbm>> -> memref<2048xf32, #tpu.memory_space<hbm>>
        tpu.enqueue_dma source(%dma_start3A_580 : memref<2048xf32, #tpu.memory_space<hbm>>) target(%dma_start3A_577 : memref<2048xf32, #tpu.memory_space<vmem>>) target_semaphore(%arg8 : memref<!tpu.dma_semaphore, #tpu.memory_space<semaphore_mem>>)
        %dma_start3A_581 = arith.constant 4096 : i32
        %dma_start3A_582 = tpu.memref_slice %arg4[%dma_start3A_581] : memref<16384xf32, #tpu.memory_space<vmem>> -> memref<2048xf32, #tpu.memory_space<vmem>>
        %dma_start3A_583 = arith.constant 0 : i32
        %dma_start3A_584 = tpu.memref_slice %arg2[%shift_right_arithmetic3A_517, %add3A_550, %dma_start3A_583] : memref<96x128x2048xf32, #tpu.memory_space<hbm>> -> memref<1x1x2048xf32, #tpu.memory_space<hbm>>
        %dma_start3A_585 = tpu.memref_squeeze %dma_start3A_584 : memref<1x1x2048xf32, #tpu.memory_space<hbm>> -> memref<2048xf32, #tpu.memory_space<hbm>>
        %dma_start3A_586 = arith.constant 4096 : i32
        %dma_start3A_587 = tpu.memref_slice %arg4[%dma_start3A_586] : memref<16384xf32, #tpu.memory_space<vmem>> -> memref<2048xf32, #tpu.memory_space<vmem>>
        %dma_start3A_588 = arith.constant 0 : i32
        %dma_start3A_589 = tpu.memref_slice %arg2[%shift_right_arithmetic3A_517, %add3A_550, %dma_start3A_588] : memref<96x128x2048xf32, #tpu.memory_space<hbm>> -> memref<1x1x2048xf32, #tpu.memory_space<hbm>>
        %dma_start3A_590 = tpu.memref_squeeze %dma_start3A_589 : memref<1x1x2048xf32, #tpu.memory_space<hbm>> -> memref<2048xf32, #tpu.memory_space<hbm>>
        tpu.enqueue_dma source(%dma_start3A_590 : memref<2048xf32, #tpu.memory_space<hbm>>) target(%dma_start3A_587 : memref<2048xf32, #tpu.memory_space<vmem>>) target_semaphore(%arg8 : memref<!tpu.dma_semaphore, #tpu.memory_space<semaphore_mem>>)
        %dma_start3A_591 = arith.constant 6144 : i32
        %dma_start3A_592 = tpu.memref_slice %arg4[%dma_start3A_591] : memref<16384xf32, #tpu.memory_space<vmem>> -> memref<2048xf32, #tpu.memory_space<vmem>>
        %dma_start3A_593 = arith.constant 0 : i32
        %dma_start3A_594 = tpu.memref_slice %arg2[%shift_right_arithmetic3A_517, %add3A_552, %dma_start3A_593] : memref<96x128x2048xf32, #tpu.memory_space<hbm>> -> memref<1x1x2048xf32, #tpu.memory_space<hbm>>
        %dma_start3A_595 = tpu.memref_squeeze %dma_start3A_594 : memref<1x1x2048xf32, #tpu.memory_space<hbm>> -> memref<2048xf32, #tpu.memory_space<hbm>>
        %dma_start3A_596 = arith.constant 6144 : i32
        %dma_start3A_597 = tpu.memref_slice %arg4[%dma_start3A_596] : memref<16384xf32, #tpu.memory_space<vmem>> -> memref<2048xf32, #tpu.memory_space<vmem>>
        %dma_start3A_598 = arith.constant 0 : i32
        %dma_start3A_599 = tpu.memref_slice %arg2[%shift_right_arithmetic3A_517, %add3A_552, %dma_start3A_598] : memref<96x128x2048xf32, #tpu.memory_space<hbm>> -> memref<1x1x2048xf32, #tpu.memory_space<hbm>>
        %dma_start3A_600 = tpu.memref_squeeze %dma_start3A_599 : memref<1x1x2048xf32, #tpu.memory_space<hbm>> -> memref<2048xf32, #tpu.memory_space<hbm>>
        tpu.enqueue_dma source(%dma_start3A_600 : memref<2048xf32, #tpu.memory_space<hbm>>) target(%dma_start3A_597 : memref<2048xf32, #tpu.memory_space<vmem>>) target_semaphore(%arg8 : memref<!tpu.dma_semaphore, #tpu.memory_space<semaphore_mem>>)
        %dma_start3A_601 = arith.constant 8192 : i32
        %dma_start3A_602 = tpu.memref_slice %arg4[%dma_start3A_601] : memref<16384xf32, #tpu.memory_space<vmem>> -> memref<2048xf32, #tpu.memory_space<vmem>>
        %dma_start3A_603 = arith.constant 0 : i32
        %dma_start3A_604 = tpu.memref_slice %arg2[%shift_right_arithmetic3A_517, %add3A_554, %dma_start3A_603] : memref<96x128x2048xf32, #tpu.memory_space<hbm>> -> memref<1x1x2048xf32, #tpu.memory_space<hbm>>
        %dma_start3A_605 = tpu.memref_squeeze %dma_start3A_604 : memref<1x1x2048xf32, #tpu.memory_space<hbm>> -> memref<2048xf32, #tpu.memory_space<hbm>>
        %dma_start3A_606 = arith.constant 8192 : i32
        %dma_start3A_607 = tpu.memref_slice %arg4[%dma_start3A_606] : memref<16384xf32, #tpu.memory_space<vmem>> -> memref<2048xf32, #tpu.memory_space<vmem>>
        %dma_start3A_608 = arith.constant 0 : i32
        %dma_start3A_609 = tpu.memref_slice %arg2[%shift_right_arithmetic3A_517, %add3A_554, %dma_start3A_608] : memref<96x128x2048xf32, #tpu.memory_space<hbm>> -> memref<1x1x2048xf32, #tpu.memory_space<hbm>>
        %dma_start3A_610 = tpu.memref_squeeze %dma_start3A_609 : memref<1x1x2048xf32, #tpu.memory_space<hbm>> -> memref<2048xf32, #tpu.memory_space<hbm>>
        tpu.enqueue_dma source(%dma_start3A_610 : memref<2048xf32, #tpu.memory_space<hbm>>) target(%dma_start3A_607 : memref<2048xf32, #tpu.memory_space<vmem>>) target_semaphore(%arg8 : memref<!tpu.dma_semaphore, #tpu.memory_space<semaphore_mem>>)
        %dma_start3A_611 = arith.constant 10240 : i32
        %dma_start3A_612 = tpu.memref_slice %arg4[%dma_start3A_611] : memref<16384xf32, #tpu.memory_space<vmem>> -> memref<2048xf32, #tpu.memory_space<vmem>>
        %dma_start3A_613 = arith.constant 0 : i32
        %dma_start3A_614 = tpu.memref_slice %arg2[%shift_right_arithmetic3A_517, %add3A_556, %dma_start3A_613] : memref<96x128x2048xf32, #tpu.memory_space<hbm>> -> memref<1x1x2048xf32, #tpu.memory_space<hbm>>
        %dma_start3A_615 = tpu.memref_squeeze %dma_start3A_614 : memref<1x1x2048xf32, #tpu.memory_space<hbm>> -> memref<2048xf32, #tpu.memory_space<hbm>>
        %dma_start3A_616 = arith.constant 10240 : i32
        %dma_start3A_617 = tpu.memref_slice %arg4[%dma_start3A_616] : memref<16384xf32, #tpu.memory_space<vmem>> -> memref<2048xf32, #tpu.memory_space<vmem>>
        %dma_start3A_618 = arith.constant 0 : i32
        %dma_start3A_619 = tpu.memref_slice %arg2[%shift_right_arithmetic3A_517, %add3A_556, %dma_start3A_618] : memref<96x128x2048xf32, #tpu.memory_space<hbm>> -> memref<1x1x2048xf32, #tpu.memory_space<hbm>>
        %dma_start3A_620 = tpu.memref_squeeze %dma_start3A_619 : memref<1x1x2048xf32, #tpu.memory_space<hbm>> -> memref<2048xf32, #tpu.memory_space<hbm>>
        tpu.enqueue_dma source(%dma_start3A_620 : memref<2048xf32, #tpu.memory_space<hbm>>) target(%dma_start3A_617 : memref<2048xf32, #tpu.memory_space<vmem>>) target_semaphore(%arg8 : memref<!tpu.dma_semaphore, #tpu.memory_space<semaphore_mem>>)
        %dma_start3A_621 = arith.constant 12288 : i32
        %dma_start3A_622 = tpu.memref_slice %arg4[%dma_start3A_621] : memref<16384xf32, #tpu.memory_space<vmem>> -> memref<2048xf32, #tpu.memory_space<vmem>>
        %dma_start3A_623 = arith.constant 0 : i32
        %dma_start3A_624 = tpu.memref_slice %arg2[%shift_right_arithmetic3A_517, %add3A_558, %dma_start3A_623] : memref<96x128x2048xf32, #tpu.memory_space<hbm>> -> memref<1x1x2048xf32, #tpu.memory_space<hbm>>
        %dma_start3A_625 = tpu.memref_squeeze %dma_start3A_624 : memref<1x1x2048xf32, #tpu.memory_space<hbm>> -> memref<2048xf32, #tpu.memory_space<hbm>>
        %dma_start3A_626 = arith.constant 12288 : i32
        %dma_start3A_627 = tpu.memref_slice %arg4[%dma_start3A_626] : memref<16384xf32, #tpu.memory_space<vmem>> -> memref<2048xf32, #tpu.memory_space<vmem>>
        %dma_start3A_628 = arith.constant 0 : i32
        %dma_start3A_629 = tpu.memref_slice %arg2[%shift_right_arithmetic3A_517, %add3A_558, %dma_start3A_628] : memref<96x128x2048xf32, #tpu.memory_space<hbm>> -> memref<1x1x2048xf32, #tpu.memory_space<hbm>>
        %dma_start3A_630 = tpu.memref_squeeze %dma_start3A_629 : memref<1x1x2048xf32, #tpu.memory_space<hbm>> -> memref<2048xf32, #tpu.memory_space<hbm>>
        tpu.enqueue_dma source(%dma_start3A_630 : memref<2048xf32, #tpu.memory_space<hbm>>) target(%dma_start3A_627 : memref<2048xf32, #tpu.memory_space<vmem>>) target_semaphore(%arg8 : memref<!tpu.dma_semaphore, #tpu.memory_space<semaphore_mem>>)
        %dma_start3A_631 = arith.constant 14336 : i32
        %dma_start3A_632 = tpu.memref_slice %arg4[%dma_start3A_631] : memref<16384xf32, #tpu.memory_space<vmem>> -> memref<2048xf32, #tpu.memory_space<vmem>>
        %dma_start3A_633 = arith.constant 0 : i32
        %dma_start3A_634 = tpu.memref_slice %arg2[%shift_right_arithmetic3A_517, %add3A_560, %dma_start3A_633] : memref<96x128x2048xf32, #tpu.memory_space<hbm>> -> memref<1x1x2048xf32, #tpu.memory_space<hbm>>
        %dma_start3A_635 = tpu.memref_squeeze %dma_start3A_634 : memref<1x1x2048xf32, #tpu.memory_space<hbm>> -> memref<2048xf32, #tpu.memory_space<hbm>>
        %dma_start3A_636 = arith.constant 14336 : i32
        %dma_start3A_637 = tpu.memref_slice %arg4[%dma_start3A_636] : memref<16384xf32, #tpu.memory_space<vmem>> -> memref<2048xf32, #tpu.memory_space<vmem>>
        %dma_start3A_638 = arith.constant 0 : i32
        %dma_start3A_639 = tpu.memref_slice %arg2[%shift_right_arithmetic3A_517, %add3A_560, %dma_start3A_638] : memref<96x128x2048xf32, #tpu.memory_space<hbm>> -> memref<1x1x2048xf32, #tpu.memory_space<hbm>>
        %dma_start3A_640 = tpu.memref_squeeze %dma_start3A_639 : memref<1x1x2048xf32, #tpu.memory_space<hbm>> -> memref<2048xf32, #tpu.memory_space<hbm>>
        tpu.enqueue_dma source(%dma_start3A_640 : memref<2048xf32, #tpu.memory_space<hbm>>) target(%dma_start3A_637 : memref<2048xf32, #tpu.memory_space<vmem>>) target_semaphore(%arg8 : memref<!tpu.dma_semaphore, #tpu.memory_space<semaphore_mem>>)
      } else {
      }
      %ge3A_485 = arith.constant 2 : i32
      %ge3A_486 = arith.cmpi sge, %add3A_351, %ge3A_485 : i32
      %convert_element_type3A_487 = arith.extui %ge3A_486 : i1 to i32
      %cond3A_488 = arith.constant 0 : i32
      %cond3A_489 = arith.cmpi ne, %convert_element_type3A_487, %cond3A_488 : i32
      scf.if %cond3A_489 {
        %sub3A = arith.constant 2 : i32
        %sub3A_511 = arith.subi %add3A_351, %sub3A : i32
        %mul3A_512 = arith.constant 32 : i32
        %mul3A_513 = arith.muli %sub3A_511, %mul3A_512 : i32
        %add3A_514 = arith.addi %mul3A_513, %add3A : i32
        %shift_right_arithmetic3A_515 = arith.constant 4 : i32
        %shift_right_arithmetic3A_516 = arith.shrsi %add3A_514, %shift_right_arithmetic3A_515 : i32
        %and3A_517 = arith.constant 15 : i32
        %and3A_518 = arith.andi %add3A_514, %and3A_517 : i32
        %mul3A_519 = arith.constant 32 : i32
        %mul3A_520 = arith.muli %and3A_518, %mul3A_519 : i32
        %dma_wait3A_521 = arith.constant 0 : i32
        %dma_wait3A_522 = tpu.memref_slice %arg3[%shift_right_arithmetic3A_516, %mul3A_520, %dma_wait3A_521] : memref<96x512x512xf32, #tpu.memory_space<hbm>> -> memref<1x32x512xf32, #tpu.memory_space<hbm>>
        %dma_wait3A_523 = tpu.memref_squeeze %dma_wait3A_522 : memref<1x32x512xf32, #tpu.memory_space<hbm>> -> memref<32x512xf32, #tpu.memory_space<hbm>>
        %dma_wait3A_524 = arith.constant 0 : i32
        %dma_wait3A_525 = tpu.memref_slice %arg3[%shift_right_arithmetic3A_516, %mul3A_520, %dma_wait3A_524] : memref<96x512x512xf32, #tpu.memory_space<hbm>> -> memref<1x32x512xf32, #tpu.memory_space<hbm>>
        %dma_wait3A_526 = tpu.memref_squeeze %dma_wait3A_525 : memref<1x32x512xf32, #tpu.memory_space<hbm>> -> memref<32x512xf32, #tpu.memory_space<hbm>>
        tpu.wait_dma2 semaphore(%arg11 : memref<!tpu.dma_semaphore, #tpu.memory_space<semaphore_mem>>) src(%arg7 : memref<32x512xf32, #tpu.memory_space<vmem>>) dst(%dma_wait3A_526 : memref<32x512xf32, #tpu.memory_space<hbm>>)
      } else {
      }
      %scan3A_490 = arith.constant 0 : i32
      %scan3A_491 = arith.constant 0 : i32
      %scan3A_492 = arith.constant 32 : i32
      %scan3A_493 = arith.addi %scan3A_491, %scan3A_492 : i32
      %scan3A_494 = arith.constant 1 : i32
      scf.for %scan3A_511 = %scan3A_491 to %scan3A_493 step %scan3A_494  : i32 {
        %and3A_512 = arith.constant 1 : i32
        %and3A_513 = arith.andi %scan3A_511, %and3A_512 : i32
        %shift_left3A_514 = arith.constant 1 : i32
        %shift_left3A_515 = arith.shli %and3A_513, %shift_left3A_514 : i32
        %shift_right_arithmetic3A_516 = arith.constant 1 : i32
        %shift_right_arithmetic3A_517 = arith.shrsi %scan3A_511, %shift_right_arithmetic3A_516 : i32
        %and3A_518 = arith.constant 1 : i32
        %and3A_519 = arith.andi %shift_right_arithmetic3A_517, %and3A_518 : i32
        %shift_left3A_520 = arith.constant 3 : i32
        %shift_left3A_521 = arith.shli %and3A_519, %shift_left3A_520 : i32
        %or3A_522 = arith.ori %shift_left3A_515, %shift_left3A_521 : i32
        %shift_right_arithmetic3A_523 = arith.constant 2 : i32
        %shift_right_arithmetic3A_524 = arith.shrsi %scan3A_511, %shift_right_arithmetic3A_523 : i32
        %and3A_525 = arith.constant 1 : i32
        %and3A_526 = arith.andi %shift_right_arithmetic3A_524, %and3A_525 : i32
        %shift_left3A_527 = arith.constant 5 : i32
        %shift_left3A_528 = arith.shli %and3A_526, %shift_left3A_527 : i32
        %or3A_529 = arith.ori %or3A_522, %shift_left3A_528 : i32
        %shift_right_arithmetic3A_530 = arith.constant 3 : i32
        %shift_right_arithmetic3A_531 = arith.shrsi %scan3A_511, %shift_right_arithmetic3A_530 : i32
        %and3A_532 = arith.constant 1 : i32
        %and3A_533 = arith.andi %shift_right_arithmetic3A_531, %and3A_532 : i32
        %shift_left3A_534 = arith.constant 7 : i32
        %shift_left3A_535 = arith.shli %and3A_533, %shift_left3A_534 : i32
        %or3A_536 = arith.ori %or3A_529, %shift_left3A_535 : i32
        %shift_right_arithmetic3A_537 = arith.constant 4 : i32
        %shift_right_arithmetic3A_538 = arith.shrsi %scan3A_511, %shift_right_arithmetic3A_537 : i32
        %and3A_539 = arith.constant 1 : i32
        %and3A_540 = arith.andi %shift_right_arithmetic3A_538, %and3A_539 : i32
        %shift_left3A_541 = arith.constant 9 : i32
        %shift_left3A_542 = arith.shli %and3A_540, %shift_left3A_541 : i32
        %or3A_543 = arith.ori %or3A_536, %shift_left3A_542 : i32
        %add3A_544 = vector.broadcast %or3A_543 : i32 to vector<16xi32>
        %add3A_545 = arith.addi %add3A_31, %add3A_544 : vector<16xi32>
        %add3A_546 = arith.constant 0 : i32
        %add3A_547 = vector.broadcast %add3A_546 : i32 to vector<16xi32>
        %add3A_548 = arith.addi %add3A_545, %add3A_547 : vector<16xi32>
        %gather3A = tpu.vector_load_idx %arg5[%add3A_548] : memref<16384xf32, #tpu.memory_space<vmem>>[vector<16xi32>], vector<16xf32>,
        %swap3A = arith.index_cast %scan3A_511 : i32 to index
        %swap3A_549 = arith.constant 0 : index
        %swap3A_550 = tpu.vector_load %arg7[%swap3A, %swap3A_549] {strides = array<i32>} : memref<32x512xf32, #tpu.memory_space<vmem>>, vector<16xf32>,
        tpu.vector_store %arg7[%swap3A, %swap3A_549], %gather3A {strides = array<i32>} : memref<32x512xf32, #tpu.memory_space<vmem>>, vector<16xf32>,
        %add3A_551 = arith.constant 256 : i32
        %add3A_552 = vector.broadcast %add3A_551 : i32 to vector<16xi32>
        %add3A_553 = arith.addi %add3A_545, %add3A_552 : vector<16xi32>
        %gather3A_554 = tpu.vector_load_idx %arg5[%add3A_553] : memref<16384xf32, #tpu.memory_space<vmem>>[vector<16xi32>], vector<16xf32>,
        %swap3A_555 = arith.index_cast %scan3A_511 : i32 to index
        %swap3A_556 = arith.constant 16 : index
        %swap3A_557 = tpu.vector_load %arg7[%swap3A_555, %swap3A_556] {strides = array<i32>} : memref<32x512xf32, #tpu.memory_space<vmem>>, vector<16xf32>,
        tpu.vector_store %arg7[%swap3A_555, %swap3A_556], %gather3A_554 {strides = array<i32>} : memref<32x512xf32, #tpu.memory_space<vmem>>, vector<16xf32>,
        %add3A_558 = arith.constant 1024 : i32
        %add3A_559 = vector.broadcast %add3A_558 : i32 to vector<16xi32>
        %add3A_560 = arith.addi %add3A_545, %add3A_559 : vector<16xi32>
        %gather3A_561 = tpu.vector_load_idx %arg5[%add3A_560] : memref<16384xf32, #tpu.memory_space<vmem>>[vector<16xi32>], vector<16xf32>,
        %swap3A_562 = arith.index_cast %scan3A_511 : i32 to index
        %swap3A_563 = arith.constant 32 : index
        %swap3A_564 = tpu.vector_load %arg7[%swap3A_562, %swap3A_563] {strides = array<i32>} : memref<32x512xf32, #tpu.memory_space<vmem>>, vector<16xf32>,
        tpu.vector_store %arg7[%swap3A_562, %swap3A_563], %gather3A_561 {strides = array<i32>} : memref<32x512xf32, #tpu.memory_space<vmem>>, vector<16xf32>,
        %add3A_565 = arith.constant 1280 : i32
        %add3A_566 = vector.broadcast %add3A_565 : i32 to vector<16xi32>
        %add3A_567 = arith.addi %add3A_545, %add3A_566 : vector<16xi32>
        %gather3A_568 = tpu.vector_load_idx %arg5[%add3A_567] : memref<16384xf32, #tpu.memory_space<vmem>>[vector<16xi32>], vector<16xf32>,
        %swap3A_569 = arith.index_cast %scan3A_511 : i32 to index
        %swap3A_570 = arith.constant 48 : index
        %swap3A_571 = tpu.vector_load %arg7[%swap3A_569, %swap3A_570] {strides = array<i32>} : memref<32x512xf32, #tpu.memory_space<vmem>>, vector<16xf32>,
        tpu.vector_store %arg7[%swap3A_569, %swap3A_570], %gather3A_568 {strides = array<i32>} : memref<32x512xf32, #tpu.memory_space<vmem>>, vector<16xf32>,
        %add3A_572 = arith.constant 2048 : i32
        %add3A_573 = vector.broadcast %add3A_572 : i32 to vector<16xi32>
        %add3A_574 = arith.addi %add3A_545, %add3A_573 : vector<16xi32>
        %gather3A_575 = tpu.vector_load_idx %arg5[%add3A_574] : memref<16384xf32, #tpu.memory_space<vmem>>[vector<16xi32>], vector<16xf32>,
        %swap3A_576 = arith.index_cast %scan3A_511 : i32 to index
        %swap3A_577 = arith.constant 64 : index
        %swap3A_578 = tpu.vector_load %arg7[%swap3A_576, %swap3A_577] {strides = array<i32>} : memref<32x512xf32, #tpu.memory_space<vmem>>, vector<16xf32>,
        tpu.vector_store %arg7[%swap3A_576, %swap3A_577], %gather3A_575 {strides = array<i32>} : memref<32x512xf32, #tpu.memory_space<vmem>>, vector<16xf32>,
        %add3A_579 = arith.constant 2304 : i32
        %add3A_580 = vector.broadcast %add3A_579 : i32 to vector<16xi32>
        %add3A_581 = arith.addi %add3A_545, %add3A_580 : vector<16xi32>
        %gather3A_582 = tpu.vector_load_idx %arg5[%add3A_581] : memref<16384xf32, #tpu.memory_space<vmem>>[vector<16xi32>], vector<16xf32>,
        %swap3A_583 = arith.index_cast %scan3A_511 : i32 to index
        %swap3A_584 = arith.constant 80 : index
        %swap3A_585 = tpu.vector_load %arg7[%swap3A_583, %swap3A_584] {strides = array<i32>} : memref<32x512xf32, #tpu.memory_space<vmem>>, vector<16xf32>,
        tpu.vector_store %arg7[%swap3A_583, %swap3A_584], %gather3A_582 {strides = array<i32>} : memref<32x512xf32, #tpu.memory_space<vmem>>, vector<16xf32>,
        %add3A_586 = arith.constant 3072 : i32
        %add3A_587 = vector.broadcast %add3A_586 : i32 to vector<16xi32>
        %add3A_588 = arith.addi %add3A_545, %add3A_587 : vector<16xi32>
        %gather3A_589 = tpu.vector_load_idx %arg5[%add3A_588] : memref<16384xf32, #tpu.memory_space<vmem>>[vector<16xi32>], vector<16xf32>,
        %swap3A_590 = arith.index_cast %scan3A_511 : i32 to index
        %swap3A_591 = arith.constant 96 : index
        %swap3A_592 = tpu.vector_load %arg7[%swap3A_590, %swap3A_591] {strides = array<i32>} : memref<32x512xf32, #tpu.memory_space<vmem>>, vector<16xf32>,
        tpu.vector_store %arg7[%swap3A_590, %swap3A_591], %gather3A_589 {strides = array<i32>} : memref<32x512xf32, #tpu.memory_space<vmem>>, vector<16xf32>,
        %add3A_593 = arith.constant 3328 : i32
        %add3A_594 = vector.broadcast %add3A_593 : i32 to vector<16xi32>
        %add3A_595 = arith.addi %add3A_545, %add3A_594 : vector<16xi32>
        %gather3A_596 = tpu.vector_load_idx %arg5[%add3A_595] : memref<16384xf32, #tpu.memory_space<vmem>>[vector<16xi32>], vector<16xf32>,
        %swap3A_597 = arith.index_cast %scan3A_511 : i32 to index
        %swap3A_598 = arith.constant 112 : index
        %swap3A_599 = tpu.vector_load %arg7[%swap3A_597, %swap3A_598] {strides = array<i32>} : memref<32x512xf32, #tpu.memory_space<vmem>>, vector<16xf32>,
        tpu.vector_store %arg7[%swap3A_597, %swap3A_598], %gather3A_596 {strides = array<i32>} : memref<32x512xf32, #tpu.memory_space<vmem>>, vector<16xf32>,
        %add3A_600 = arith.constant 4096 : i32
        %add3A_601 = vector.broadcast %add3A_600 : i32 to vector<16xi32>
        %add3A_602 = arith.addi %add3A_545, %add3A_601 : vector<16xi32>
        %gather3A_603 = tpu.vector_load_idx %arg5[%add3A_602] : memref<16384xf32, #tpu.memory_space<vmem>>[vector<16xi32>], vector<16xf32>,
        %swap3A_604 = arith.index_cast %scan3A_511 : i32 to index
        %swap3A_605 = arith.constant 128 : index
        %swap3A_606 = tpu.vector_load %arg7[%swap3A_604, %swap3A_605] {strides = array<i32>} : memref<32x512xf32, #tpu.memory_space<vmem>>, vector<16xf32>,
        tpu.vector_store %arg7[%swap3A_604, %swap3A_605], %gather3A_603 {strides = array<i32>} : memref<32x512xf32, #tpu.memory_space<vmem>>, vector<16xf32>,
        %add3A_607 = arith.constant 4352 : i32
        %add3A_608 = vector.broadcast %add3A_607 : i32 to vector<16xi32>
        %add3A_609 = arith.addi %add3A_545, %add3A_608 : vector<16xi32>
        %gather3A_610 = tpu.vector_load_idx %arg5[%add3A_609] : memref<16384xf32, #tpu.memory_space<vmem>>[vector<16xi32>], vector<16xf32>,
        %swap3A_611 = arith.index_cast %scan3A_511 : i32 to index
        %swap3A_612 = arith.constant 144 : index
        %swap3A_613 = tpu.vector_load %arg7[%swap3A_611, %swap3A_612] {strides = array<i32>} : memref<32x512xf32, #tpu.memory_space<vmem>>, vector<16xf32>,
        tpu.vector_store %arg7[%swap3A_611, %swap3A_612], %gather3A_610 {strides = array<i32>} : memref<32x512xf32, #tpu.memory_space<vmem>>, vector<16xf32>,
        %add3A_614 = arith.constant 5120 : i32
        %add3A_615 = vector.broadcast %add3A_614 : i32 to vector<16xi32>
        %add3A_616 = arith.addi %add3A_545, %add3A_615 : vector<16xi32>
        %gather3A_617 = tpu.vector_load_idx %arg5[%add3A_616] : memref<16384xf32, #tpu.memory_space<vmem>>[vector<16xi32>], vector<16xf32>,
        %swap3A_618 = arith.index_cast %scan3A_511 : i32 to index
        %swap3A_619 = arith.constant 160 : index
        %swap3A_620 = tpu.vector_load %arg7[%swap3A_618, %swap3A_619] {strides = array<i32>} : memref<32x512xf32, #tpu.memory_space<vmem>>, vector<16xf32>,
        tpu.vector_store %arg7[%swap3A_618, %swap3A_619], %gather3A_617 {strides = array<i32>} : memref<32x512xf32, #tpu.memory_space<vmem>>, vector<16xf32>,
        %add3A_621 = arith.constant 5376 : i32
        %add3A_622 = vector.broadcast %add3A_621 : i32 to vector<16xi32>
        %add3A_623 = arith.addi %add3A_545, %add3A_622 : vector<16xi32>
        %gather3A_624 = tpu.vector_load_idx %arg5[%add3A_623] : memref<16384xf32, #tpu.memory_space<vmem>>[vector<16xi32>], vector<16xf32>,
        %swap3A_625 = arith.index_cast %scan3A_511 : i32 to index
        %swap3A_626 = arith.constant 176 : index
        %swap3A_627 = tpu.vector_load %arg7[%swap3A_625, %swap3A_626] {strides = array<i32>} : memref<32x512xf32, #tpu.memory_space<vmem>>, vector<16xf32>,
        tpu.vector_store %arg7[%swap3A_625, %swap3A_626], %gather3A_624 {strides = array<i32>} : memref<32x512xf32, #tpu.memory_space<vmem>>, vector<16xf32>,
        %add3A_628 = arith.constant 6144 : i32
        %add3A_629 = vector.broadcast %add3A_628 : i32 to vector<16xi32>
        %add3A_630 = arith.addi %add3A_545, %add3A_629 : vector<16xi32>
        %gather3A_631 = tpu.vector_load_idx %arg5[%add3A_630] : memref<16384xf32, #tpu.memory_space<vmem>>[vector<16xi32>], vector<16xf32>,
        %swap3A_632 = arith.index_cast %scan3A_511 : i32 to index
        %swap3A_633 = arith.constant 192 : index
        %swap3A_634 = tpu.vector_load %arg7[%swap3A_632, %swap3A_633] {strides = array<i32>} : memref<32x512xf32, #tpu.memory_space<vmem>>, vector<16xf32>,
        tpu.vector_store %arg7[%swap3A_632, %swap3A_633], %gather3A_631 {strides = array<i32>} : memref<32x512xf32, #tpu.memory_space<vmem>>, vector<16xf32>,
        %add3A_635 = arith.constant 6400 : i32
        %add3A_636 = vector.broadcast %add3A_635 : i32 to vector<16xi32>
        %add3A_637 = arith.addi %add3A_545, %add3A_636 : vector<16xi32>
        %gather3A_638 = tpu.vector_load_idx %arg5[%add3A_637] : memref<16384xf32, #tpu.memory_space<vmem>>[vector<16xi32>], vector<16xf32>,
        %swap3A_639 = arith.index_cast %scan3A_511 : i32 to index
        %swap3A_640 = arith.constant 208 : index
        %swap3A_641 = tpu.vector_load %arg7[%swap3A_639, %swap3A_640] {strides = array<i32>} : memref<32x512xf32, #tpu.memory_space<vmem>>, vector<16xf32>,
        tpu.vector_store %arg7[%swap3A_639, %swap3A_640], %gather3A_638 {strides = array<i32>} : memref<32x512xf32, #tpu.memory_space<vmem>>, vector<16xf32>,
        %add3A_642 = arith.constant 7168 : i32
        %add3A_643 = vector.broadcast %add3A_642 : i32 to vector<16xi32>
        %add3A_644 = arith.addi %add3A_545, %add3A_643 : vector<16xi32>
        %gather3A_645 = tpu.vector_load_idx %arg5[%add3A_644] : memref<16384xf32, #tpu.memory_space<vmem>>[vector<16xi32>], vector<16xf32>,
        %swap3A_646 = arith.index_cast %scan3A_511 : i32 to index
        %swap3A_647 = arith.constant 224 : index
        %swap3A_648 = tpu.vector_load %arg7[%swap3A_646, %swap3A_647] {strides = array<i32>} : memref<32x512xf32, #tpu.memory_space<vmem>>, vector<16xf32>,
        tpu.vector_store %arg7[%swap3A_646, %swap3A_647], %gather3A_645 {strides = array<i32>} : memref<32x512xf32, #tpu.memory_space<vmem>>, vector<16xf32>,
        %add3A_649 = arith.constant 7424 : i32
        %add3A_650 = vector.broadcast %add3A_649 : i32 to vector<16xi32>
        %add3A_651 = arith.addi %add3A_545, %add3A_650 : vector<16xi32>
        %gather3A_652 = tpu.vector_load_idx %arg5[%add3A_651] : memref<16384xf32, #tpu.memory_space<vmem>>[vector<16xi32>], vector<16xf32>,
        %swap3A_653 = arith.index_cast %scan3A_511 : i32 to index
        %swap3A_654 = arith.constant 240 : index
        %swap3A_655 = tpu.vector_load %arg7[%swap3A_653, %swap3A_654] {strides = array<i32>} : memref<32x512xf32, #tpu.memory_space<vmem>>, vector<16xf32>,
        tpu.vector_store %arg7[%swap3A_653, %swap3A_654], %gather3A_652 {strides = array<i32>} : memref<32x512xf32, #tpu.memory_space<vmem>>, vector<16xf32>,
        %add3A_656 = arith.constant 8192 : i32
        %add3A_657 = vector.broadcast %add3A_656 : i32 to vector<16xi32>
        %add3A_658 = arith.addi %add3A_545, %add3A_657 : vector<16xi32>
        %gather3A_659 = tpu.vector_load_idx %arg5[%add3A_658] : memref<16384xf32, #tpu.memory_space<vmem>>[vector<16xi32>], vector<16xf32>,
        %swap3A_660 = arith.index_cast %scan3A_511 : i32 to index
        %swap3A_661 = arith.constant 256 : index
        %swap3A_662 = tpu.vector_load %arg7[%swap3A_660, %swap3A_661] {strides = array<i32>} : memref<32x512xf32, #tpu.memory_space<vmem>>, vector<16xf32>,
        tpu.vector_store %arg7[%swap3A_660, %swap3A_661], %gather3A_659 {strides = array<i32>} : memref<32x512xf32, #tpu.memory_space<vmem>>, vector<16xf32>,
        %add3A_663 = arith.constant 8448 : i32
        %add3A_664 = vector.broadcast %add3A_663 : i32 to vector<16xi32>
        %add3A_665 = arith.addi %add3A_545, %add3A_664 : vector<16xi32>
        %gather3A_666 = tpu.vector_load_idx %arg5[%add3A_665] : memref<16384xf32, #tpu.memory_space<vmem>>[vector<16xi32>], vector<16xf32>,
        %swap3A_667 = arith.index_cast %scan3A_511 : i32 to index
        %swap3A_668 = arith.constant 272 : index
        %swap3A_669 = tpu.vector_load %arg7[%swap3A_667, %swap3A_668] {strides = array<i32>} : memref<32x512xf32, #tpu.memory_space<vmem>>, vector<16xf32>,
        tpu.vector_store %arg7[%swap3A_667, %swap3A_668], %gather3A_666 {strides = array<i32>} : memref<32x512xf32, #tpu.memory_space<vmem>>, vector<16xf32>,
        %add3A_670 = arith.constant 9216 : i32
        %add3A_671 = vector.broadcast %add3A_670 : i32 to vector<16xi32>
        %add3A_672 = arith.addi %add3A_545, %add3A_671 : vector<16xi32>
        %gather3A_673 = tpu.vector_load_idx %arg5[%add3A_672] : memref<16384xf32, #tpu.memory_space<vmem>>[vector<16xi32>], vector<16xf32>,
        %swap3A_674 = arith.index_cast %scan3A_511 : i32 to index
        %swap3A_675 = arith.constant 288 : index
        %swap3A_676 = tpu.vector_load %arg7[%swap3A_674, %swap3A_675] {strides = array<i32>} : memref<32x512xf32, #tpu.memory_space<vmem>>, vector<16xf32>,
        tpu.vector_store %arg7[%swap3A_674, %swap3A_675], %gather3A_673 {strides = array<i32>} : memref<32x512xf32, #tpu.memory_space<vmem>>, vector<16xf32>,
        %add3A_677 = arith.constant 9472 : i32
        %add3A_678 = vector.broadcast %add3A_677 : i32 to vector<16xi32>
        %add3A_679 = arith.addi %add3A_545, %add3A_678 : vector<16xi32>
        %gather3A_680 = tpu.vector_load_idx %arg5[%add3A_679] : memref<16384xf32, #tpu.memory_space<vmem>>[vector<16xi32>], vector<16xf32>,
        %swap3A_681 = arith.index_cast %scan3A_511 : i32 to index
        %swap3A_682 = arith.constant 304 : index
        %swap3A_683 = tpu.vector_load %arg7[%swap3A_681, %swap3A_682] {strides = array<i32>} : memref<32x512xf32, #tpu.memory_space<vmem>>, vector<16xf32>,
        tpu.vector_store %arg7[%swap3A_681, %swap3A_682], %gather3A_680 {strides = array<i32>} : memref<32x512xf32, #tpu.memory_space<vmem>>, vector<16xf32>,
        %add3A_684 = arith.constant 10240 : i32
        %add3A_685 = vector.broadcast %add3A_684 : i32 to vector<16xi32>
        %add3A_686 = arith.addi %add3A_545, %add3A_685 : vector<16xi32>
        %gather3A_687 = tpu.vector_load_idx %arg5[%add3A_686] : memref<16384xf32, #tpu.memory_space<vmem>>[vector<16xi32>], vector<16xf32>,
        %swap3A_688 = arith.index_cast %scan3A_511 : i32 to index
        %swap3A_689 = arith.constant 320 : index
        %swap3A_690 = tpu.vector_load %arg7[%swap3A_688, %swap3A_689] {strides = array<i32>} : memref<32x512xf32, #tpu.memory_space<vmem>>, vector<16xf32>,
        tpu.vector_store %arg7[%swap3A_688, %swap3A_689], %gather3A_687 {strides = array<i32>} : memref<32x512xf32, #tpu.memory_space<vmem>>, vector<16xf32>,
        %add3A_691 = arith.constant 10496 : i32
        %add3A_692 = vector.broadcast %add3A_691 : i32 to vector<16xi32>
        %add3A_693 = arith.addi %add3A_545, %add3A_692 : vector<16xi32>
        %gather3A_694 = tpu.vector_load_idx %arg5[%add3A_693] : memref<16384xf32, #tpu.memory_space<vmem>>[vector<16xi32>], vector<16xf32>,
        %swap3A_695 = arith.index_cast %scan3A_511 : i32 to index
        %swap3A_696 = arith.constant 336 : index
        %swap3A_697 = tpu.vector_load %arg7[%swap3A_695, %swap3A_696] {strides = array<i32>} : memref<32x512xf32, #tpu.memory_space<vmem>>, vector<16xf32>,
        tpu.vector_store %arg7[%swap3A_695, %swap3A_696], %gather3A_694 {strides = array<i32>} : memref<32x512xf32, #tpu.memory_space<vmem>>, vector<16xf32>,
        %add3A_698 = arith.constant 11264 : i32
        %add3A_699 = vector.broadcast %add3A_698 : i32 to vector<16xi32>
        %add3A_700 = arith.addi %add3A_545, %add3A_699 : vector<16xi32>
        %gather3A_701 = tpu.vector_load_idx %arg5[%add3A_700] : memref<16384xf32, #tpu.memory_space<vmem>>[vector<16xi32>], vector<16xf32>,
        %swap3A_702 = arith.index_cast %scan3A_511 : i32 to index
        %swap3A_703 = arith.constant 352 : index
        %swap3A_704 = tpu.vector_load %arg7[%swap3A_702, %swap3A_703] {strides = array<i32>} : memref<32x512xf32, #tpu.memory_space<vmem>>, vector<16xf32>,
        tpu.vector_store %arg7[%swap3A_702, %swap3A_703], %gather3A_701 {strides = array<i32>} : memref<32x512xf32, #tpu.memory_space<vmem>>, vector<16xf32>,
        %add3A_705 = arith.constant 11520 : i32
        %add3A_706 = vector.broadcast %add3A_705 : i32 to vector<16xi32>
        %add3A_707 = arith.addi %add3A_545, %add3A_706 : vector<16xi32>
        %gather3A_708 = tpu.vector_load_idx %arg5[%add3A_707] : memref<16384xf32, #tpu.memory_space<vmem>>[vector<16xi32>], vector<16xf32>,
        %swap3A_709 = arith.index_cast %scan3A_511 : i32 to index
        %swap3A_710 = arith.constant 368 : index
        %swap3A_711 = tpu.vector_load %arg7[%swap3A_709, %swap3A_710] {strides = array<i32>} : memref<32x512xf32, #tpu.memory_space<vmem>>, vector<16xf32>,
        tpu.vector_store %arg7[%swap3A_709, %swap3A_710], %gather3A_708 {strides = array<i32>} : memref<32x512xf32, #tpu.memory_space<vmem>>, vector<16xf32>,
        %add3A_712 = arith.constant 12288 : i32
        %add3A_713 = vector.broadcast %add3A_712 : i32 to vector<16xi32>
        %add3A_714 = arith.addi %add3A_545, %add3A_713 : vector<16xi32>
        %gather3A_715 = tpu.vector_load_idx %arg5[%add3A_714] : memref<16384xf32, #tpu.memory_space<vmem>>[vector<16xi32>], vector<16xf32>,
        %swap3A_716 = arith.index_cast %scan3A_511 : i32 to index
        %swap3A_717 = arith.constant 384 : index
        %swap3A_718 = tpu.vector_load %arg7[%swap3A_716, %swap3A_717] {strides = array<i32>} : memref<32x512xf32, #tpu.memory_space<vmem>>, vector<16xf32>,
        tpu.vector_store %arg7[%swap3A_716, %swap3A_717], %gather3A_715 {strides = array<i32>} : memref<32x512xf32, #tpu.memory_space<vmem>>, vector<16xf32>,
        %add3A_719 = arith.constant 12544 : i32
        %add3A_720 = vector.broadcast %add3A_719 : i32 to vector<16xi32>
        %add3A_721 = arith.addi %add3A_545, %add3A_720 : vector<16xi32>
        %gather3A_722 = tpu.vector_load_idx %arg5[%add3A_721] : memref<16384xf32, #tpu.memory_space<vmem>>[vector<16xi32>], vector<16xf32>,
        %swap3A_723 = arith.index_cast %scan3A_511 : i32 to index
        %swap3A_724 = arith.constant 400 : index
        %swap3A_725 = tpu.vector_load %arg7[%swap3A_723, %swap3A_724] {strides = array<i32>} : memref<32x512xf32, #tpu.memory_space<vmem>>, vector<16xf32>,
        tpu.vector_store %arg7[%swap3A_723, %swap3A_724], %gather3A_722 {strides = array<i32>} : memref<32x512xf32, #tpu.memory_space<vmem>>, vector<16xf32>,
        %add3A_726 = arith.constant 13312 : i32
        %add3A_727 = vector.broadcast %add3A_726 : i32 to vector<16xi32>
        %add3A_728 = arith.addi %add3A_545, %add3A_727 : vector<16xi32>
        %gather3A_729 = tpu.vector_load_idx %arg5[%add3A_728] : memref<16384xf32, #tpu.memory_space<vmem>>[vector<16xi32>], vector<16xf32>,
        %swap3A_730 = arith.index_cast %scan3A_511 : i32 to index
        %swap3A_731 = arith.constant 416 : index
        %swap3A_732 = tpu.vector_load %arg7[%swap3A_730, %swap3A_731] {strides = array<i32>} : memref<32x512xf32, #tpu.memory_space<vmem>>, vector<16xf32>,
        tpu.vector_store %arg7[%swap3A_730, %swap3A_731], %gather3A_729 {strides = array<i32>} : memref<32x512xf32, #tpu.memory_space<vmem>>, vector<16xf32>,
        %add3A_733 = arith.constant 13568 : i32
        %add3A_734 = vector.broadcast %add3A_733 : i32 to vector<16xi32>
        %add3A_735 = arith.addi %add3A_545, %add3A_734 : vector<16xi32>
        %gather3A_736 = tpu.vector_load_idx %arg5[%add3A_735] : memref<16384xf32, #tpu.memory_space<vmem>>[vector<16xi32>], vector<16xf32>,
        %swap3A_737 = arith.index_cast %scan3A_511 : i32 to index
        %swap3A_738 = arith.constant 432 : index
        %swap3A_739 = tpu.vector_load %arg7[%swap3A_737, %swap3A_738] {strides = array<i32>} : memref<32x512xf32, #tpu.memory_space<vmem>>, vector<16xf32>,
        tpu.vector_store %arg7[%swap3A_737, %swap3A_738], %gather3A_736 {strides = array<i32>} : memref<32x512xf32, #tpu.memory_space<vmem>>, vector<16xf32>,
        %add3A_740 = arith.constant 14336 : i32
        %add3A_741 = vector.broadcast %add3A_740 : i32 to vector<16xi32>
        %add3A_742 = arith.addi %add3A_545, %add3A_741 : vector<16xi32>
        %gather3A_743 = tpu.vector_load_idx %arg5[%add3A_742] : memref<16384xf32, #tpu.memory_space<vmem>>[vector<16xi32>], vector<16xf32>,
        %swap3A_744 = arith.index_cast %scan3A_511 : i32 to index
        %swap3A_745 = arith.constant 448 : index
        %swap3A_746 = tpu.vector_load %arg7[%swap3A_744, %swap3A_745] {strides = array<i32>} : memref<32x512xf32, #tpu.memory_space<vmem>>, vector<16xf32>,
        tpu.vector_store %arg7[%swap3A_744, %swap3A_745], %gather3A_743 {strides = array<i32>} : memref<32x512xf32, #tpu.memory_space<vmem>>, vector<16xf32>,
        %add3A_747 = arith.constant 14592 : i32
        %add3A_748 = vector.broadcast %add3A_747 : i32 to vector<16xi32>
        %add3A_749 = arith.addi %add3A_545, %add3A_748 : vector<16xi32>
        %gather3A_750 = tpu.vector_load_idx %arg5[%add3A_749] : memref<16384xf32, #tpu.memory_space<vmem>>[vector<16xi32>], vector<16xf32>,
        %swap3A_751 = arith.index_cast %scan3A_511 : i32 to index
        %swap3A_752 = arith.constant 464 : index
        %swap3A_753 = tpu.vector_load %arg7[%swap3A_751, %swap3A_752] {strides = array<i32>} : memref<32x512xf32, #tpu.memory_space<vmem>>, vector<16xf32>,
        tpu.vector_store %arg7[%swap3A_751, %swap3A_752], %gather3A_750 {strides = array<i32>} : memref<32x512xf32, #tpu.memory_space<vmem>>, vector<16xf32>,
        %add3A_754 = arith.constant 15360 : i32
        %add3A_755 = vector.broadcast %add3A_754 : i32 to vector<16xi32>
        %add3A_756 = arith.addi %add3A_545, %add3A_755 : vector<16xi32>
        %gather3A_757 = tpu.vector_load_idx %arg5[%add3A_756] : memref<16384xf32, #tpu.memory_space<vmem>>[vector<16xi32>], vector<16xf32>,
        %swap3A_758 = arith.index_cast %scan3A_511 : i32 to index
        %swap3A_759 = arith.constant 480 : index
        %swap3A_760 = tpu.vector_load %arg7[%swap3A_758, %swap3A_759] {strides = array<i32>} : memref<32x512xf32, #tpu.memory_space<vmem>>, vector<16xf32>,
        tpu.vector_store %arg7[%swap3A_758, %swap3A_759], %gather3A_757 {strides = array<i32>} : memref<32x512xf32, #tpu.memory_space<vmem>>, vector<16xf32>,
        %add3A_761 = arith.constant 15616 : i32
        %add3A_762 = vector.broadcast %add3A_761 : i32 to vector<16xi32>
        %add3A_763 = arith.addi %add3A_545, %add3A_762 : vector<16xi32>
        %gather3A_764 = tpu.vector_load_idx %arg5[%add3A_763] : memref<16384xf32, #tpu.memory_space<vmem>>[vector<16xi32>], vector<16xf32>,
        %swap3A_765 = arith.index_cast %scan3A_511 : i32 to index
        %swap3A_766 = arith.constant 496 : index
        %swap3A_767 = tpu.vector_load %arg7[%swap3A_765, %swap3A_766] {strides = array<i32>} : memref<32x512xf32, #tpu.memory_space<vmem>>, vector<16xf32>,
        tpu.vector_store %arg7[%swap3A_765, %swap3A_766], %gather3A_764 {strides = array<i32>} : memref<32x512xf32, #tpu.memory_space<vmem>>, vector<16xf32>,
      }
      %scan3A_495 = arith.constant 32 : i32
      %mul3A_496 = arith.constant 32 : i32
      %mul3A_497 = arith.muli %add3A_351, %mul3A_496 : i32
      %add3A_498 = arith.addi %mul3A_497, %add3A : i32
      %shift_right_arithmetic3A_499 = arith.constant 4 : i32
      %shift_right_arithmetic3A_500 = arith.shrsi %add3A_498, %shift_right_arithmetic3A_499 : i32
      %and3A_501 = arith.constant 15 : i32
      %and3A_502 = arith.andi %add3A_498, %and3A_501 : i32
      %mul3A_503 = arith.constant 32 : i32
      %mul3A_504 = arith.muli %and3A_502, %mul3A_503 : i32
      %dma_start3A_505 = arith.constant 0 : i32
      %dma_start3A_506 = tpu.memref_slice %arg3[%shift_right_arithmetic3A_500, %mul3A_504, %dma_start3A_505] : memref<96x512x512xf32, #tpu.memory_space<hbm>> -> memref<1x32x512xf32, #tpu.memory_space<hbm>>
      %dma_start3A_507 = tpu.memref_squeeze %dma_start3A_506 : memref<1x32x512xf32, #tpu.memory_space<hbm>> -> memref<32x512xf32, #tpu.memory_space<hbm>>
      %dma_start3A_508 = arith.constant 0 : i32
      %dma_start3A_509 = tpu.memref_slice %arg3[%shift_right_arithmetic3A_500, %mul3A_504, %dma_start3A_508] : memref<96x512x512xf32, #tpu.memory_space<hbm>> -> memref<1x32x512xf32, #tpu.memory_space<hbm>>
      %dma_start3A_510 = tpu.memref_squeeze %dma_start3A_509 : memref<1x32x512xf32, #tpu.memory_space<hbm>> -> memref<32x512xf32, #tpu.memory_space<hbm>>
      tpu.enqueue_dma source(%arg7 : memref<32x512xf32, #tpu.memory_space<vmem>>) target(%dma_start3A_510 : memref<32x512xf32, #tpu.memory_space<hbm>>) target_semaphore(%arg11 : memref<!tpu.dma_semaphore, #tpu.memory_space<semaphore_mem>>)
    }
    %scan3A_160 = arith.constant 24 : i32
    %add3A_161 = arith.constant 1472 : i32
    %add3A_162 = arith.addi %add3A_161, %add3A : i32
    %shift_right_arithmetic3A_163 = arith.constant 4 : i32
    %shift_right_arithmetic3A_164 = arith.shrsi %add3A_162, %shift_right_arithmetic3A_163 : i32
    %and3A_165 = arith.constant 15 : i32
    %and3A_166 = arith.andi %add3A_162, %and3A_165 : i32
    %mul3A_167 = arith.constant 32 : i32
    %mul3A_168 = arith.muli %and3A_166, %mul3A_167 : i32
    %dma_wait3A = arith.constant 0 : i32
    %dma_wait3A_169 = tpu.memref_slice %arg3[%shift_right_arithmetic3A_164, %mul3A_168, %dma_wait3A] : memref<96x512x512xf32, #tpu.memory_space<hbm>> -> memref<1x32x512xf32, #tpu.memory_space<hbm>>
    %dma_wait3A_170 = tpu.memref_squeeze %dma_wait3A_169 : memref<1x32x512xf32, #tpu.memory_space<hbm>> -> memref<32x512xf32, #tpu.memory_space<hbm>>
    %dma_wait3A_171 = arith.constant 0 : i32
    %dma_wait3A_172 = tpu.memref_slice %arg3[%shift_right_arithmetic3A_164, %mul3A_168, %dma_wait3A_171] : memref<96x512x512xf32, #tpu.memory_space<hbm>> -> memref<1x32x512xf32, #tpu.memory_space<hbm>>
    %dma_wait3A_173 = tpu.memref_squeeze %dma_wait3A_172 : memref<1x32x512xf32, #tpu.memory_space<hbm>> -> memref<32x512xf32, #tpu.memory_space<hbm>>
    tpu.wait_dma2 semaphore(%arg10 : memref<!tpu.dma_semaphore, #tpu.memory_space<semaphore_mem>>) src(%arg6 : memref<32x512xf32, #tpu.memory_space<vmem>>) dst(%dma_wait3A_173 : memref<32x512xf32, #tpu.memory_space<hbm>>)
    %add3A_174 = arith.constant 1504 : i32
    %add3A_175 = arith.addi %add3A_174, %add3A : i32
    %shift_right_arithmetic3A_176 = arith.constant 4 : i32
    %shift_right_arithmetic3A_177 = arith.shrsi %add3A_175, %shift_right_arithmetic3A_176 : i32
    %and3A_178 = arith.constant 15 : i32
    %and3A_179 = arith.andi %add3A_175, %and3A_178 : i32
    %mul3A_180 = arith.constant 32 : i32
    %mul3A_181 = arith.muli %and3A_179, %mul3A_180 : i32
    %dma_wait3A_182 = arith.constant 0 : i32
    %dma_wait3A_183 = tpu.memref_slice %arg3[%shift_right_arithmetic3A_177, %mul3A_181, %dma_wait3A_182] : memref<96x512x512xf32, #tpu.memory_space<hbm>> -> memref<1x32x512xf32, #tpu.memory_space<hbm>>
    %dma_wait3A_184 = tpu.memref_squeeze %dma_wait3A_183 : memref<1x32x512xf32, #tpu.memory_space<hbm>> -> memref<32x512xf32, #tpu.memory_space<hbm>>
    %dma_wait3A_185 = arith.constant 0 : i32
    %dma_wait3A_186 = tpu.memref_slice %arg3[%shift_right_arithmetic3A_177, %mul3A_181, %dma_wait3A_185] : memref<96x512x512xf32, #tpu.memory_space<hbm>> -> memref<1x32x512xf32, #tpu.memory_space<hbm>>
    %dma_wait3A_187 = tpu.memref_squeeze %dma_wait3A_186 : memref<1x32x512xf32, #tpu.memory_space<hbm>> -> memref<32x512xf32, #tpu.memory_space<hbm>>
    tpu.wait_dma2 semaphore(%arg11 : memref<!tpu.dma_semaphore, #tpu.memory_space<semaphore_mem>>) src(%arg7 : memref<32x512xf32, #tpu.memory_space<vmem>>) dst(%dma_wait3A_187 : memref<32x512xf32, #tpu.memory_space<hbm>>)
    return
  }
}

</mosaic_0001>

<sc_bundles>
// kernel: kernel.3.cloned.1.call-start
scs
__scs_entry_jumppad:
0x0: {  	(pc) =	sbr.rel $0x88, $3  }
0x1: {  	(tag) =	ssettag $0x0;
	lr =	simm.s32 $0x1  }
0x2: {  	[smem:$0x3FA0] =	sst lr;
	_ =	strace $0xD0000000  }
0x3: {  	_ = 	snop  }
0x4: {  	_ = 	snop  }
0x5: {  	_ = 	snop  }
0x6: {  	_ = 	snop  }
0x7: {  	_ = 	snop  }
__scs_overlays_trampoline_lowered:
0x8: {  	[smem:$0x3FAF] =	sst s0  }
0x9: {  	[smem:$0x3FB0] =	sst s1  }
0xa: {  	[smem:$0x3FB1] =	sst s2  }
0xb: {  	[smem:$0x3FB2] =	sst s3  }
0xc: {  	[smem:$0x3FB3] =	sst s4  }
0xd: {  	[smem:$0x3FB4] =	sst s5  }
0xe: {  	[smem:$0x3FB5] =	sst s6  }
0xf: {  	[smem:$0x3FB6] =	sst s7  }
0x10: {  	[smem:$0x3FB7] =	sst s8  }
0x11: {  	[smem:$0x3FB8] =	sst s9;
	s0 =	simm.s32 @!p0 $0x0  }
0x12: {  	s1 =	sld [smem:$0x3F9E];
	s0 =	simm.s32 @p0 $0x1  }
0x13: {  	[smem:$0x3FB9] =	sst s0;
	s0 =	simm.s32 @!p1 $0x0  }
0x14: {  	s2 =	sld [smem:$0x3F9D];
	s0 =	simm.s32 @p1 $0x1  }
0x15: {  	[smem:$0x3FBA] =	sst s0;
	s0 =	simm.s32 @!p2 $0x0  }
0x16: {  	s3 =	sld [smem:$0x3FDB];
	s0 =	simm.s32 @p2 $0x1  }
0x17: {  	s4 =	simm.s32 $0x1BF5;
	[smem:$0x3FBC] =	sst s0  }
0x18: {  	s0 =	sld [smem:$0x3F9F];
	_ =	swait.ge [sflag:s4], $0x0  }
0x19: {  	s7 =	sld [smem:$0x3FA0]  }
0x1a: {  	s8 =	sadd.s32 $0xFFFFE003, lr  }
0x1b: {  	s9 =	sadd.s32 $0xFFFFFEF7, lr;
	s5 =	simm.s32 $0xFFFFFFFF;
	p2 =	slt.u32 s8, $0xFFFFF086  }
0x1c: {  	p1 =	slt.u32 s9, $0xF7A;
	s5 =	simm.s32 @!p2 $0x0  }
0x1d: {  	s5 =	simm.s32 @p1 $0x1;
	p0 =	seq.s32 s7, s2  }
0x1e: {  	s7 =	smul.u32 @!p0 $0xF7A, s2;
	p2 =	seq.s32 @!p0 s5, $0x0  }
0x1f: {  	s9 =	smul.u32 $0xF7A, s1;
	s8 =	simm.s32 @!p0 $0x1BF5;
	p2 =	por !p2, p0  }
0x20: {  	[sflag:s8] =	ssyncset.s32 @!p0 $0xFFFFF086;
	s6 =	sadd.s32 @!p0 s3, s7;
	s7 =	simm.s32 @!p0 $0x108  }
0x21: {  	s3 =	sadd.s32 s3, s9;
	s6 =	sadd.s32 @!p0 $0x88, s6;
	s7 =	simm.s32 @p2 $0x1082  }
0x22: {  	[simem:s7], [sflag:s8] =	dma.local @!p0 [hbm:s6], $0xF7A  }
0x23: {  	s9 =	sor.u32 $0xD0000000, s2;
	s6 =	simm.s32 $0x108;
	_ =	swait.ge @!p0 [sflag:s8], $0x0  }
0x24: {  	s3 =	sadd.s32 $0x88, s3;
	s6 =	simm.s32 @!p1 $0x1082;
	[sflag:s4] =	ssyncset.s32 $0xFFFFF086  }
0x25: {  	[simem:s6], [sflag:s4] =	dma.local [hbm:s3], $0xF7A  }
0x26: {  	[smem:$0x3FA0] =	sst s1;
	(tag) =	ssettag s2;
	_ =	strace s9  }
0x27: {  	s1 =	sld [smem:$0x3FB0]  }
0x28: {  	s2 =	sld [smem:$0x3FB1]  }
0x29: {  	s4 =	sld [smem:$0x3FB3]  }
0x2a: {  	p0 =	seq.s32 s5, $0x0;
	s5 =	sld [smem:$0x3FB4]  }
0x2b: {  	s6 =	sld [smem:$0x3FB5]  }
0x2c: {  	s7 =	sld [smem:$0x3FB6]  }
0x2d: {  	s3 =	simm.s32 $0x108;
	s8 =	sld [smem:$0x3FB7]  }
0x2e: {  	s3 =	simm.s32 @!p0 $0x1082;
	s9 =	sld [smem:$0x3FB8]  }
0x2f: {  	lr =	sadd.s32 s0, s3;
	s0 =	sld [smem:$0x3FAF]  }
0x30: {  	s3 =	sld [smem:$0x3FB2]  }
0x31: {  	[smem:$0x3FBB] =	sst s10  }
0x32: {  	s10 =	sld [smem:$0x3FB9];
	_ =	sdelay $0x3  }
0x33: {  	p0 =	seq.s32 s10, $0x1;
	s10 =	sld [smem:$0x3FBB];
	_ =	sdelay $0x3  }
0x34: {  	[smem:$0x3FBB] =	sst s10  }
0x35: {  	s10 =	sld [smem:$0x3FBA];
	_ =	sdelay $0x3  }
0x36: {  	p1 =	seq.s32 s10, $0x1;
	s10 =	sld [smem:$0x3FBB];
	_ =	sdelay $0x3  }
0x37: {  	[smem:$0x3FBB] =	sst s10  }
0x38: {  	s10 =	sld [smem:$0x3FBC]  }
0x39: {  	_ = 	snop;
	(pc) =	sbr.ind lr, $3  }
0x3a: {  	_ = 	snop  }
0x3b: {  	_ = 	snop  }
0x3c: {  	p2 =	seq.s32 s10, $0x1;
	s10 =	sld [smem:$0x3FBB]  }
0x3d: {  	_ =	shalt  }
0x3e: {  	_ =	shalt  }
0x3f: {  	_ =	shalt  }
0x40: {  	_ =	shalt  }
0x41: {  	_ =	shalt  }
0x42: {  	_ =	shalt  }
0x43: {  	_ =	shalt  }
0x44: {  	_ =	shalt  }
0x45: {  	_ =	shalt  }
0x46: {  	_ =	shalt  }
0x47: {  	_ =	shalt  }
0x48: {  	_ =	shalt  }
0x49: {  	_ =	shalt  }
0x4a: {  	_ =	shalt  }
0x4b: {  	_ =	shalt  }
0x4c: {  	_ =	shalt  }
0x4d: {  	_ =	shalt  }
0x4e: {  	_ =	shalt  }
0x4f: {  	_ =	shalt  }
0x50: {  	_ =	shalt  }
0x51: {  	_ =	shalt  }
0x52: {  	_ =	shalt  }
0x53: {  	_ =	shalt  }
0x54: {  	_ =	shalt  }
0x55: {  	_ =	shalt  }
0x56: {  	_ =	shalt  }
0x57: {  	_ =	shalt  }
0x58: {  	_ =	shalt  }
0x59: {  	_ =	shalt  }
0x5a: {  	_ =	shalt  }
0x5b: {  	_ =	shalt  }
0x5c: {  	_ =	shalt  }
0x5d: {  	_ =	shalt  }
0x5e: {  	_ =	shalt  }
0x5f: {  	_ =	shalt  }
0x60: {  	_ =	shalt  }
0x61: {  	_ =	shalt  }
0x62: {  	_ =	shalt  }
0x63: {  	_ =	shalt  }
0x64: {  	_ =	shalt  }
0x65: {  	_ =	shalt  }
0x66: {  	_ =	shalt  }
0x67: {  	_ =	shalt  }
0x68: {  	_ =	shalt  }
0x69: {  	_ =	shalt  }
0x6a: {  	_ =	shalt  }
0x6b: {  	_ =	shalt  }
0x6c: {  	_ =	shalt  }
0x6d: {  	_ =	shalt  }
0x6e: {  	_ =	shalt  }
0x6f: {  	_ =	shalt  }
0x70: {  	_ =	shalt  }
0x71: {  	_ =	shalt  }
0x72: {  	_ =	shalt  }
0x73: {  	_ =	shalt  }
0x74: {  	_ =	shalt  }
0x75: {  	_ =	shalt  }
0x76: {  	_ =	shalt  }
0x77: {  	_ =	shalt  }
0x78: {  	_ =	shalt  }
0x79: {  	_ =	shalt  }
0x7a: {  	_ =	shalt  }
0x7b: {  	_ =	shalt  }
0x7c: {  	_ =	shalt  }
0x7d: {  	_ =	shalt  }
0x7e: {  	_ =	shalt  }
0x7f: {  	_ =	shalt  }
0x80: {  	_ =	shalt  }
0x81: {  	_ =	shalt  }
0x82: {  	_ =	shalt  }
0x83: {  	_ =	shalt  }
0x84: {  	_ =	shalt  }
0x85: {  	_ =	shalt  }
0x86: {  	_ =	shalt  }
0x87: {  	_ =	shalt  }
.Lfunc_end0:
.L_simem_size_0:
called_computation_lowered:
.L_overlay_start_0:
0x88: {  	s2 =	sld [smem:$0x3FD9]  }
0x89: {  	s3 =	sld [smem:$0x3FFE];
	_ =	sdelay $0x1  }
0x8a: {  	s1 =	srdreg.scid  }
0x8b: {  	s0 =	sand.u32 $0x1, s1  }
0x8c: {  	s17 =	sshll.u32 s0, $0xA;
	s2 =	sadd.s32 s3, s2  }
0x8d: {  	s2 =	sadd.s32 s2, s17  }
0x8e: {  	[smem:$0x3FC7] =	sst s2  }
0x8f: {  	_ = 	snop  }
0x90: {  	s2 =	sld [smem:$0x3FD0];
	(tm) =	ssettm $0x1  }
0x91: {  	s18 =	sld [smem:$0x3FFB];
	_ =	sdelay $0x3  }
0x92: {  	_ =	strace s18  }
0x93: {  	s3 =	sld [smem:$0x3FFC];
	_ =	sdelay $0x3  }
0x94: {  	_ =	strace s3  }
0x95: {  	s3 =	sld [smem:$0x3FFD];
	_ =	sdelay $0x3  }
0x96: {  	_ =	strace s3  }
0x97: {  	_ =	strace $0x8FFFFFFF  }
0x98: {  	s19 =	sld [smem:$0x3FDB];
	_ =	sdelay $0x1  }
0x99: {  	s4 =	simm.s32 $_scs_section_size  }
0x9a: {  	s5 =	simm.s32 $_size__tile_overlayer_lowered;
	s6 =	simm.s32 $_tile_overlayer_lowered  }
0x9b: {  	s22 =	simm.s32 $0x1BFF;
	s21 =	sshll.u32 s6, $0x1;
	s3 =	sadd.s32 s4, s19  }
0x9c: {  	s7 =	simm.s32 $0x0;
	s20 =	sshll.u32 s5, $0x1;
	s5 =	sadd.s32 s21, s3  }
0x9d: {  	[timem:s7], [sflag:s22] =	dma.local [hbm:s5], s20  }
0x9e: {  	_ =	swait.ge [sflag:s22], s20  }
0x9f: {  	s4 =	ssub.s32 $0x0, s20;
	[sflag:s22] =	ssyncset.done $0x0  }
0xa0: {  	[sflag:s22] =	ssyncadd.s32 s4;
	_ =	sdelay $0x1  }
0xa1: {  	s23 =	simm.s32 $0x1B8B  }
0xa2: {  	_ =	swait.ge [sflag:s23], $0x1  }
0xa3: {  	[sflag:s23] =	ssyncset.done $0x0  }
0xa4: {  	s25 =	simm.s32 $0x1B8E;
	s24 =	sld [smem:$0x3FFE];
	[sflag:s23] =	ssyncadd.s32 $0xFFFFFFFF  }
0xa5: {  	s26 =	simm.s32 $execute0_lowered;
	[smem:$0x3FD2] =	sst s25  }
0xa6: {  	s5 =	sshll.u32 s26, $0x1;
	_ =	strace $0x80000046;
	[dreg:$0x1] =	wrdreg $0xFFFFFFFF  }
0xa7: {  	s28 =	simm.s32 $_size_execute0_lowered;
	s3 =	sadd.s32 s3, s5;
	[dreg:$0x0] =	wrdreg $0x0  }
0xa8: {  	s5 =	sshll.u32 s28, $0x1;
	[dreg:$0x2] =	wrdreg s3  }
0xa9: {  	[dreg:$0x3] =	wrdreg s5  }
0xaa: {  	[dreg:$0x4] =	wrdreg $0xC0  }
0xab: {  	_ =	task [dreg:s7], $0x5FFFF  }
0xac: {  	[dreg:$0x1] =	wrdreg $0xFFFFFFFF  }
0xad: {  	[dreg:$0x0] =	wrdreg $0x60  }
0xae: {  	[dreg:$0x2] =	wrdreg s2  }
0xaf: {  	[dreg:$0x3] =	wrdreg s24  }
0xb0: {  	[dreg:$0x4] =	wrdreg $0x9  }
0xb1: {  	_ =	task.clear_ibuf [dreg:s7], $0x5FFFF;
	_ =	strace $0x90000046  }
0xb2: {  	s29 =	simm.s32 $0x9;
	_ =	strace $0x80000048  }
0xb3: {  	_ =	swait.ge [sflag:s29], $0x1  }
0xb4: {  	[sflag:s29] =	ssyncadd.s32 $0xFFFFFFFF  }
0xb5: {  	_ =	strace $0x90000048  }
0xb6: {  	_ =	sfence  }
0xb7: {  	s30 =	sld [smem:$0x0];
	_ =	sdelay $0x2  }
0xb8: {  	s31 =	sshll.u32 s1, $0xD;
	s1 =	sshrl.u32 s1, $0x2  }
0xb9: {  	s3 =	sand.u32 $0x4000, s31;
	s1 =	sadd.s32 s1, s30  }
0xba: {  	s0 =	sor.u32 s3, s0;
	s1 =	sshll.u32 s1, $0x11  }
0xbb: {  	s0 =	sor.u32 s1, s0  }
0xbc: {  	s0 =	sadd.s32 $0x8F2B, s0  }
0xbd: {  	[sflag:s0] =	ssyncadd.remote.s32 $0x1  }
0xbe: {  	_ =	sfence.sel $0xFFFF  }
0xbf: {  	[dreg:$0x0] =	wrdreg $0xFFFFFFFF;
	(pc) =	sbr.abs _section_cstart, $3  }
0xc0: {  	[dreg:$0x1] =	wrdreg $0xFFFFFFFF  }
0xc1: {  	_ =	task.clear_ibuf [dreg:s7], $0x2FFFF;
	_ =	strace $0x9FFFFFFF  }
0xc2: {  	(tm) =	ssettm $0x7FFFFFFF  }
0xc3: {  	_ =	shalt  }
tec
execute0_lowered:
.L_overlay_start_1:
0x0: {  	(tag) =	ssettag $0x1  }
0x1: {  	v0 =	vimm.s32 $0x155  }
0x2: {  	vm14 =	vcmask $0x300;
	vm13 =	vcmask $0x704;
	vm12 =	vcmask $0xB08  }
0x3: {  	vm11 =	vcmask $0xF0C;
	v1 =	vimm.s32 $0x45444140;
	vm10 =	vcmask $0x1310  }
0x4: {  	vm9 =	vcmask $0x1714;
	v2 =	vimm.s32 $0x55545150;
	vm8 =	vcmask $0x1B18  }
0x5: {  	vm7 =	vcmask $0x1F1C;
	vm0 =	vcmask $0x1F10;
	vm6 =	vcmask $0x2320  }
0x6: {  	v3 =	vimm.s32 $0x5040100;
	vm5 =	vcmask $0x2724;
	vm4 =	vcmask $0x2B28  }
0x7: {  	v4 =	vimm.s32 $0x15141110;
	vm3 =	vcmask $0x2F2C;
	vm2 =	vcmask $0x3330  }
0x8: {  	vm1 =	vcmask $0x3734;
	vm15 =	vcmask $0x3B38;
	v5 =	vimm.s32 $0x955  }
0x9: {  	v6 =	vimm.s32 $0xC55;
	v7 =	vimm.s32 $0xD55;
	v8 =	vimm.s32 $0x1055  }
0xa: {  	v9 =	vimm.s32 $0x1155;
	v10 =	vimm.s32 $0x1455;
	v11 =	vimm.s32 $0x1555  }
0xb: {  	v12 =	vimm.s32 $0x1855;
	v13 =	vimm.s32 $0x1955;
	v14 =	vimm.s32 $0x1C55  }
0xc: {  	v15 =	vimm.s32 $0x1D55;
	v16 =	vimm.s32 $0x2055;
	v17 =	vimm.s32 $0x2155  }
0xd: {  	v18 =	vimm.s32 $0x2455;
	v19 =	vimm.s32 $0x2555;
	v20 =	vimm.s32 $0x2855  }
0xe: {  	v21 =	vimm.s32 $0x2955;
	v22 =	vimm.s32 $0x2C55;
	v23 =	vimm.s32 $0x2D55  }
0xf: {  	v24 =	vimm.s32 $0x3055;
	v25 =	vimm.s32 $0x3155;
	v26 =	vimm.s32 $0x3455  }
0x10: {  	v27 =	vimm.s32 $0x3555;
	v28 =	vimm.s32 $0x3855;
	v29 =	vimm.s32 $0x3955  }
0x11: {  	v30 =	vimm.s32 $0x3C55;
	v31 =	vimm.s32 $0x3D55;
	v0 =	vsel vm14, $0x100, v0  }
0x12: {  	v1 =	vunpack.c.0.s8.s32 v1;
	v2 =	vunpack.c.0.s8.s32 v2;
	v3 =	vunpack.c.0.s8.s32 v3  }
0x13: {  	v4 =	vunpack.c.0.s8.s32 v4;
	v5 =	vsel vm14, $0x900, v5;
	v6 =	vsel vm14, $0xC00, v6  }
0x14: {  	v7 =	vsel vm14, $0xD00, v7;
	v8 =	vsel vm14, $0x1000, v8;
	v9 =	vsel vm14, $0x1100, v9  }
0x15: {  	v10 =	vsel vm14, $0x1400, v10;
	v11 =	vsel vm14, $0x1500, v11;
	v12 =	vsel vm14, $0x1800, v12  }
0x16: {  	v13 =	vsel vm14, $0x1900, v13;
	v14 =	vsel vm14, $0x1C00, v14;
	v15 =	vsel vm14, $0x1D00, v15  }
0x17: {  	v16 =	vsel vm14, $0x2000, v16;
	v17 =	vsel vm14, $0x2100, v17;
	v18 =	vsel vm14, $0x2400, v18  }
0x18: {  	v19 =	vsel vm14, $0x2500, v19;
	v20 =	vsel vm14, $0x2800, v20;
	v21 =	vsel vm14, $0x2900, v21  }
0x19: {  	v22 =	vsel vm14, $0x2C00, v22;
	v23 =	vsel vm14, $0x2D00, v23;
	v24 =	vsel vm14, $0x3000, v24  }
0x1a: {  	v25 =	vsel vm14, $0x3100, v25;
	v26 =	vsel vm14, $0x3400, v26;
	v27 =	vsel vm14, $0x3500, v27  }
0x1b: {  	v28 =	vsel vm14, $0x3800, v28;
	v29 =	vsel vm14, $0x3900, v29;
	v30 =	vsel vm14, $0x3C00, v30  }
0x1c: {  	v31 =	vsel vm14, $0x3D00, v31;
	v0 =	vsel vm13, $0x101, v0;
	v5 =	vsel vm13, $0x901, v5  }
0x1d: {  	v6 =	vsel vm13, $0xC01, v6;
	v7 =	vsel vm13, $0xD01, v7;
	v8 =	vsel vm13, $0x1001, v8  }
0x1e: {  	v9 =	vsel vm13, $0x1101, v9;
	v10 =	vsel vm13, $0x1401, v10;
	v11 =	vsel vm13, $0x1501, v11  }
0x1f: {  	v12 =	vsel vm13, $0x1801, v12;
	v13 =	vsel vm13, $0x1901, v13;
	v14 =	vsel vm13, $0x1C01, v14  }
0x20: {  	v15 =	vsel vm13, $0x1D01, v15;
	v16 =	vsel vm13, $0x2001, v16;
	v17 =	vsel vm13, $0x2101, v17  }
0x21: {  	v18 =	vsel vm13, $0x2401, v18;
	v19 =	vsel vm13, $0x2501, v19;
	v20 =	vsel vm13, $0x2801, v20  }
0x22: {  	v21 =	vsel vm13, $0x2901, v21;
	v22 =	vsel vm13, $0x2C01, v22;
	v23 =	vsel vm13, $0x2D01, v23  }
0x23: {  	v24 =	vsel vm13, $0x3001, v24;
	v25 =	vsel vm13, $0x3101, v25;
	v26 =	vsel vm13, $0x3401, v26  }
0x24: {  	v27 =	vsel vm13, $0x3501, v27;
	v28 =	vsel vm13, $0x3801, v28;
	v29 =	vsel vm13, $0x3901, v29  }
0x25: {  	v30 =	vsel vm13, $0x3C01, v30;
	v31 =	vsel vm13, $0x3D01, v31;
	v0 =	vsel vm12, $0x104, v0  }
0x26: {  	v1 =	vsel vm0, v2, v1;
	v2 =	vsel vm0, v4, v3;
	v4 =	vimm.s32 $0x855  }
0x27: {  	v5 =	vsel vm12, $0x904, v5;
	v6 =	vsel vm12, $0xC04, v6;
	v7 =	vsel vm12, $0xD04, v7  }
0x28: {  	v8 =	vsel vm12, $0x1004, v8;
	v9 =	vsel vm12, $0x1104, v9;
	v10 =	vsel vm12, $0x1404, v10  }
0x29: {  	v11 =	vsel vm12, $0x1504, v11;
	v12 =	vsel vm12, $0x1804, v12;
	v13 =	vsel vm12, $0x1904, v13  }
0x2a: {  	v14 =	vsel vm12, $0x1C04, v14;
	v15 =	vsel vm12, $0x1D04, v15;
	v16 =	vsel vm12, $0x2004, v16  }
0x2b: {  	v17 =	vsel vm12, $0x2104, v17;
	v18 =	vsel vm12, $0x2404, v18;
	v19 =	vsel vm12, $0x2504, v19  }
0x2c: {  	v20 =	vsel vm12, $0x2804, v20;
	v21 =	vsel vm12, $0x2904, v21;
	v22 =	vsel vm12, $0x2C04, v22  }
0x2d: {  	v23 =	vsel vm12, $0x2D04, v23;
	v24 =	vsel vm12, $0x3004, v24;
	v25 =	vsel vm12, $0x3104, v25  }
0x2e: {  	v26 =	vsel vm12, $0x3404, v26;
	v27 =	vsel vm12, $0x3504, v27;
	v28 =	vsel vm12, $0x3804, v28  }
0x2f: {  	v29 =	vsel vm12, $0x3904, v29;
	v30 =	vsel vm12, $0x3C04, v30;
	v31 =	vsel vm12, $0x3D04, v31  }
0x30: {  	v0 =	vsel vm11, $0x105, v0;
	v4 =	vsel vm14, $0x800, v4;
	v5 =	vsel vm11, $0x905, v5  }
0x31: {  	v6 =	vsel vm11, $0xC05, v6;
	v7 =	vsel vm11, $0xD05, v7;
	v8 =	vsel vm11, $0x1005, v8  }
0x32: {  	v9 =	vsel vm11, $0x1105, v9;
	v10 =	vsel vm11, $0x1405, v10;
	v11 =	vsel vm11, $0x1505, v11  }
0x33: {  	v12 =	vsel vm11, $0x1805, v12;
	v13 =	vsel vm11, $0x1905, v13;
	v14 =	vsel vm11, $0x1C05, v14  }
0x34: {  	v15 =	vsel vm11, $0x1D05, v15;
	v16 =	vsel vm11, $0x2005, v16;
	v17 =	vsel vm11, $0x2105, v17  }
0x35: {  	v18 =	vsel vm11, $0x2405, v18;
	v19 =	vsel vm11, $0x2505, v19;
	v20 =	vsel vm11, $0x2805, v20  }
0x36: {  	v21 =	vsel vm11, $0x2905, v21;
	v22 =	vsel vm11, $0x2C05, v22;
	v23 =	vsel vm11, $0x2D05, v23  }
0x37: {  	v24 =	vsel vm11, $0x3005, v24;
	v25 =	vsel vm11, $0x3105, v25;
	v26 =	vsel vm11, $0x3405, v26  }
0x38: {  	v27 =	vsel vm11, $0x3505, v27;
	v28 =	vsel vm11, $0x3805, v28;
	v29 =	vsel vm11, $0x3905, v29  }
0x39: {  	v30 =	vsel vm11, $0x3C05, v30;
	v31 =	vsel vm11, $0x3D05, v31;
	v0 =	vsel vm10, $0x110, v0  }
0x3a: {  	v4 =	vsel vm13, $0x801, v4;
	v5 =	vsel vm10, $0x910, v5;
	v6 =	vsel vm10, $0xC10, v6  }
0x3b: {  	v7 =	vsel vm10, $0xD10, v7;
	v8 =	vsel vm10, $0x1010, v8;
	v9 =	vsel vm10, $0x1110, v9  }
0x3c: {  	v10 =	vsel vm10, $0x1410, v10;
	v11 =	vsel vm10, $0x1510, v11;
	v12 =	vsel vm10, $0x1810, v12  }
0x3d: {  	v13 =	vsel vm10, $0x1910, v13;
	v14 =	vsel vm10, $0x1C10, v14;
	v15 =	vsel vm10, $0x1D10, v15  }
0x3e: {  	v16 =	vsel vm10, $0x2010, v16;
	v17 =	vsel vm10, $0x2110, v17;
	v18 =	vsel vm10, $0x2410, v18  }
0x3f: {  	v19 =	vsel vm10, $0x2510, v19;
	v20 =	vsel vm10, $0x2810, v20;
	v21 =	vsel vm10, $0x2910, v21  }
0x40: {  	v22 =	vsel vm10, $0x2C10, v22;
	v23 =	vsel vm10, $0x2D10, v23;
	v24 =	vsel vm10, $0x3010, v24  }
0x41: {  	v25 =	vsel vm10, $0x3110, v25;
	v26 =	vsel vm10, $0x3410, v26;
	v27 =	vsel vm10, $0x3510, v27  }
0x42: {  	v28 =	vsel vm10, $0x3810, v28;
	v29 =	vsel vm10, $0x3910, v29;
	v30 =	vsel vm10, $0x3C10, v30  }
0x43: {  	v31 =	vsel vm10, $0x3D10, v31;
	v0 =	vsel vm9, $0x111, v0;
	v4 =	vsel vm12, $0x804, v4  }
0x44: {  	v5 =	vsel vm9, $0x911, v5;
	v6 =	vsel vm9, $0xC11, v6;
	v7 =	vsel vm9, $0xD11, v7  }
0x45: {  	v8 =	vsel vm9, $0x1011, v8;
	v9 =	vsel vm9, $0x1111, v9;
	v10 =	vsel vm9, $0x1411, v10  }
0x46: {  	v11 =	vsel vm9, $0x1511, v11;
	v12 =	vsel vm9, $0x1811, v12;
	v13 =	vsel vm9, $0x1911, v13  }
0x47: {  	v14 =	vsel vm9, $0x1C11, v14;
	v15 =	vsel vm9, $0x1D11, v15;
	v16 =	vsel vm9, $0x2011, v16  }
0x48: {  	v17 =	vsel vm9, $0x2111, v17;
	v18 =	vsel vm9, $0x2411, v18;
	v19 =	vsel vm9, $0x2511, v19  }
0x49: {  	v20 =	vsel vm9, $0x2811, v20;
	v21 =	vsel vm9, $0x2911, v21;
	v22 =	vsel vm9, $0x2C11, v22  }
0x4a: {  	v23 =	vsel vm9, $0x2D11, v23;
	v24 =	vsel vm9, $0x3011, v24;
	v25 =	vsel vm9, $0x3111, v25  }
0x4b: {  	v26 =	vsel vm9, $0x3411, v26;
	v27 =	vsel vm9, $0x3511, v27;
	v28 =	vsel vm9, $0x3811, v28  }
0x4c: {  	v29 =	vsel vm9, $0x3911, v29;
	v30 =	vsel vm9, $0x3C11, v30;
	v31 =	vsel vm9, $0x3D11, v31  }
0x4d: {  	v0 =	vsel vm8, $0x114, v0;
	v4 =	vsel vm11, $0x805, v4;
	v5 =	vsel vm8, $0x914, v5  }
0x4e: {  	v6 =	vsel vm8, $0xC14, v6;
	v7 =	vsel vm8, $0xD14, v7;
	v8 =	vsel vm8, $0x1014, v8  }
0x4f: {  	v9 =	vsel vm8, $0x1114, v9;
	v10 =	vsel vm8, $0x1414, v10;
	v11 =	vsel vm8, $0x1514, v11  }
0x50: {  	v12 =	vsel vm8, $0x1814, v12;
	v13 =	vsel vm8, $0x1914, v13;
	v14 =	vsel vm8, $0x1C14, v14  }
0x51: {  	v15 =	vsel vm8, $0x1D14, v15;
	v16 =	vsel vm8, $0x2014, v16;
	v17 =	vsel vm8, $0x2114, v17  }
0x52: {  	v18 =	vsel vm8, $0x2414, v18;
	v19 =	vsel vm8, $0x2514, v19;
	v20 =	vsel vm8, $0x2814, v20  }
0x53: {  	v21 =	vsel vm8, $0x2914, v21;
	v22 =	vsel vm8, $0x2C14, v22;
	v23 =	vsel vm8, $0x2D14, v23  }
0x54: {  	v24 =	vsel vm8, $0x3014, v24;
	v25 =	vsel vm8, $0x3114, v25;
	v26 =	vsel vm8, $0x3414, v26  }
0x55: {  	v27 =	vsel vm8, $0x3514, v27;
	v28 =	vsel vm8, $0x3814, v28;
	v29 =	vsel vm8, $0x3914, v29  }
0x56: {  	v30 =	vsel vm8, $0x3C14, v30;
	v31 =	vsel vm8, $0x3D14, v31;
	v0 =	vsel vm7, $0x115, v0  }
0x57: {  	v4 =	vsel vm10, $0x810, v4;
	v5 =	vsel vm7, $0x915, v5;
	v6 =	vsel vm7, $0xC15, v6  }
0x58: {  	v7 =	vsel vm7, $0xD15, v7;
	v8 =	vsel vm7, $0x1015, v8;
	v9 =	vsel vm7, $0x1115, v9  }
0x59: {  	v10 =	vsel vm7, $0x1415, v10;
	v11 =	vsel vm7, $0x1515, v11;
	v12 =	vsel vm7, $0x1815, v12  }
0x5a: {  	v13 =	vsel vm7, $0x1915, v13;
	v14 =	vsel vm7, $0x1C15, v14;
	v15 =	vsel vm7, $0x1D15, v15  }
0x5b: {  	v16 =	vsel vm7, $0x2015, v16;
	v17 =	vsel vm7, $0x2115, v17;
	v18 =	vsel vm7, $0x2415, v18  }
0x5c: {  	v19 =	vsel vm7, $0x2515, v19;
	v20 =	vsel vm7, $0x2815, v20;
	v21 =	vsel vm7, $0x2915, v21  }
0x5d: {  	v22 =	vsel vm7, $0x2C15, v22;
	v23 =	vsel vm7, $0x2D15, v23;
	v24 =	vsel vm7, $0x3015, v24  }
0x5e: {  	v25 =	vsel vm7, $0x3115, v25;
	v26 =	vsel vm7, $0x3415, v26;
	v27 =	vsel vm7, $0x3515, v27  }
0x5f: {  	v28 =	vsel vm7, $0x3815, v28;
	v29 =	vsel vm7, $0x3915, v29;
	v30 =	vsel vm7, $0x3C15, v30  }
0x60: {  	v31 =	vsel vm7, $0x3D15, v31;
	v0 =	vsel vm6, $0x140, v0;
	v4 =	vsel vm9, $0x811, v4  }
0x61: {  	v5 =	vsel vm6, $0x940, v5;
	v6 =	vsel vm6, $0xC40, v6;
	v7 =	vsel vm6, $0xD40, v7  }
0x62: {  	v8 =	vsel vm6, $0x1040, v8;
	v9 =	vsel vm6, $0x1140, v9;
	v10 =	vsel vm6, $0x1440, v10  }
0x63: {  	v11 =	vsel vm6, $0x1540, v11;
	v12 =	vsel vm6, $0x1840, v12;
	v13 =	vsel vm6, $0x1940, v13  }
0x64: {  	v14 =	vsel vm6, $0x1C40, v14;
	v15 =	vsel vm6, $0x1D40, v15;
	v16 =	vsel vm6, $0x2040, v16  }
0x65: {  	v17 =	vsel vm6, $0x2140, v17;
	v18 =	vsel vm6, $0x2440, v18;
	v19 =	vsel vm6, $0x2540, v19  }
0x66: {  	v20 =	vsel vm6, $0x2840, v20;
	v21 =	vsel vm6, $0x2940, v21;
	v22 =	vsel vm6, $0x2C40, v22  }
0x67: {  	v23 =	vsel vm6, $0x2D40, v23;
	v24 =	vsel vm6, $0x3040, v24;
	v25 =	vsel vm6, $0x3140, v25  }
0x68: {  	v26 =	vsel vm6, $0x3440, v26;
	v27 =	vsel vm6, $0x3540, v27;
	v28 =	vsel vm6, $0x3840, v28  }
0x69: {  	v29 =	vsel vm6, $0x3940, v29;
	v30 =	vsel vm6, $0x3C40, v30;
	v31 =	vsel vm6, $0x3D40, v31  }
0x6a: {  	v0 =	vsel vm5, $0x141, v0;
	v4 =	vsel vm8, $0x814, v4;
	v5 =	vsel vm5, $0x941, v5  }
0x6b: {  	v6 =	vsel vm5, $0xC41, v6;
	v7 =	vsel vm5, $0xD41, v7;
	v8 =	vsel vm5, $0x1041, v8  }
0x6c: {  	v9 =	vsel vm5, $0x1141, v9;
	v10 =	vsel vm5, $0x1441, v10;
	v11 =	vsel vm5, $0x1541, v11  }
0x6d: {  	v12 =	vsel vm5, $0x1841, v12;
	v13 =	vsel vm5, $0x1941, v13;
	v14 =	vsel vm5, $0x1C41, v14  }
0x6e: {  	v15 =	vsel vm5, $0x1D41, v15;
	v16 =	vsel vm5, $0x2041, v16;
	v17 =	vsel vm5, $0x2141, v17  }
0x6f: {  	v18 =	vsel vm5, $0x2441, v18;
	v19 =	vsel vm5, $0x2541, v19;
	v20 =	vsel vm5, $0x2841, v20  }
0x70: {  	v21 =	vsel vm5, $0x2941, v21;
	v22 =	vsel vm5, $0x2C41, v22;
	v23 =	vsel vm5, $0x2D41, v23  }
0x71: {  	v24 =	vsel vm5, $0x3041, v24;
	v25 =	vsel vm5, $0x3141, v25;
	v26 =	vsel vm5, $0x3441, v26  }
0x72: {  	v27 =	vsel vm5, $0x3541, v27;
	v28 =	vsel vm5, $0x3841, v28;
	v29 =	vsel vm5, $0x3941, v29  }
0x73: {  	v30 =	vsel vm5, $0x3C41, v30;
	v31 =	vsel vm5, $0x3D41, v31;
	v0 =	vsel vm4, $0x144, v0  }
0x74: {  	v4 =	vsel vm7, $0x815, v4;
	v5 =	vsel vm4, $0x944, v5;
	v6 =	vsel vm4, $0xC44, v6  }
0x75: {  	v7 =	vsel vm4, $0xD44, v7;
	v8 =	vsel vm4, $0x1044, v8;
	v9 =	vsel vm4, $0x1144, v9  }
0x76: {  	v10 =	vsel vm4, $0x1444, v10;
	v11 =	vsel vm4, $0x1544, v11;
	v12 =	vsel vm4, $0x1844, v12  }
0x77: {  	v13 =	vsel vm4, $0x1944, v13;
	v14 =	vsel vm4, $0x1C44, v14;
	v15 =	vsel vm4, $0x1D44, v15  }
0x78: {  	v16 =	vsel vm4, $0x2044, v16;
	v17 =	vsel vm4, $0x2144, v17;
	v18 =	vsel vm4, $0x2444, v18  }
0x79: {  	v19 =	vsel vm4, $0x2544, v19;
	v20 =	vsel vm4, $0x2844, v20;
	v21 =	vsel vm4, $0x2944, v21  }
0x7a: {  	v22 =	vsel vm4, $0x2C44, v22;
	v23 =	vsel vm4, $0x2D44, v23;
	v24 =	vsel vm4, $0x3044, v24  }
0x7b: {  	v25 =	vsel vm4, $0x3144, v25;
	v26 =	vsel vm4, $0x3444, v26;
	v27 =	vsel vm4, $0x3544, v27  }
0x7c: {  	v28 =	vsel vm4, $0x3844, v28;
	v29 =	vsel vm4, $0x3944, v29;
	v30 =	vsel vm4, $0x3C44, v30  }
0x7d: {  	v31 =	vsel vm4, $0x3D44, v31;
	v0 =	vsel vm3, $0x145, v0;
	v4 =	vsel vm6, $0x840, v4  }
0x7e: {  	v5 =	vsel vm3, $0x945, v5;
	v6 =	vsel vm3, $0xC45, v6;
	v7 =	vsel vm3, $0xD45, v7  }
0x7f: {  	v8 =	vsel vm3, $0x1045, v8;
	v9 =	vsel vm3, $0x1145, v9;
	v10 =	vsel vm3, $0x1445, v10  }
0x80: {  	v11 =	vsel vm3, $0x1545, v11;
	v12 =	vsel vm3, $0x1845, v12;
	v13 =	vsel vm3, $0x1945, v13  }
0x81: {  	v14 =	vsel vm3, $0x1C45, v14;
	v15 =	vsel vm3, $0x1D45, v15;
	v16 =	vsel vm3, $0x2045, v16  }
0x82: {  	v17 =	vsel vm3, $0x2145, v17;
	v18 =	vsel vm3, $0x2445, v18;
	v19 =	vsel vm3, $0x2545, v19  }
0x83: {  	v20 =	vsel vm3, $0x2845, v20;
	v21 =	vsel vm3, $0x2945, v21;
	v22 =	vsel vm3, $0x2C45, v22  }
0x84: {  	v23 =	vsel vm3, $0x2D45, v23;
	v24 =	vsel vm3, $0x3045, v24;
	v25 =	vsel vm3, $0x3145, v25  }
0x85: {  	v26 =	vsel vm3, $0x3445, v26;
	v27 =	vsel vm3, $0x3545, v27;
	v28 =	vsel vm3, $0x3845, v28  }
0x86: {  	v29 =	vsel vm3, $0x3945, v29;
	v30 =	vsel vm3, $0x3C45, v30;
	v31 =	vsel vm3, $0x3D45, v31  }
0x87: {  	v0 =	vsel vm2, $0x150, v0;
	v4 =	vsel vm5, $0x841, v4;
	v5 =	vsel vm2, $0x950, v5  }
0x88: {  	v6 =	vsel vm2, $0xC50, v6;
	v7 =	vsel vm2, $0xD50, v7;
	v8 =	vsel vm2, $0x1050, v8  }
0x89: {  	v9 =	vsel vm2, $0x1150, v9;
	v10 =	vsel vm2, $0x1450, v10;
	v11 =	vsel vm2, $0x1550, v11  }
0x8a: {  	v12 =	vsel vm2, $0x1850, v12;
	v13 =	vsel vm2, $0x1950, v13;
	v14 =	vsel vm2, $0x1C50, v14  }
0x8b: {  	v15 =	vsel vm2, $0x1D50, v15;
	v16 =	vsel vm2, $0x2050, v16;
	v17 =	vsel vm2, $0x2150, v17  }
0x8c: {  	v18 =	vsel vm2, $0x2450, v18;
	v19 =	vsel vm2, $0x2550, v19;
	v20 =	vsel vm2, $0x2850, v20  }
0x8d: {  	v21 =	vsel vm2, $0x2950, v21;
	v22 =	vsel vm2, $0x2C50, v22;
	v23 =	vsel vm2, $0x2D50, v23  }
0x8e: {  	v24 =	vsel vm2, $0x3050, v24;
	v25 =	vsel vm2, $0x3150, v25;
	v26 =	vsel vm2, $0x3450, v26  }
0x8f: {  	v27 =	vsel vm2, $0x3550, v27;
	v28 =	vsel vm2, $0x3850, v28;
	v29 =	vsel vm2, $0x3950, v29  }
0x90: {  	v30 =	vsel vm2, $0x3C50, v30;
	v31 =	vsel vm2, $0x3D50, v31;
	v3 =	vsel vm1, $0x151, v0  }
0x91: {  	v0 =	vcombine.low v2, v1;
	v2 =	vimm.s32 $0x455;
	v4 =	vsel vm4, $0x844, v4  }
0x92: {  	v5 =	vsel vm1, $0x951, v5;
	v6 =	vsel vm1, $0xC51, v6;
	v7 =	vsel vm1, $0xD51, v7  }
0x93: {  	v8 =	vsel vm1, $0x1051, v8;
	v9 =	vsel vm1, $0x1151, v9;
	v10 =	vsel vm1, $0x1451, v10  }
0x94: {  	v11 =	vsel vm1, $0x1551, v11;
	v12 =	vsel vm1, $0x1851, v12;
	v13 =	vsel vm1, $0x1951, v13  }
0x95: {  	v14 =	vsel vm1, $0x1C51, v14;
	v15 =	vsel vm1, $0x1D51, v15;
	v16 =	vsel vm1, $0x2051, v16  }
0x96: {  	v17 =	vsel vm1, $0x2151, v17;
	v18 =	vsel vm1, $0x2451, v18;
	v19 =	vsel vm1, $0x2551, v19  }
0x97: {  	v20 =	vsel vm1, $0x2851, v20;
	v21 =	vsel vm1, $0x2951, v21;
	v22 =	vsel vm1, $0x2C51, v22  }
0x98: {  	s0 =	rddreg [dreg:$0x0];
	v23 =	vsel vm1, $0x2D51, v23;
	v24 =	vsel vm1, $0x3051, v24;
	v25 =	vsel vm1, $0x3151, v25  }
0x99: {  	s1 =	rddreg [dreg:$0x1];
	s3 =	simm.s32 $0x0;
	v26 =	vsel vm1, $0x3451, v26;
	v27 =	vsel vm1, $0x3551, v27;
	v28 =	vsel vm1, $0x3851, v28  }
0x9a: {  	s7 =	stileid.u32;
	s5 =	srdreg.scid;
	s28 =	simm.s32 $0x4000;
	v29 =	vsel vm1, $0x3951, v29;
	v30 =	vsel vm1, $0x3C51, v30;
	v31 =	vsel vm1, $0x3D51, v31  }
0x9b: {  	[smem:$0x7FF] =	sst s3;
	s4 =	sshll.u32 s7, $0xC;
	s5 =	sand.u32 $0x1, s5;
	v1 =	vsel vm15, $0x154, v3;
	v3 =	vimm.s32 $0x555;
	v2 =	vsel vm14, $0x400, v2  }
0x9c: {  	s6 =	sshll.u32 s7, $0x2;
	s15 =	sadd.s32 $0x2820, s0;
	_ =	strace $0x80000047;
	v4 =	vsel vm3, $0x845, v4;
	v5 =	vsel vm15, $0x954, v5;
	v6 =	vsel vm15, $0xC54, v6  }
0x9d: {  	s2 =	sand.u32 $0x8000, s4;
	s6 =	sand.u32 $0x4, s6;
	s22 =	ssub.s32 $0x2, s5;
	v7 =	vsel vm15, $0xD54, v7;
	v8 =	vsel vm15, $0x1054, v8;
	v9 =	vsel vm15, $0x1154, v9  }
0x9e: {  	s4 =	sand.u32 $0x7000, s4;
	s1 =	sadd.s32 s2, s1;
	s2 =	sshll.u32 s7, $0xF;
	v10 =	vsel vm15, $0x1454, v10;
	v11 =	vsel vm15, $0x1554, v11;
	v12 =	vsel vm15, $0x1854, v12  }
0x9f: {  	s7 =	sshll.u32 s7, $0xE;
	s6 =	sor.u32 s5, s6;
	s9 =	sshrl.u32 s22, $0x1;
	v13 =	vsel vm15, $0x1954, v13;
	v14 =	vsel vm15, $0x1C54, v14;
	v15 =	vsel vm15, $0x1D54, v15  }
0xa0: {  	s5 =	sshll.u32 s5, $0xB;
	s8 =	sand.u32 $0x20000, s2;
	s7 =	sand.u32 $0x8000, s7;
	v16 =	vsel vm15, $0x2054, v16;
	v17 =	vsel vm15, $0x2154, v17;
	v18 =	vsel vm15, $0x2454, v18  }
0xa1: {  	s10 =	sand.u32 $0x40000, s2;
	s11 =	sshll.u32 s6, $0x7;
	s16 =	ssub.s32 s22, s9;
	v19 =	vsel vm15, $0x2554, v19;
	v20 =	vsel vm15, $0x2854, v20;
	v3 =	vsel vm14, $0x500, v3  }
0xa2: {  	s9 =	sadd.s32 $0x2000, s0;
	s4 =	sor.u32 s5, s4;
	s7 =	sor.u32 s7, s8;
	v21 =	vsel vm15, $0x2954, v21;
	v2 =	vsel vm13, $0x401, v2;
	v3 =	vsel vm13, $0x501, v3  }
0xa3: {  	s13 =	sor.u32 $0x100, s11;
	s18 =	sor.u32 $0x80000, s10;
	s1 =	sadd.s32 s4, s1;
	v22 =	vsel vm15, $0x2C54, v22;
	v2 =	vsel vm12, $0x404, v2;
	v3 =	vsel vm12, $0x504, v3  }
0xa4: {  	s31 =	smax.u32 s16, $0x1;
	s4 =	simm.s32 $0x0;
	s8 =	sor.u32 s10, s7;
	v23 =	vsel vm15, $0x2D54, v23;
	v2 =	vsel vm11, $0x405, v2;
	v3 =	vsel vm11, $0x505, v3  }
0xa5: {  	s19 =	sor.u32 s7, s11;
	s20 =	sor.u32 s7, s13;
	s12 =	sor.u32 s11, s8;
	v24 =	vsel vm15, $0x3054, v24;
	v2 =	vsel vm10, $0x410, v2;
	v3 =	vsel vm10, $0x510, v3  }
0xa6: {  	s21 =	sadd.s32 $0x400, s1;
	s8 =	sor.u32 s13, s8;
	s17 =	sshrl.u32 s12, $0x3;
	v25 =	vsel vm15, $0x3154, v25;
	v2 =	vsel vm9, $0x411, v2;
	v3 =	vsel vm9, $0x511, v3  }
0xa7: {  	[dreg:$0xb] =	wrdreg s31;
	s23 =	sshrl.u32 s8, $0x3;
	s24 =	sadd.s32 s0, s17;
	v26 =	vsel vm15, $0x3454, v26;
	v2 =	vsel vm8, $0x414, v2;
	v3 =	vsel vm8, $0x514, v3  }
0xa8: {  	s8 =	sadd.s32 $0x820, s0;
	s6 =	sadd.s32 s0, s23;
	[dreg:$0x3] =	wrdreg s24;
	v27 =	vsel vm15, $0x3554, v27;
	v2 =	vsel vm7, $0x415, v2;
	v3 =	vsel vm7, $0x515, v3  }
0xa9: {  	s10 =	simm.s32 $0x2;
	s12 =	sadd.s32 s17, s8;
	[dreg:$0x4] =	wrdreg s6;
	v28 =	vsel vm15, $0x3854, v28;
	v2 =	vsel vm6, $0x440, v2;
	v3 =	vsel vm6, $0x540, v3  }
0xaa: {  	s26 =	sadd.s32 s17, s9;
	s30 =	sadd.s32 s17, s15;
	[dreg:$0x6] =	wrdreg s12;
	v29 =	vsel vm15, $0x3954, v29;
	v2 =	vsel vm5, $0x441, v2;
	v3 =	vsel vm5, $0x541, v3  }
0xab: {  	s23 =	sor.u32 $0x100000, s2;
	[dreg:$0x7] =	wrdreg s26;
	s12 =	sadd.s32 $0x2020, s0;
	v30 =	vsel vm15, $0x3C54, v30;
	v2 =	vsel vm4, $0x444, v2;
	v3 =	vsel vm4, $0x544, v3  }
0xac: {  	s6 =	sadd.s32 $0x800, s0;
	[dreg:$0xa] =	wrdreg s30;
	s14 =	sadd.s32 s17, s12;
	v31 =	vsel vm15, $0x3D54, v31;
	v2 =	vsel vm3, $0x445, v2;
	v3 =	vsel vm3, $0x545, v3  }
0xad: {  	s25 =	sadd.s32 s17, s6;
	[dreg:$0x8] =	wrdreg s14;
	s14 =	sadd.s32 $0x2800, s0;
	v4 =	vsel vm2, $0x850, v4;
	v2 =	vsel vm2, $0x450, v2;
	v3 =	vsel vm2, $0x550, v3  }
0xae: {  	s24 =	simm.s32 $0x80;
	[dreg:$0x5] =	wrdreg s25;
	s29 =	sadd.s32 s17, s14;
	v4 =	vsel vm1, $0x851, v4;
	v2 =	vsel vm1, $0x451, v2;
	v3 =	vsel vm1, $0x551, v3  }
0xaf: {  	s26 =	simm.s32 $0x1;
	s25 =	simm.s32 $0x400;
	[dreg:$0x9] =	wrdreg s29;
	v4 =	vsel vm15, $0x854, v4;
	v2 =	vsel vm15, $0x454, v2;
	v3 =	vsel vm15, $0x554, v3  }
.LBB2_1:
0xb0: {  	[dreg:$0xc] =	wrdreg s4  }
0xb1: {  	s1 =	rddreg [dreg:$0x3]  }
0xb2: {  	[tilespmem:s3], [sflag:$0x1] =	stream.strided.gather [hbm4b:s1+s24], $0x800, s25, s24, $0x38;
	[tilespmem:$0x10000] =	vst v63  }
0xb3: {  	s31 =	rddreg [dreg:$0x4];
	s2 =	simm.s32 $0x800  }
0xb4: {  	[tilespmem:s2], [sflag:$0x1] =	stream.strided.gather [hbm4b:s31+s24], $0x800, s25, s24, $0x38;
	[tilespmem:$0x10000] =	vst v63  }
0xb5: {  	s4 =	simm.s32 $0x1000;
	s2 =	rddreg [dreg:$0x5]  }
0xb6: {  	[tilespmem:s4], [sflag:$0x1] =	stream.strided.gather [hbm4b:s2+s24], $0x800, s25, s24, $0x38;
	[tilespmem:$0x10000] =	vst v63  }
0xb7: {  	s5 =	rddreg [dreg:$0x6];
	s7 =	simm.s32 $0x1800  }
0xb8: {  	[tilespmem:s7], [sflag:$0x1] =	stream.strided.gather [hbm4b:s5+s24], $0x800, s25, s24, $0x38;
	[tilespmem:$0x10000] =	vst v63  }
0xb9: {  	s11 =	rddreg [dreg:$0x7];
	s13 =	simm.s32 $0x2000  }
0xba: {  	[tilespmem:s13], [sflag:$0x1] =	stream.strided.gather [hbm4b:s11+s24], $0x800, s25, s24, $0x38;
	[tilespmem:$0x10000] =	vst v63  }
0xbb: {  	s16 =	rddreg [dreg:$0x8];
	s17 =	simm.s32 $0x2800  }
0xbc: {  	[tilespmem:s17], [sflag:$0x1] =	stream.strided.gather [hbm4b:s16+s24], $0x800, s25, s24, $0x38;
	[tilespmem:$0x10000] =	vst v63  }
0xbd: {  	s22 =	rddreg [dreg:$0x9];
	s29 =	simm.s32 $0x3000  }
0xbe: {  	[tilespmem:s29], [sflag:$0x1] =	stream.strided.gather [hbm4b:s22+s24], $0x800, s25, s24, $0x38;
	[tilespmem:$0x10000] =	vst v63  }
0xbf: {  	s30 =	rddreg [dreg:$0xa];
	s31 =	simm.s32 $0x3800;
	s22 =	simm.s32 $0x0  }
0xc0: {  	[tilespmem:s31], [sflag:$0x1] =	stream.strided.gather [hbm4b:s30+s24], $0x800, s25, s24, $0x38;
	[tilespmem:$0x10000] =	vst v63  }
.LBB2_2:
0xc1: {  	_ =	swait.ge [sflag:s26], $0x800  }
0xc2: {  	[sflag:s26] =	ssyncset.done $0x0  }
0xc3: {  	[sflag:s26] =	ssyncadd.s32 $0xFFFFF800  }
0xc4: {  	_ =	swait.ge [sflag:s26], $0x800  }
0xc5: {  	[sflag:s26] =	ssyncset.done $0x0  }
0xc6: {  	[sflag:s26] =	ssyncadd.s32 $0xFFFFF800  }
0xc7: {  	_ =	swait.ge [sflag:s26], $0x800  }
0xc8: {  	[sflag:s26] =	ssyncset.done $0x0  }
0xc9: {  	[sflag:s26] =	ssyncadd.s32 $0xFFFFF800  }
0xca: {  	_ =	swait.ge [sflag:s26], $0x800  }
0xcb: {  	[sflag:s26] =	ssyncset.done $0x0  }
0xcc: {  	[sflag:s26] =	ssyncadd.s32 $0xFFFFF800  }
0xcd: {  	_ =	swait.ge [sflag:s26], $0x800  }
0xce: {  	[sflag:s26] =	ssyncset.done $0x0  }
0xcf: {  	[sflag:s26] =	ssyncadd.s32 $0xFFFFF800  }
0xd0: {  	_ =	swait.ge [sflag:s26], $0x800  }
0xd1: {  	[sflag:s26] =	ssyncset.done $0x0  }
0xd2: {  	[sflag:s26] =	ssyncadd.s32 $0xFFFFF800  }
0xd3: {  	_ =	swait.ge [sflag:s26], $0x800  }
0xd4: {  	s13 =	sshll.u32 s22, $0x14;
	[sflag:s26] =	ssyncset.done $0x0  }
0xd5: {  	s1 =	sor.u32 s18, s13;
	[sflag:s26] =	ssyncadd.s32 $0xFFFFF800  }
0xd6: {  	s2 =	sor.u32 s19, s1;
	_ =	swait.ge [sflag:s26], $0x800  }
0xd7: {  	s1 =	sor.u32 s20, s1;
	s2 =	sshrl.u32 s2, $0x3;
	[sflag:s26] =	ssyncset.done $0x0  }
0xd8: {  	s1 =	sshrl.u32 s1, $0x3;
	s4 =	sadd.s32 s0, s2;
	[sflag:s26] =	ssyncadd.s32 $0xFFFFF800  }
0xd9: {  	[tilespmem:s28], [sflag:$0x2] =	stream.strided.gather [hbm4b:s4+s24], $0x800, s25, s24, $0x38;
	[tilespmem:$0x10000] =	vst v63  }
0xda: {  	s5 =	simm.s32 $0x4800;
	s1 =	sadd.s32 s0, s1  }
0xdb: {  	[tilespmem:s5], [sflag:$0x2] =	stream.strided.gather [hbm4b:s1+s24], $0x800, s25, s24, $0x38;
	[tilespmem:$0x10000] =	vst v63  }
0xdc: {  	s11 =	simm.s32 $0x5000;
	s7 =	sadd.s32 s2, s6  }
0xdd: {  	[tilespmem:s11], [sflag:$0x2] =	stream.strided.gather [hbm4b:s7+s24], $0x800, s25, s24, $0x38;
	[tilespmem:$0x10000] =	vst v63  }
0xde: {  	s17 =	simm.s32 $0x5800;
	s16 =	sadd.s32 s2, s8  }
0xdf: {  	[tilespmem:s17], [sflag:$0x2] =	stream.strided.gather [hbm4b:s16+s24], $0x800, s25, s24, $0x38;
	[tilespmem:$0x10000] =	vst v63  }
0xe0: {  	s4 =	sadd.s32 s2, s9;
	s5 =	simm.s32 $0x6000  }
0xe1: {  	[tilespmem:s5], [sflag:$0x2] =	stream.strided.gather [hbm4b:s4+s24], $0x800, s25, s24, $0x38;
	[tilespmem:$0x10000] =	vst v63  }
0xe2: {  	s7 =	sadd.s32 s2, s12;
	s11 =	simm.s32 $0x6800  }
0xe3: {  	[tilespmem:s11], [sflag:$0x2] =	stream.strided.gather [hbm4b:s7+s24], $0x800, s25, s24, $0x38;
	[tilespmem:$0x10000] =	vst v63  }
0xe4: {  	s16 =	sadd.s32 s2, s14;
	s17 =	simm.s32 $0x7000  }
0xe5: {  	[tilespmem:s17], [sflag:$0x2] =	stream.strided.gather [hbm4b:s16+s24], $0x800, s25, s24, $0x38;
	[tilespmem:$0x10000] =	vst v63  }
0xe6: {  	s5 =	sadd.s32 s2, s15;
	s17 =	simm.s32 $0x0  }
0xe7: {  	s7 =	simm.s32 $0x7800;
	s11 =	sand.u32 $0x2, s17;
	s16 =	sand.u32 $0x8, s17  }
0xe8: {  	[tilespmem:s7], [sflag:$0x2] =	stream.strided.gather [hbm4b:s5+s24], $0x800, s25, s24, $0x38;
	[tilespmem:$0x10000] =	vst v63  }
0xe9: {  	s4 =	sand.u32 $0x20, s17;
	s1 =	sor.u32 s16, s11  }
0xea: {  	s5 =	sand.u32 $0x80, s17;
	s1 =	sor.u32 s4, s1  }
0xeb: {  	s7 =	sand.u32 $0x200, s17;
	s1 =	sor.u32 s5, s1  }
0xec: {  	s5 =	sor.u32 s7, s1  }
0xed: {  	p0 =	seq.s32 s22, $0x0;
	v32 =	vor.u32 s5, v0  }
0xee: {  	s1 =	simm.s32 @!p0 $0x3  }
0xef: {  	_ =	swait.ge @!p0 [sflag:s1], $0x4000  }
0xf0: {  	[sflag:s1] =	ssyncset.done @!p0 $0x0  }
0xf1: {  	[sflag:s1] =	ssyncadd.s32 @!p0 $0xFFFFC000  }
0xf2: {  	v32 =	vld.idx.msk [tilespmem:v32+s3+$0x0], $0xffff  }
0xf3: {  	v33 =	vor.u32 s5, v1;
	_ =	sdelay $0x1  }
0xf4: {  	s11 =	sand.u32 $0x3000, s17;
	s16 =	sand.u32 $0x380, s17  }
0xf5: {  	s29 =	sor.u32 s16, s11  }
0xf6: {  	[tilespmem:s29+$0x8000] =	vst v32  }
0xf7: {  	v32 =	vld.idx.msk [tilespmem:v33+s3+$0x0], $0xffff  }
0xf8: {  	v63 =	vor.u32 s5, v2;
	_ =	sdelay $0x3  }
0xf9: {  	[tilespmem:s29+$0x8010] =	vst v32  }
0xfa: {  	v32 =	vld.idx.msk [tilespmem:v63+s3+$0x0], $0xffff  }
0xfb: {  	v36 =	vor.u32 s5, v3;
	_ =	sdelay $0x3  }
0xfc: {  	[tilespmem:s29+$0x8020] =	vst v32  }
0xfd: {  	v32 =	vld.idx.msk [tilespmem:v36+s3+$0x0], $0xffff  }
0xfe: {  	v37 =	vor.u32 s5, v4;
	_ =	sdelay $0x3  }
0xff: {  	[tilespmem:s29+$0x8030] =	vst v32  }
0x100: {  	v32 =	vld.idx.msk [tilespmem:v37+s3+$0x0], $0xffff  }
0x101: {  	v38 =	vor.u32 s5, v5;
	_ =	sdelay $0x3  }
0x102: {  	[tilespmem:s29+$0x8040] =	vst v32  }
0x103: {  	v32 =	vld.idx.msk [tilespmem:v38+s3+$0x0], $0xffff  }
0x104: {  	v39 =	vor.u32 s5, v6;
	_ =	sdelay $0x3  }
0x105: {  	[tilespmem:s29+$0x8050] =	vst v32  }
0x106: {  	v32 =	vld.idx.msk [tilespmem:v39+s3+$0x0], $0xffff  }
0x107: {  	v40 =	vor.u32 s5, v7;
	_ =	sdelay $0x3  }
0x108: {  	[tilespmem:s29+$0x8060] =	vst v32  }
0x109: {  	v32 =	vld.idx.msk [tilespmem:v40+s3+$0x0], $0xffff  }
0x10a: {  	v41 =	vor.u32 s5, v8;
	_ =	sdelay $0x3  }
0x10b: {  	[tilespmem:s29+$0x8070] =	vst v32  }
0x10c: {  	v32 =	vld.idx.msk [tilespmem:v41+s3+$0x0], $0xffff  }
0x10d: {  	v42 =	vor.u32 s5, v9;
	_ =	sdelay $0x3  }
0x10e: {  	[tilespmem:s29+$0x8400] =	vst v32  }
0x10f: {  	v32 =	vld.idx.msk [tilespmem:v42+s3+$0x0], $0xffff  }
0x110: {  	v43 =	vor.u32 s5, v10;
	_ =	sdelay $0x3  }
0x111: {  	[tilespmem:s29+$0x8410] =	vst v32  }
0x112: {  	v32 =	vld.idx.msk [tilespmem:v43+s3+$0x0], $0xffff  }
0x113: {  	v44 =	vor.u32 s5, v11;
	_ =	sdelay $0x3  }
0x114: {  	[tilespmem:s29+$0x8420] =	vst v32  }
0x115: {  	v32 =	vld.idx.msk [tilespmem:v44+s3+$0x0], $0xffff  }
0x116: {  	v45 =	vor.u32 s5, v12;
	_ =	sdelay $0x3  }
0x117: {  	[tilespmem:s29+$0x8430] =	vst v32  }
0x118: {  	v32 =	vld.idx.msk [tilespmem:v45+s3+$0x0], $0xffff  }
0x119: {  	v46 =	vor.u32 s5, v13;
	_ =	sdelay $0x3  }
0x11a: {  	[tilespmem:s29+$0x8440] =	vst v32  }
0x11b: {  	v32 =	vld.idx.msk [tilespmem:v46+s3+$0x0], $0xffff  }
0x11c: {  	v47 =	vor.u32 s5, v14;
	_ =	sdelay $0x3  }
0x11d: {  	[tilespmem:s29+$0x8450] =	vst v32  }
0x11e: {  	v32 =	vld.idx.msk [tilespmem:v47+s3+$0x0], $0xffff  }
0x11f: {  	v48 =	vor.u32 s5, v15;
	_ =	sdelay $0x3  }
0x120: {  	[tilespmem:s29+$0x8460] =	vst v32  }
0x121: {  	v32 =	vld.idx.msk [tilespmem:v48+s3+$0x0], $0xffff  }
0x122: {  	v49 =	vor.u32 s5, v16;
	_ =	sdelay $0x3  }
0x123: {  	[tilespmem:s29+$0x8470] =	vst v32  }
0x124: {  	v32 =	vld.idx.msk [tilespmem:v49+s3+$0x0], $0xffff  }
0x125: {  	v50 =	vor.u32 s5, v17;
	_ =	sdelay $0x3  }
0x126: {  	[tilespmem:s29+$0x8800] =	vst v32  }
0x127: {  	v32 =	vld.idx.msk [tilespmem:v50+s3+$0x0], $0xffff  }
0x128: {  	v51 =	vor.u32 s5, v18;
	_ =	sdelay $0x3  }
0x129: {  	[tilespmem:s29+$0x8810] =	vst v32  }
0x12a: {  	v32 =	vld.idx.msk [tilespmem:v51+s3+$0x0], $0xffff  }
0x12b: {  	v52 =	vor.u32 s5, v19;
	_ =	sdelay $0x3  }
0x12c: {  	[tilespmem:s29+$0x8820] =	vst v32  }
0x12d: {  	v32 =	vld.idx.msk [tilespmem:v52+s3+$0x0], $0xffff  }
0x12e: {  	v53 =	vor.u32 s5, v20;
	_ =	sdelay $0x3  }
0x12f: {  	[tilespmem:s29+$0x8830] =	vst v32  }
0x130: {  	v32 =	vld.idx.msk [tilespmem:v53+s3+$0x0], $0xffff  }
0x131: {  	v54 =	vor.u32 s5, v21;
	_ =	sdelay $0x3  }
0x132: {  	[tilespmem:s29+$0x8840] =	vst v32  }
0x133: {  	v32 =	vld.idx.msk [tilespmem:v54+s3+$0x0], $0xffff  }
0x134: {  	v55 =	vor.u32 s5, v22;
	_ =	sdelay $0x3  }
0x135: {  	[tilespmem:s29+$0x8850] =	vst v32  }
0x136: {  	v32 =	vld.idx.msk [tilespmem:v55+s3+$0x0], $0xffff  }
0x137: {  	v56 =	vor.u32 s5, v23;
	_ =	sdelay $0x3  }
0x138: {  	[tilespmem:s29+$0x8860] =	vst v32  }
0x139: {  	v32 =	vld.idx.msk [tilespmem:v56+s3+$0x0], $0xffff  }
0x13a: {  	v57 =	vor.u32 s5, v24;
	_ =	sdelay $0x3  }
0x13b: {  	[tilespmem:s29+$0x8870] =	vst v32  }
0x13c: {  	v32 =	vld.idx.msk [tilespmem:v57+s3+$0x0], $0xffff  }
0x13d: {  	v58 =	vor.u32 s5, v25;
	_ =	sdelay $0x3  }
0x13e: {  	[tilespmem:s29+$0x8C00] =	vst v32  }
0x13f: {  	v32 =	vld.idx.msk [tilespmem:v58+s3+$0x0], $0xffff  }
0x140: {  	v59 =	vor.u32 s5, v26;
	_ =	sdelay $0x3  }
0x141: {  	[tilespmem:s29+$0x8C10] =	vst v32  }
0x142: {  	v32 =	vld.idx.msk [tilespmem:v59+s3+$0x0], $0xffff  }
0x143: {  	v60 =	vor.u32 s5, v27;
	_ =	sdelay $0x3  }
0x144: {  	[tilespmem:s29+$0x8C20] =	vst v32  }
0x145: {  	v32 =	vld.idx.msk [tilespmem:v60+s3+$0x0], $0xffff  }
0x146: {  	v61 =	vor.u32 s5, v28;
	_ =	sdelay $0x3  }
0x147: {  	[tilespmem:s29+$0x8C30] =	vst v32  }
0x148: {  	v32 =	vld.idx.msk [tilespmem:v61+s3+$0x0], $0xffff  }
0x149: {  	v62 =	vor.u32 s5, v29;
	_ =	sdelay $0x3  }
0x14a: {  	[tilespmem:s29+$0x8C40] =	vst v32  }
0x14b: {  	v32 =	vld.idx.msk [tilespmem:v62+s3+$0x0], $0xffff  }
0x14c: {  	v63 =	vor.u32 s5, v30;
	_ =	sdelay $0x3  }
0x14d: {  	[tilespmem:s29+$0x8C50] =	vst v32  }
0x14e: {  	s30 =	simm.s32 $0x0;
	v33 =	vld.idx.msk [tilespmem:v63+s3+$0x0], $0xffff  }
0x14f: {  	s31 =	simm.s32 $0x0;
	s2 =	simm.s32 $0x8;
	s4 =	simm.s32 $0x4;
	v32 =	vor.u32 s5, v31  }
0x150: {  	s16 =	sshll.u32 s22, $0x1;
	s11 =	sand.u32 $0x8, s4;
	s7 =	simm.s32 $0x2  }
0x151: {  	s7 =	sand.u32 $0x2, s7;
	s1 =	simm.s32 $0x10;
	s5 =	simm.s32 $0x4  }
.LBB2_3:
0x152: {  	p1 =	sne.s32 s5, $0x3E;
	s7 =	sor.u32 s11, s7;
	s11 =	sand.u32 $0x20, s2  }
0x153: {  	s17 =	sadd.s32 $0x20, s17;
	s7 =	sor.u32 s11, s7;
	s11 =	sand.u32 $0x80, s1;
	[tilespmem:s29+$0x8C60] =	vst v33  }
0x154: {  	s7 =	sor.u32 s11, s7;
	s11 =	sand.u32 $0x200, s17;
	v32 =	vld.idx.msk [tilespmem:v32+s3+$0x0], $0xffff  }
0x155: {  	s7 =	sor.u32 s11, s7  }
0x156: {  	v33 =	vor.u32 s7, v0;
	_ =	sdelay $0x3  }
0x157: {  	[tilespmem:s29+$0x8C70] =	vst v32  }
0x158: {  	v32 =	vld.idx.msk [tilespmem:v33+s3+$0x0], $0xffff;
	_ =	sdelay $0x1  }
0x159: {  	v33 =	vor.u32 s7, v1  }
0x15a: {  	s30 =	sadd.s32 $0x80, s30;
	s31 =	sadd.s32 $0x200, s31  }
0x15b: {  	s11 =	sand.u32 $0x3000, s31;
	s29 =	sand.u32 $0x380, s30  }
0x15c: {  	s29 =	sor.u32 s29, s11  }
0x15d: {  	[tilespmem:s29+$0x8000] =	vst v32  }
0x15e: {  	v32 =	vld.idx.msk [tilespmem:v33+s3+$0x0], $0xffff;
	_ =	sdelay $0x1  }
0x15f: {  	v33 =	vor.u32 s7, v2;
	_ =	sdelay $0x3  }
0x160: {  	[tilespmem:s29+$0x8010] =	vst v32  }
0x161: {  	v32 =	vld.idx.msk [tilespmem:v33+s3+$0x0], $0xffff;
	_ =	sdelay $0x1  }
0x162: {  	v33 =	vor.u32 s7, v3;
	_ =	sdelay $0x3  }
0x163: {  	[tilespmem:s29+$0x8020] =	vst v32  }
0x164: {  	v32 =	vld.idx.msk [tilespmem:v33+s3+$0x0], $0xffff;
	_ =	sdelay $0x1  }
0x165: {  	v33 =	vor.u32 s7, v4;
	_ =	sdelay $0x3  }
0x166: {  	[tilespmem:s29+$0x8030] =	vst v32  }
0x167: {  	v32 =	vld.idx.msk [tilespmem:v33+s3+$0x0], $0xffff;
	_ =	sdelay $0x1  }
0x168: {  	v33 =	vor.u32 s7, v5;
	_ =	sdelay $0x3  }
0x169: {  	[tilespmem:s29+$0x8040] =	vst v32  }
0x16a: {  	v32 =	vld.idx.msk [tilespmem:v33+s3+$0x0], $0xffff;
	_ =	sdelay $0x1  }
0x16b: {  	v33 =	vor.u32 s7, v6;
	_ =	sdelay $0x3  }
0x16c: {  	[tilespmem:s29+$0x8050] =	vst v32  }
0x16d: {  	v32 =	vld.idx.msk [tilespmem:v33+s3+$0x0], $0xffff;
	_ =	sdelay $0x1  }
0x16e: {  	v33 =	vor.u32 s7, v7;
	_ =	sdelay $0x3  }
0x16f: {  	[tilespmem:s29+$0x8060] =	vst v32  }
0x170: {  	v32 =	vld.idx.msk [tilespmem:v33+s3+$0x0], $0xffff;
	_ =	sdelay $0x1  }
0x171: {  	v33 =	vor.u32 s7, v8;
	_ =	sdelay $0x3  }
0x172: {  	[tilespmem:s29+$0x8070] =	vst v32  }
0x173: {  	v32 =	vld.idx.msk [tilespmem:v33+s3+$0x0], $0xffff;
	_ =	sdelay $0x1  }
0x174: {  	v33 =	vor.u32 s7, v9;
	_ =	sdelay $0x3  }
0x175: {  	[tilespmem:s29+$0x8400] =	vst v32  }
0x176: {  	v32 =	vld.idx.msk [tilespmem:v33+s3+$0x0], $0xffff;
	_ =	sdelay $0x1  }
0x177: {  	v33 =	vor.u32 s7, v10;
	_ =	sdelay $0x3  }
0x178: {  	[tilespmem:s29+$0x8410] =	vst v32  }
0x179: {  	v32 =	vld.idx.msk [tilespmem:v33+s3+$0x0], $0xffff;
	_ =	sdelay $0x1  }
0x17a: {  	v33 =	vor.u32 s7, v11;
	_ =	sdelay $0x3  }
0x17b: {  	[tilespmem:s29+$0x8420] =	vst v32  }
0x17c: {  	v32 =	vld.idx.msk [tilespmem:v33+s3+$0x0], $0xffff;
	_ =	sdelay $0x1  }
0x17d: {  	v33 =	vor.u32 s7, v12;
	_ =	sdelay $0x3  }
0x17e: {  	[tilespmem:s29+$0x8430] =	vst v32  }
0x17f: {  	v32 =	vld.idx.msk [tilespmem:v33+s3+$0x0], $0xffff;
	_ =	sdelay $0x1  }
0x180: {  	v33 =	vor.u32 s7, v13;
	_ =	sdelay $0x3  }
0x181: {  	[tilespmem:s29+$0x8440] =	vst v32  }
0x182: {  	v32 =	vld.idx.msk [tilespmem:v33+s3+$0x0], $0xffff;
	_ =	sdelay $0x1  }
0x183: {  	v33 =	vor.u32 s7, v14;
	_ =	sdelay $0x3  }
0x184: {  	[tilespmem:s29+$0x8450] =	vst v32  }
0x185: {  	v32 =	vld.idx.msk [tilespmem:v33+s3+$0x0], $0xffff;
	_ =	sdelay $0x1  }
0x186: {  	v33 =	vor.u32 s7, v15;
	_ =	sdelay $0x3  }
0x187: {  	[tilespmem:s29+$0x8460] =	vst v32  }
0x188: {  	v32 =	vld.idx.msk [tilespmem:v33+s3+$0x0], $0xffff;
	_ =	sdelay $0x1  }
0x189: {  	v33 =	vor.u32 s7, v16;
	_ =	sdelay $0x3  }
0x18a: {  	[tilespmem:s29+$0x8470] =	vst v32  }
0x18b: {  	v32 =	vld.idx.msk [tilespmem:v33+s3+$0x0], $0xffff;
	_ =	sdelay $0x1  }
0x18c: {  	v33 =	vor.u32 s7, v17;
	_ =	sdelay $0x3  }
0x18d: {  	[tilespmem:s29+$0x8800] =	vst v32  }
0x18e: {  	v32 =	vld.idx.msk [tilespmem:v33+s3+$0x0], $0xffff;
	_ =	sdelay $0x1  }
0x18f: {  	v33 =	vor.u32 s7, v18;
	_ =	sdelay $0x3  }
0x190: {  	[tilespmem:s29+$0x8810] =	vst v32  }
0x191: {  	v32 =	vld.idx.msk [tilespmem:v33+s3+$0x0], $0xffff;
	_ =	sdelay $0x1  }
0x192: {  	v33 =	vor.u32 s7, v19;
	_ =	sdelay $0x3  }
0x193: {  	[tilespmem:s29+$0x8820] =	vst v32  }
0x194: {  	v32 =	vld.idx.msk [tilespmem:v33+s3+$0x0], $0xffff;
	_ =	sdelay $0x1  }
0x195: {  	v33 =	vor.u32 s7, v20;
	_ =	sdelay $0x3  }
0x196: {  	[tilespmem:s29+$0x8830] =	vst v32  }
0x197: {  	v32 =	vld.idx.msk [tilespmem:v33+s3+$0x0], $0xffff;
	_ =	sdelay $0x1  }
0x198: {  	v33 =	vor.u32 s7, v21;
	_ =	sdelay $0x3  }
0x199: {  	[tilespmem:s29+$0x8840] =	vst v32  }
0x19a: {  	v32 =	vld.idx.msk [tilespmem:v33+s3+$0x0], $0xffff;
	_ =	sdelay $0x1  }
0x19b: {  	v33 =	vor.u32 s7, v22;
	_ =	sdelay $0x3  }
0x19c: {  	[tilespmem:s29+$0x8850] =	vst v32  }
0x19d: {  	v32 =	vld.idx.msk [tilespmem:v33+s3+$0x0], $0xffff;
	_ =	sdelay $0x1  }
0x19e: {  	v33 =	vor.u32 s7, v23;
	_ =	sdelay $0x3  }
0x19f: {  	[tilespmem:s29+$0x8860] =	vst v32  }
0x1a0: {  	v32 =	vld.idx.msk [tilespmem:v33+s3+$0x0], $0xffff;
	_ =	sdelay $0x1  }
0x1a1: {  	v33 =	vor.u32 s7, v24;
	_ =	sdelay $0x3  }
0x1a2: {  	[tilespmem:s29+$0x8870] =	vst v32  }
0x1a3: {  	v32 =	vld.idx.msk [tilespmem:v33+s3+$0x0], $0xffff;
	_ =	sdelay $0x1  }
0x1a4: {  	v33 =	vor.u32 s7, v25;
	_ =	sdelay $0x3  }
0x1a5: {  	[tilespmem:s29+$0x8C00] =	vst v32  }
0x1a6: {  	v32 =	vld.idx.msk [tilespmem:v33+s3+$0x0], $0xffff;
	_ =	sdelay $0x1  }
0x1a7: {  	v33 =	vor.u32 s7, v26;
	_ =	sdelay $0x3  }
0x1a8: {  	[tilespmem:s29+$0x8C10] =	vst v32  }
0x1a9: {  	v32 =	vld.idx.msk [tilespmem:v33+s3+$0x0], $0xffff;
	_ =	sdelay $0x1  }
0x1aa: {  	v33 =	vor.u32 s7, v27;
	_ =	sdelay $0x3  }
0x1ab: {  	[tilespmem:s29+$0x8C20] =	vst v32  }
0x1ac: {  	v32 =	vld.idx.msk [tilespmem:v33+s3+$0x0], $0xffff;
	_ =	sdelay $0x1  }
0x1ad: {  	v33 =	vor.u32 s7, v28;
	_ =	sdelay $0x3  }
0x1ae: {  	[tilespmem:s29+$0x8C30] =	vst v32  }
0x1af: {  	v32 =	vld.idx.msk [tilespmem:v33+s3+$0x0], $0xffff;
	_ =	sdelay $0x1  }
0x1b0: {  	v33 =	vor.u32 s7, v29;
	_ =	sdelay $0x3  }
0x1b1: {  	[tilespmem:s29+$0x8C40] =	vst v32  }
0x1b2: {  	v32 =	vld.idx.msk [tilespmem:v33+s3+$0x0], $0xffff;
	_ =	sdelay $0x1  }
0x1b3: {  	v33 =	vor.u32 s7, v30;
	_ =	sdelay $0x3  }
0x1b4: {  	[tilespmem:s29+$0x8C50] =	vst v32  }
.Ltmp0:
0x1b5: {  	v33 =	vld.idx.msk [tilespmem:v33+s3+$0x0], $0xffff;
	(pc) =	sbr.rel @p1 .LBB2_3-.Ltmp0, $4  }
0x1b6: {  	_ = 	snop  }
0x1b7: {  	v32 =	vor.u32 s7, v31  }
0x1b8: {  	s2 =	sadd.s32 $0x8, s2;
	s4 =	sadd.s32 $0x4, s4;
	s1 =	sadd.s32 $0x10, s1  }
0x1b9: {  	s11 =	sand.u32 $0x8, s4;
	s7 =	sand.u32 $0x2, s5;
	s5 =	sadd.s32 $0x2, s5  }
0x1ba: {  	_ = 	snop  }
0x1bb: {  	s4 =	sor.u32 s11, s7;
	s2 =	sand.u32 $0x20, s2  }
0x1bc: {  	s1 =	sand.u32 $0x80, s1;
	s17 =	sadd.s32 $0x20, s17;
	s2 =	sor.u32 s2, s4  }
0x1bd: {  	[tilespmem:s29+$0x8C60] =	vst v33;
	s5 =	sand.u32 $0x200, s17;
	s1 =	sor.u32 s1, s2  }
0x1be: {  	v32 =	vld.idx.msk [tilespmem:v32+s3+$0x0], $0xffff;
	s1 =	sor.u32 s5, s1  }
0x1bf: {  	v57 =	vor.u32 s1, v0;
	_ =	sdelay $0x3  }
0x1c0: {  	[tilespmem:s29+$0x8C70] =	vst v32  }
0x1c1: {  	v32 =	vld.idx.msk [tilespmem:v57+s3+$0x0], $0xffff  }
0x1c2: {  	v58 =	vor.u32 s1, v1  }
0x1c3: {  	s7 =	sadd.s32 $0x80, s30;
	s11 =	sadd.s32 $0x200, s31  }
0x1c4: {  	s4 =	sand.u32 $0x3000, s11;
	s2 =	sand.u32 $0x380, s7  }
0x1c5: {  	s2 =	sor.u32 s2, s4  }
0x1c6: {  	[tilespmem:s2+$0x8000] =	vst v32  }
0x1c7: {  	v32 =	vld.idx.msk [tilespmem:v58+s3+$0x0], $0xffff  }
0x1c8: {  	v59 =	vor.u32 s1, v2;
	_ =	sdelay $0x3  }
0x1c9: {  	[tilespmem:s2+$0x8010] =	vst v32  }
0x1ca: {  	v32 =	vld.idx.msk [tilespmem:v59+s3+$0x0], $0xffff  }
0x1cb: {  	v60 =	vor.u32 s1, v3;
	_ =	sdelay $0x3  }
0x1cc: {  	[tilespmem:s2+$0x8020] =	vst v32  }
0x1cd: {  	v32 =	vld.idx.msk [tilespmem:v60+s3+$0x0], $0xffff  }
0x1ce: {  	v61 =	vor.u32 s1, v4;
	_ =	sdelay $0x3  }
0x1cf: {  	[tilespmem:s2+$0x8030] =	vst v32  }
0x1d0: {  	v32 =	vld.idx.msk [tilespmem:v61+s3+$0x0], $0xffff  }
0x1d1: {  	v62 =	vor.u32 s1, v5;
	_ =	sdelay $0x3  }
0x1d2: {  	[tilespmem:s2+$0x8040] =	vst v32  }
0x1d3: {  	v32 =	vld.idx.msk [tilespmem:v62+s3+$0x0], $0xffff  }
0x1d4: {  	v63 =	vor.u32 s1, v6;
	_ =	sdelay $0x3  }
0x1d5: {  	[tilespmem:s2+$0x8050] =	vst v32  }
0x1d6: {  	v32 =	vld.idx.msk [tilespmem:v63+s3+$0x0], $0xffff  }
0x1d7: {  	v36 =	vor.u32 s1, v7;
	_ =	sdelay $0x3  }
0x1d8: {  	[tilespmem:s2+$0x8060] =	vst v32  }
0x1d9: {  	v32 =	vld.idx.msk [tilespmem:v36+s3+$0x0], $0xffff  }
0x1da: {  	v37 =	vor.u32 s1, v8;
	_ =	sdelay $0x3  }
0x1db: {  	[tilespmem:s2+$0x8070] =	vst v32  }
0x1dc: {  	v32 =	vld.idx.msk [tilespmem:v37+s3+$0x0], $0xffff  }
0x1dd: {  	v38 =	vor.u32 s1, v9;
	_ =	sdelay $0x3  }
0x1de: {  	[tilespmem:s2+$0x8400] =	vst v32  }
0x1df: {  	v32 =	vld.idx.msk [tilespmem:v38+s3+$0x0], $0xffff  }
0x1e0: {  	v39 =	vor.u32 s1, v10;
	_ =	sdelay $0x3  }
0x1e1: {  	[tilespmem:s2+$0x8410] =	vst v32  }
0x1e2: {  	v32 =	vld.idx.msk [tilespmem:v39+s3+$0x0], $0xffff  }
0x1e3: {  	v40 =	vor.u32 s1, v11;
	_ =	sdelay $0x3  }
0x1e4: {  	[tilespmem:s2+$0x8420] =	vst v32  }
0x1e5: {  	v32 =	vld.idx.msk [tilespmem:v40+s3+$0x0], $0xffff  }
0x1e6: {  	v41 =	vor.u32 s1, v12;
	_ =	sdelay $0x3  }
0x1e7: {  	[tilespmem:s2+$0x8430] =	vst v32  }
0x1e8: {  	v32 =	vld.idx.msk [tilespmem:v41+s3+$0x0], $0xffff  }
0x1e9: {  	v42 =	vor.u32 s1, v13;
	_ =	sdelay $0x3  }
0x1ea: {  	[tilespmem:s2+$0x8440] =	vst v32  }
0x1eb: {  	v32 =	vld.idx.msk [tilespmem:v42+s3+$0x0], $0xffff  }
0x1ec: {  	v43 =	vor.u32 s1, v14;
	_ =	sdelay $0x3  }
0x1ed: {  	[tilespmem:s2+$0x8450] =	vst v32  }
0x1ee: {  	v32 =	vld.idx.msk [tilespmem:v43+s3+$0x0], $0xffff  }
0x1ef: {  	v44 =	vor.u32 s1, v15;
	_ =	sdelay $0x3  }
0x1f0: {  	[tilespmem:s2+$0x8460] =	vst v32  }
0x1f1: {  	v32 =	vld.idx.msk [tilespmem:v44+s3+$0x0], $0xffff  }
0x1f2: {  	v45 =	vor.u32 s1, v16;
	_ =	sdelay $0x3  }
0x1f3: {  	[tilespmem:s2+$0x8470] =	vst v32  }
0x1f4: {  	v32 =	vld.idx.msk [tilespmem:v45+s3+$0x0], $0xffff  }
0x1f5: {  	v46 =	vor.u32 s1, v17;
	_ =	sdelay $0x3  }
0x1f6: {  	[tilespmem:s2+$0x8800] =	vst v32  }
0x1f7: {  	v32 =	vld.idx.msk [tilespmem:v46+s3+$0x0], $0xffff  }
0x1f8: {  	v47 =	vor.u32 s1, v18;
	_ =	sdelay $0x3  }
0x1f9: {  	[tilespmem:s2+$0x8810] =	vst v32  }
0x1fa: {  	v32 =	vld.idx.msk [tilespmem:v47+s3+$0x0], $0xffff  }
0x1fb: {  	v48 =	vor.u32 s1, v19;
	_ =	sdelay $0x3  }
0x1fc: {  	[tilespmem:s2+$0x8820] =	vst v32  }
0x1fd: {  	v32 =	vld.idx.msk [tilespmem:v48+s3+$0x0], $0xffff  }
0x1fe: {  	v49 =	vor.u32 s1, v20;
	_ =	sdelay $0x3  }
0x1ff: {  	[tilespmem:s2+$0x8830] =	vst v32  }
0x200: {  	v32 =	vld.idx.msk [tilespmem:v49+s3+$0x0], $0xffff  }
0x201: {  	v50 =	vor.u32 s1, v21;
	_ =	sdelay $0x3  }
0x202: {  	[tilespmem:s2+$0x8840] =	vst v32  }
0x203: {  	v32 =	vld.idx.msk [tilespmem:v50+s3+$0x0], $0xffff  }
0x204: {  	v51 =	vor.u32 s1, v22;
	_ =	sdelay $0x3  }
0x205: {  	[tilespmem:s2+$0x8850] =	vst v32  }
0x206: {  	v32 =	vld.idx.msk [tilespmem:v51+s3+$0x0], $0xffff  }
0x207: {  	v52 =	vor.u32 s1, v23;
	_ =	sdelay $0x3  }
0x208: {  	[tilespmem:s2+$0x8860] =	vst v32  }
0x209: {  	v32 =	vld.idx.msk [tilespmem:v52+s3+$0x0], $0xffff  }
0x20a: {  	v53 =	vor.u32 s1, v24;
	_ =	sdelay $0x3  }
0x20b: {  	[tilespmem:s2+$0x8870] =	vst v32  }
0x20c: {  	v32 =	vld.idx.msk [tilespmem:v53+s3+$0x0], $0xffff  }
0x20d: {  	v54 =	vor.u32 s1, v25;
	_ =	sdelay $0x3  }
0x20e: {  	[tilespmem:s2+$0x8C00] =	vst v32  }
0x20f: {  	v32 =	vld.idx.msk [tilespmem:v54+s3+$0x0], $0xffff  }
0x210: {  	v55 =	vor.u32 s1, v26;
	_ =	sdelay $0x3  }
0x211: {  	[tilespmem:s2+$0x8C10] =	vst v32  }
0x212: {  	v32 =	vld.idx.msk [tilespmem:v55+s3+$0x0], $0xffff  }
0x213: {  	v56 =	vor.u32 s1, v27;
	_ =	sdelay $0x3  }
0x214: {  	[tilespmem:s2+$0x8C20] =	vst v32  }
0x215: {  	v32 =	vld.idx.msk [tilespmem:v56+s3+$0x0], $0xffff  }
0x216: {  	v57 =	vor.u32 s1, v28;
	_ =	sdelay $0x3  }
0x217: {  	[tilespmem:s2+$0x8C30] =	vst v32  }
0x218: {  	v32 =	vld.idx.msk [tilespmem:v57+s3+$0x0], $0xffff  }
0x219: {  	v58 =	vor.u32 s1, v29;
	_ =	sdelay $0x3  }
0x21a: {  	[tilespmem:s2+$0x8C40] =	vst v32  }
0x21b: {  	v32 =	vld.idx.msk [tilespmem:v58+s3+$0x0], $0xffff  }
0x21c: {  	v59 =	vor.u32 s1, v30;
	_ =	sdelay $0x3  }
0x21d: {  	[tilespmem:s2+$0x8C50] =	vst v32  }
0x21e: {  	v32 =	vld.idx.msk [tilespmem:v59+s3+$0x0], $0xffff  }
0x21f: {  	v60 =	vor.u32 s1, v31;
	_ =	sdelay $0x3  }
0x220: {  	[tilespmem:s2+$0x8C60] =	vst v32  }
0x221: {  	v32 =	vld.idx.msk [tilespmem:v60+s3+$0x0], $0xffff;
	_ =	sdelay $0x3  }
0x222: {  	s17 =	sshll.u32 s22, $0x11  }
0x223: {  	s31 =	simm.s32 $0x8000;
	s1 =	sadd.s32 s17, s21;
	[tilespmem:s2+$0x8C70] =	vst v32  }
0x224: {  	[hbm4b:s1+s3] =	stream.linear.scatter [tilespmem:s31], [sflag:$0x3], $0x4000, $0x38;
	[tilespmem:$0x10000] =	vst v63  }
0x225: {  	_ =	swait.ge [sflag:s10], $0x800  }
0x226: {  	[sflag:s10] =	ssyncset.done $0x0  }
0x227: {  	[sflag:s10] =	ssyncadd.s32 $0xFFFFF800  }
0x228: {  	_ =	swait.ge [sflag:s10], $0x800  }
0x229: {  	[sflag:s10] =	ssyncset.done $0x0  }
0x22a: {  	[sflag:s10] =	ssyncadd.s32 $0xFFFFF800  }
0x22b: {  	_ =	swait.ge [sflag:s10], $0x800  }
0x22c: {  	[sflag:s10] =	ssyncset.done $0x0  }
0x22d: {  	[sflag:s10] =	ssyncadd.s32 $0xFFFFF800  }
0x22e: {  	_ =	swait.ge [sflag:s10], $0x800  }
0x22f: {  	[sflag:s10] =	ssyncset.done $0x0  }
0x230: {  	[sflag:s10] =	ssyncadd.s32 $0xFFFFF800  }
0x231: {  	_ =	swait.ge [sflag:s10], $0x800  }
0x232: {  	[sflag:s10] =	ssyncset.done $0x0  }
0x233: {  	[sflag:s10] =	ssyncadd.s32 $0xFFFFF800  }
0x234: {  	_ =	swait.ge [sflag:s10], $0x800  }
0x235: {  	[sflag:s10] =	ssyncset.done $0x0  }
0x236: {  	s16 =	sor.u32 $0x1, s16;
	[sflag:s10] =	ssyncadd.s32 $0xFFFFF800  }
0x237: {  	p1 =	sgt.u32 s16, $0x2E;
	_ =	swait.ge [sflag:s10], $0x800  }
0x238: {  	s7 =	simm.s32 @!p1 $0x80;
	s1 =	sadd.s32 @!p1 s23, s13;
	[sflag:s10] =	ssyncset.done $0x0  }
0x239: {  	s11 =	simm.s32 @!p1 $0x400;
	s1 =	sand.u32 @!p1 $0x3F40000, s1;
	[sflag:s10] =	ssyncadd.s32 $0xFFFFF800  }
0x23a: {  	s5 =	simm.s32 @!p1 $0x0;
	s2 =	sor.u32 @!p1 s19, s1;
	_ =	swait.ge [sflag:s10], $0x800  }
0x23b: {  	s1 =	sor.u32 @!p1 s20, s1;
	s2 =	sshrl.u32 @!p1 s2, $0x3;
	[sflag:s10] =	ssyncset.done $0x0  }
0x23c: {  	s1 =	sshrl.u32 @!p1 s1, $0x3;
	s4 =	sadd.s32 @!p1 s0, s2;
	[sflag:s10] =	ssyncadd.s32 $0xFFFFF800  }
0x23d: {  	[tilespmem:s5], [sflag:$0x1] =	stream.strided.gather @!p1 [hbm4b:s4+s7], $0x800, s11, s7, $0x38;
	[tilespmem:$0x10000] =	vst v63  }
0x23e: {  	s1 =	sadd.s32 @!p1 s0, s1;
	s4 =	simm.s32 @!p1 $0x800  }
0x23f: {  	[tilespmem:s4], [sflag:$0x1] =	stream.strided.gather @!p1 [hbm4b:s1+s7], $0x800, s11, s7, $0x38;
	[tilespmem:$0x10000] =	vst v63  }
0x240: {  	s1 =	sadd.s32 @!p1 s2, s6;
	s4 =	simm.s32 @!p1 $0x1000  }
0x241: {  	[tilespmem:s4], [sflag:$0x1] =	stream.strided.gather @!p1 [hbm4b:s1+s7], $0x800, s11, s7, $0x38;
	[tilespmem:$0x10000] =	vst v63  }
0x242: {  	s1 =	sadd.s32 @!p1 s2, s8;
	s4 =	simm.s32 @!p1 $0x1800  }
0x243: {  	[tilespmem:s4], [sflag:$0x1] =	stream.strided.gather @!p1 [hbm4b:s1+s7], $0x800, s11, s7, $0x38;
	[tilespmem:$0x10000] =	vst v63  }
0x244: {  	s1 =	sadd.s32 @!p1 s2, s9;
	s4 =	simm.s32 @!p1 $0x2000  }
0x245: {  	[tilespmem:s4], [sflag:$0x1] =	stream.strided.gather @!p1 [hbm4b:s1+s7], $0x800, s11, s7, $0x38;
	[tilespmem:$0x10000] =	vst v63  }
0x246: {  	s1 =	sadd.s32 @!p1 s2, s12;
	s4 =	simm.s32 @!p1 $0x2800  }
0x247: {  	[tilespmem:s4], [sflag:$0x1] =	stream.strided.gather @!p1 [hbm4b:s1+s7], $0x800, s11, s7, $0x38;
	[tilespmem:$0x10000] =	vst v63  }
0x248: {  	s13 =	simm.s32 $0x0;
	s1 =	sadd.s32 @!p1 s2, s14;
	s4 =	simm.s32 @!p1 $0x3000  }
0x249: {  	[tilespmem:s4], [sflag:$0x1] =	stream.strided.gather @!p1 [hbm4b:s1+s7], $0x800, s11, s7, $0x38;
	[tilespmem:$0x10000] =	vst v63  }
0x24a: {  	s5 =	sand.u32 $0x8, s13;
	s4 =	sand.u32 $0x2, s13  }
0x24b: {  	s17 =	sand.u32 $0x20, s13;
	s1 =	sor.u32 s5, s4  }
0x24c: {  	s31 =	sand.u32 $0x80, s13;
	s1 =	sor.u32 s17, s1  }
0x24d: {  	s5 =	sand.u32 $0x200, s13;
	s1 =	sor.u32 s31, s1  }
0x24e: {  	s2 =	sadd.s32 @!p1 s2, s15;
	s17 =	simm.s32 @!p1 $0x3800;
	s5 =	sor.u32 s5, s1  }
0x24f: {  	[tilespmem:s17], [sflag:$0x1] =	stream.strided.gather @!p1 [hbm4b:s2+s7], $0x800, s11, s7, $0x38;
	v61 =	vor.u32 s5, v0;
	[tilespmem:$0x10000] =	vst v63  }
0x250: {  	s1 =	simm.s32 @!p0 $0x4  }
0x251: {  	_ =	swait.ge @!p0 [sflag:s1], $0x4000  }
0x252: {  	[sflag:s1] =	ssyncset.done @!p0 $0x0  }
0x253: {  	[sflag:s1] =	ssyncadd.s32 @!p0 $0xFFFFC000  }
0x254: {  	v32 =	vld.idx.msk [tilespmem:v61+s28+$0x0], $0xffff  }
0x255: {  	v62 =	vor.u32 s5, v1;
	_ =	sdelay $0x1  }
0x256: {  	s11 =	sand.u32 $0x3000, s13;
	s17 =	sand.u32 $0x380, s13  }
0x257: {  	s17 =	sor.u32 s17, s11  }
0x258: {  	[tilespmem:s17+$0xC000] =	vst v32  }
0x259: {  	v32 =	vld.idx.msk [tilespmem:v62+s28+$0x0], $0xffff  }
0x25a: {  	v63 =	vor.u32 s5, v2;
	_ =	sdelay $0x3  }
0x25b: {  	[tilespmem:s17+$0xC010] =	vst v32  }
0x25c: {  	v32 =	vld.idx.msk [tilespmem:v63+s28+$0x0], $0xffff  }
0x25d: {  	v36 =	vor.u32 s5, v3;
	_ =	sdelay $0x3  }
0x25e: {  	[tilespmem:s17+$0xC020] =	vst v32  }
0x25f: {  	v32 =	vld.idx.msk [tilespmem:v36+s28+$0x0], $0xffff  }
0x260: {  	v37 =	vor.u32 s5, v4;
	_ =	sdelay $0x3  }
0x261: {  	[tilespmem:s17+$0xC030] =	vst v32  }
0x262: {  	v32 =	vld.idx.msk [tilespmem:v37+s28+$0x0], $0xffff  }
0x263: {  	v38 =	vor.u32 s5, v5;
	_ =	sdelay $0x3  }
0x264: {  	[tilespmem:s17+$0xC040] =	vst v32  }
0x265: {  	v32 =	vld.idx.msk [tilespmem:v38+s28+$0x0], $0xffff  }
0x266: {  	v39 =	vor.u32 s5, v6;
	_ =	sdelay $0x3  }
0x267: {  	[tilespmem:s17+$0xC050] =	vst v32  }
0x268: {  	v32 =	vld.idx.msk [tilespmem:v39+s28+$0x0], $0xffff  }
0x269: {  	v40 =	vor.u32 s5, v7;
	_ =	sdelay $0x3  }
0x26a: {  	[tilespmem:s17+$0xC060] =	vst v32  }
0x26b: {  	v32 =	vld.idx.msk [tilespmem:v40+s28+$0x0], $0xffff  }
0x26c: {  	v41 =	vor.u32 s5, v8;
	_ =	sdelay $0x3  }
0x26d: {  	[tilespmem:s17+$0xC070] =	vst v32  }
0x26e: {  	v32 =	vld.idx.msk [tilespmem:v41+s28+$0x0], $0xffff  }
0x26f: {  	v42 =	vor.u32 s5, v9;
	_ =	sdelay $0x3  }
0x270: {  	[tilespmem:s17+$0xC400] =	vst v32  }
0x271: {  	v32 =	vld.idx.msk [tilespmem:v42+s28+$0x0], $0xffff  }
0x272: {  	v43 =	vor.u32 s5, v10;
	_ =	sdelay $0x3  }
0x273: {  	[tilespmem:s17+$0xC410] =	vst v32  }
0x274: {  	v32 =	vld.idx.msk [tilespmem:v43+s28+$0x0], $0xffff  }
0x275: {  	v44 =	vor.u32 s5, v11;
	_ =	sdelay $0x3  }
0x276: {  	[tilespmem:s17+$0xC420] =	vst v32  }
0x277: {  	v32 =	vld.idx.msk [tilespmem:v44+s28+$0x0], $0xffff  }
0x278: {  	v45 =	vor.u32 s5, v12;
	_ =	sdelay $0x3  }
0x279: {  	[tilespmem:s17+$0xC430] =	vst v32  }
0x27a: {  	v32 =	vld.idx.msk [tilespmem:v45+s28+$0x0], $0xffff  }
0x27b: {  	v46 =	vor.u32 s5, v13;
	_ =	sdelay $0x3  }
0x27c: {  	[tilespmem:s17+$0xC440] =	vst v32  }
0x27d: {  	v32 =	vld.idx.msk [tilespmem:v46+s28+$0x0], $0xffff  }
0x27e: {  	v47 =	vor.u32 s5, v14;
	_ =	sdelay $0x3  }
0x27f: {  	[tilespmem:s17+$0xC450] =	vst v32  }
0x280: {  	v32 =	vld.idx.msk [tilespmem:v47+s28+$0x0], $0xffff  }
0x281: {  	v48 =	vor.u32 s5, v15;
	_ =	sdelay $0x3  }
0x282: {  	[tilespmem:s17+$0xC460] =	vst v32  }
0x283: {  	v32 =	vld.idx.msk [tilespmem:v48+s28+$0x0], $0xffff  }
0x284: {  	v49 =	vor.u32 s5, v16;
	_ =	sdelay $0x3  }
0x285: {  	[tilespmem:s17+$0xC470] =	vst v32  }
0x286: {  	v32 =	vld.idx.msk [tilespmem:v49+s28+$0x0], $0xffff  }
0x287: {  	v50 =	vor.u32 s5, v17;
	_ =	sdelay $0x3  }
0x288: {  	[tilespmem:s17+$0xC800] =	vst v32  }
0x289: {  	v32 =	vld.idx.msk [tilespmem:v50+s28+$0x0], $0xffff  }
0x28a: {  	v51 =	vor.u32 s5, v18;
	_ =	sdelay $0x3  }
0x28b: {  	[tilespmem:s17+$0xC810] =	vst v32  }
0x28c: {  	v32 =	vld.idx.msk [tilespmem:v51+s28+$0x0], $0xffff  }
0x28d: {  	v52 =	vor.u32 s5, v19;
	_ =	sdelay $0x3  }
0x28e: {  	[tilespmem:s17+$0xC820] =	vst v32  }
0x28f: {  	v32 =	vld.idx.msk [tilespmem:v52+s28+$0x0], $0xffff  }
0x290: {  	v53 =	vor.u32 s5, v20;
	_ =	sdelay $0x3  }
0x291: {  	[tilespmem:s17+$0xC830] =	vst v32  }
0x292: {  	v32 =	vld.idx.msk [tilespmem:v53+s28+$0x0], $0xffff  }
0x293: {  	v54 =	vor.u32 s5, v21;
	_ =	sdelay $0x3  }
0x294: {  	[tilespmem:s17+$0xC840] =	vst v32  }
0x295: {  	v32 =	vld.idx.msk [tilespmem:v54+s28+$0x0], $0xffff  }
0x296: {  	v55 =	vor.u32 s5, v22;
	_ =	sdelay $0x3  }
0x297: {  	[tilespmem:s17+$0xC850] =	vst v32  }
0x298: {  	v32 =	vld.idx.msk [tilespmem:v55+s28+$0x0], $0xffff  }
0x299: {  	v56 =	vor.u32 s5, v23;
	_ =	sdelay $0x3  }
0x29a: {  	[tilespmem:s17+$0xC860] =	vst v32  }
0x29b: {  	v32 =	vld.idx.msk [tilespmem:v56+s28+$0x0], $0xffff  }
0x29c: {  	v57 =	vor.u32 s5, v24;
	_ =	sdelay $0x3  }
0x29d: {  	[tilespmem:s17+$0xC870] =	vst v32  }
0x29e: {  	v32 =	vld.idx.msk [tilespmem:v57+s28+$0x0], $0xffff  }
0x29f: {  	v58 =	vor.u32 s5, v25;
	_ =	sdelay $0x3  }
0x2a0: {  	[tilespmem:s17+$0xCC00] =	vst v32  }
0x2a1: {  	v32 =	vld.idx.msk [tilespmem:v58+s28+$0x0], $0xffff  }
0x2a2: {  	v59 =	vor.u32 s5, v26;
	_ =	sdelay $0x3  }
0x2a3: {  	[tilespmem:s17+$0xCC10] =	vst v32  }
0x2a4: {  	v32 =	vld.idx.msk [tilespmem:v59+s28+$0x0], $0xffff  }
0x2a5: {  	v60 =	vor.u32 s5, v27;
	_ =	sdelay $0x3  }
0x2a6: {  	[tilespmem:s17+$0xCC20] =	vst v32  }
0x2a7: {  	v32 =	vld.idx.msk [tilespmem:v60+s28+$0x0], $0xffff  }
0x2a8: {  	v61 =	vor.u32 s5, v28;
	_ =	sdelay $0x3  }
0x2a9: {  	[tilespmem:s17+$0xCC30] =	vst v32  }
0x2aa: {  	v32 =	vld.idx.msk [tilespmem:v61+s28+$0x0], $0xffff  }
0x2ab: {  	v62 =	vor.u32 s5, v29;
	_ =	sdelay $0x3  }
0x2ac: {  	[tilespmem:s17+$0xCC40] =	vst v32  }
0x2ad: {  	v32 =	vld.idx.msk [tilespmem:v62+s28+$0x0], $0xffff  }
0x2ae: {  	v63 =	vor.u32 s5, v30;
	_ =	sdelay $0x3  }
0x2af: {  	[tilespmem:s17+$0xCC50] =	vst v32  }
0x2b0: {  	v33 =	vld.idx.msk [tilespmem:v63+s28+$0x0], $0xffff  }
0x2b1: {  	s30 =	simm.s32 $0x0;
	s29 =	simm.s32 $0x0;
	s31 =	simm.s32 $0x2;
	v32 =	vor.u32 s5, v31  }
0x2b2: {  	s4 =	simm.s32 $0x4;
	s2 =	simm.s32 $0x8;
	s7 =	sand.u32 $0x2, s31  }
0x2b3: {  	s11 =	sand.u32 $0x8, s4;
	s1 =	simm.s32 $0x10;
	s5 =	simm.s32 $0x4  }
.LBB2_5:
0x2b4: {  	p0 =	sne.s32 s5, $0x3E;
	s7 =	sor.u32 s11, s7;
	s11 =	sand.u32 $0x20, s2  }
0x2b5: {  	s13 =	sadd.s32 $0x20, s13;
	s7 =	sor.u32 s11, s7;
	s11 =	sand.u32 $0x80, s1;
	[tilespmem:s17+$0xCC60] =	vst v33  }
0x2b6: {  	s7 =	sor.u32 s11, s7;
	s11 =	sand.u32 $0x200, s13;
	v32 =	vld.idx.msk [tilespmem:v32+s28+$0x0], $0xffff  }
0x2b7: {  	s7 =	sor.u32 s11, s7  }
0x2b8: {  	v33 =	vor.u32 s7, v0;
	_ =	sdelay $0x3  }
0x2b9: {  	[tilespmem:s17+$0xCC70] =	vst v32  }
0x2ba: {  	v32 =	vld.idx.msk [tilespmem:v33+s28+$0x0], $0xffff;
	_ =	sdelay $0x1  }
0x2bb: {  	v33 =	vor.u32 s7, v1  }
0x2bc: {  	s29 =	sadd.s32 $0x80, s29;
	s30 =	sadd.s32 $0x200, s30  }
0x2bd: {  	s11 =	sand.u32 $0x3000, s30;
	s17 =	sand.u32 $0x380, s29  }
0x2be: {  	s17 =	sor.u32 s17, s11  }
0x2bf: {  	[tilespmem:s17+$0xC000] =	vst v32  }
0x2c0: {  	v32 =	vld.idx.msk [tilespmem:v33+s28+$0x0], $0xffff;
	_ =	sdelay $0x1  }
0x2c1: {  	v33 =	vor.u32 s7, v2;
	_ =	sdelay $0x3  }
0x2c2: {  	[tilespmem:s17+$0xC010] =	vst v32  }
0x2c3: {  	v32 =	vld.idx.msk [tilespmem:v33+s28+$0x0], $0xffff;
	_ =	sdelay $0x1  }
0x2c4: {  	v33 =	vor.u32 s7, v3;
	_ =	sdelay $0x3  }
0x2c5: {  	[tilespmem:s17+$0xC020] =	vst v32  }
0x2c6: {  	v32 =	vld.idx.msk [tilespmem:v33+s28+$0x0], $0xffff;
	_ =	sdelay $0x1  }
0x2c7: {  	v33 =	vor.u32 s7, v4;
	_ =	sdelay $0x3  }
0x2c8: {  	[tilespmem:s17+$0xC030] =	vst v32  }
0x2c9: {  	v32 =	vld.idx.msk [tilespmem:v33+s28+$0x0], $0xffff;
	_ =	sdelay $0x1  }
0x2ca: {  	v33 =	vor.u32 s7, v5;
	_ =	sdelay $0x3  }
0x2cb: {  	[tilespmem:s17+$0xC040] =	vst v32  }
0x2cc: {  	v32 =	vld.idx.msk [tilespmem:v33+s28+$0x0], $0xffff;
	_ =	sdelay $0x1  }
0x2cd: {  	v33 =	vor.u32 s7, v6;
	_ =	sdelay $0x3  }
0x2ce: {  	[tilespmem:s17+$0xC050] =	vst v32  }
0x2cf: {  	v32 =	vld.idx.msk [tilespmem:v33+s28+$0x0], $0xffff;
	_ =	sdelay $0x1  }
0x2d0: {  	v33 =	vor.u32 s7, v7;
	_ =	sdelay $0x3  }
0x2d1: {  	[tilespmem:s17+$0xC060] =	vst v32  }
0x2d2: {  	v32 =	vld.idx.msk [tilespmem:v33+s28+$0x0], $0xffff;
	_ =	sdelay $0x1  }
0x2d3: {  	v33 =	vor.u32 s7, v8;
	_ =	sdelay $0x3  }
0x2d4: {  	[tilespmem:s17+$0xC070] =	vst v32  }
0x2d5: {  	v32 =	vld.idx.msk [tilespmem:v33+s28+$0x0], $0xffff;
	_ =	sdelay $0x1  }
0x2d6: {  	v33 =	vor.u32 s7, v9;
	_ =	sdelay $0x3  }
0x2d7: {  	[tilespmem:s17+$0xC400] =	vst v32  }
0x2d8: {  	v32 =	vld.idx.msk [tilespmem:v33+s28+$0x0], $0xffff;
	_ =	sdelay $0x1  }
0x2d9: {  	v33 =	vor.u32 s7, v10;
	_ =	sdelay $0x3  }
0x2da: {  	[tilespmem:s17+$0xC410] =	vst v32  }
0x2db: {  	v32 =	vld.idx.msk [tilespmem:v33+s28+$0x0], $0xffff;
	_ =	sdelay $0x1  }
0x2dc: {  	v33 =	vor.u32 s7, v11;
	_ =	sdelay $0x3  }
0x2dd: {  	[tilespmem:s17+$0xC420] =	vst v32  }
0x2de: {  	v32 =	vld.idx.msk [tilespmem:v33+s28+$0x0], $0xffff;
	_ =	sdelay $0x1  }
0x2df: {  	v33 =	vor.u32 s7, v12;
	_ =	sdelay $0x3  }
0x2e0: {  	[tilespmem:s17+$0xC430] =	vst v32  }
0x2e1: {  	v32 =	vld.idx.msk [tilespmem:v33+s28+$0x0], $0xffff;
	_ =	sdelay $0x1  }
0x2e2: {  	v33 =	vor.u32 s7, v13;
	_ =	sdelay $0x3  }
0x2e3: {  	[tilespmem:s17+$0xC440] =	vst v32  }
0x2e4: {  	v32 =	vld.idx.msk [tilespmem:v33+s28+$0x0], $0xffff;
	_ =	sdelay $0x1  }
0x2e5: {  	v33 =	vor.u32 s7, v14;
	_ =	sdelay $0x3  }
0x2e6: {  	[tilespmem:s17+$0xC450] =	vst v32  }
0x2e7: {  	v32 =	vld.idx.msk [tilespmem:v33+s28+$0x0], $0xffff;
	_ =	sdelay $0x1  }
0x2e8: {  	v33 =	vor.u32 s7, v15;
	_ =	sdelay $0x3  }
0x2e9: {  	[tilespmem:s17+$0xC460] =	vst v32  }
0x2ea: {  	v32 =	vld.idx.msk [tilespmem:v33+s28+$0x0], $0xffff;
	_ =	sdelay $0x1  }
0x2eb: {  	v33 =	vor.u32 s7, v16;
	_ =	sdelay $0x3  }
0x2ec: {  	[tilespmem:s17+$0xC470] =	vst v32  }
0x2ed: {  	v32 =	vld.idx.msk [tilespmem:v33+s28+$0x0], $0xffff;
	_ =	sdelay $0x1  }
0x2ee: {  	v33 =	vor.u32 s7, v17;
	_ =	sdelay $0x3  }
0x2ef: {  	[tilespmem:s17+$0xC800] =	vst v32  }
0x2f0: {  	v32 =	vld.idx.msk [tilespmem:v33+s28+$0x0], $0xffff;
	_ =	sdelay $0x1  }
0x2f1: {  	v33 =	vor.u32 s7, v18;
	_ =	sdelay $0x3  }
0x2f2: {  	[tilespmem:s17+$0xC810] =	vst v32  }
0x2f3: {  	v32 =	vld.idx.msk [tilespmem:v33+s28+$0x0], $0xffff;
	_ =	sdelay $0x1  }
0x2f4: {  	v33 =	vor.u32 s7, v19;
	_ =	sdelay $0x3  }
0x2f5: {  	[tilespmem:s17+$0xC820] =	vst v32  }
0x2f6: {  	v32 =	vld.idx.msk [tilespmem:v33+s28+$0x0], $0xffff;
	_ =	sdelay $0x1  }
0x2f7: {  	v33 =	vor.u32 s7, v20;
	_ =	sdelay $0x3  }
0x2f8: {  	[tilespmem:s17+$0xC830] =	vst v32  }
0x2f9: {  	v32 =	vld.idx.msk [tilespmem:v33+s28+$0x0], $0xffff;
	_ =	sdelay $0x1  }
0x2fa: {  	v33 =	vor.u32 s7, v21;
	_ =	sdelay $0x3  }
0x2fb: {  	[tilespmem:s17+$0xC840] =	vst v32  }
0x2fc: {  	v32 =	vld.idx.msk [tilespmem:v33+s28+$0x0], $0xffff;
	_ =	sdelay $0x1  }
0x2fd: {  	v33 =	vor.u32 s7, v22;
	_ =	sdelay $0x3  }
0x2fe: {  	[tilespmem:s17+$0xC850] =	vst v32  }
0x2ff: {  	v32 =	vld.idx.msk [tilespmem:v33+s28+$0x0], $0xffff;
	_ =	sdelay $0x1  }
0x300: {  	v33 =	vor.u32 s7, v23;
	_ =	sdelay $0x3  }
0x301: {  	[tilespmem:s17+$0xC860] =	vst v32  }
0x302: {  	v32 =	vld.idx.msk [tilespmem:v33+s28+$0x0], $0xffff;
	_ =	sdelay $0x1  }
0x303: {  	v33 =	vor.u32 s7, v24;
	_ =	sdelay $0x3  }
0x304: {  	[tilespmem:s17+$0xC870] =	vst v32  }
0x305: {  	v32 =	vld.idx.msk [tilespmem:v33+s28+$0x0], $0xffff;
	_ =	sdelay $0x1  }
0x306: {  	v33 =	vor.u32 s7, v25;
	_ =	sdelay $0x3  }
0x307: {  	[tilespmem:s17+$0xCC00] =	vst v32  }
0x308: {  	v32 =	vld.idx.msk [tilespmem:v33+s28+$0x0], $0xffff;
	_ =	sdelay $0x1  }
0x309: {  	v33 =	vor.u32 s7, v26;
	_ =	sdelay $0x3  }
0x30a: {  	[tilespmem:s17+$0xCC10] =	vst v32  }
0x30b: {  	v32 =	vld.idx.msk [tilespmem:v33+s28+$0x0], $0xffff;
	_ =	sdelay $0x1  }
0x30c: {  	v33 =	vor.u32 s7, v27;
	_ =	sdelay $0x3  }
0x30d: {  	[tilespmem:s17+$0xCC20] =	vst v32  }
0x30e: {  	v32 =	vld.idx.msk [tilespmem:v33+s28+$0x0], $0xffff;
	_ =	sdelay $0x1  }
0x30f: {  	v33 =	vor.u32 s7, v28;
	_ =	sdelay $0x3  }
0x310: {  	[tilespmem:s17+$0xCC30] =	vst v32  }
0x311: {  	v32 =	vld.idx.msk [tilespmem:v33+s28+$0x0], $0xffff;
	_ =	sdelay $0x1  }
0x312: {  	v33 =	vor.u32 s7, v29;
	_ =	sdelay $0x3  }
0x313: {  	[tilespmem:s17+$0xCC40] =	vst v32  }
0x314: {  	v32 =	vld.idx.msk [tilespmem:v33+s28+$0x0], $0xffff;
	_ =	sdelay $0x1  }
0x315: {  	v33 =	vor.u32 s7, v30;
	_ =	sdelay $0x3  }
0x316: {  	[tilespmem:s17+$0xCC50] =	vst v32  }
.Ltmp1:
0x317: {  	v33 =	vld.idx.msk [tilespmem:v33+s28+$0x0], $0xffff;
	(pc) =	sbr.rel @p0 .LBB2_5-.Ltmp1, $4  }
0x318: {  	_ = 	snop  }
0x319: {  	v32 =	vor.u32 s7, v31  }
0x31a: {  	s2 =	sadd.s32 $0x8, s2;
	s4 =	sadd.s32 $0x4, s4;
	s1 =	sadd.s32 $0x10, s1  }
0x31b: {  	s11 =	sand.u32 $0x8, s4;
	s7 =	sand.u32 $0x2, s5;
	s5 =	sadd.s32 $0x2, s5  }
0x31c: {  	_ = 	snop  }
0x31d: {  	s4 =	sor.u32 s11, s7;
	s2 =	sand.u32 $0x20, s2  }
0x31e: {  	s1 =	sand.u32 $0x80, s1;
	s11 =	sadd.s32 $0x20, s13;
	s2 =	sor.u32 s2, s4  }
0x31f: {  	[tilespmem:s17+$0xCC60] =	vst v33;
	s13 =	sand.u32 $0x200, s11;
	s1 =	sor.u32 s1, s2  }
0x320: {  	v32 =	vld.idx.msk [tilespmem:v32+s28+$0x0], $0xffff;
	s1 =	sor.u32 s13, s1  }
0x321: {  	v60 =	vor.u32 s1, v0;
	_ =	sdelay $0x3  }
0x322: {  	[tilespmem:s17+$0xCC70] =	vst v32  }
0x323: {  	v32 =	vld.idx.msk [tilespmem:v60+s28+$0x0], $0xffff  }
0x324: {  	v61 =	vor.u32 s1, v1  }
0x325: {  	s17 =	sadd.s32 $0x80, s29;
	s29 =	sadd.s32 $0x200, s30  }
0x326: {  	s4 =	sand.u32 $0x3000, s29;
	s2 =	sand.u32 $0x380, s17  }
0x327: {  	s2 =	sor.u32 s2, s4  }
0x328: {  	[tilespmem:s2+$0xC000] =	vst v32  }
0x329: {  	v32 =	vld.idx.msk [tilespmem:v61+s28+$0x0], $0xffff  }
0x32a: {  	v62 =	vor.u32 s1, v2;
	_ =	sdelay $0x3  }
0x32b: {  	[tilespmem:s2+$0xC010] =	vst v32  }
0x32c: {  	v32 =	vld.idx.msk [tilespmem:v62+s28+$0x0], $0xffff  }
0x32d: {  	v63 =	vor.u32 s1, v3;
	_ =	sdelay $0x3  }
0x32e: {  	[tilespmem:s2+$0xC020] =	vst v32  }
0x32f: {  	v32 =	vld.idx.msk [tilespmem:v63+s28+$0x0], $0xffff  }
0x330: {  	v36 =	vor.u32 s1, v4;
	_ =	sdelay $0x3  }
0x331: {  	[tilespmem:s2+$0xC030] =	vst v32  }
0x332: {  	v32 =	vld.idx.msk [tilespmem:v36+s28+$0x0], $0xffff  }
0x333: {  	v37 =	vor.u32 s1, v5;
	_ =	sdelay $0x3  }
0x334: {  	[tilespmem:s2+$0xC040] =	vst v32  }
0x335: {  	v32 =	vld.idx.msk [tilespmem:v37+s28+$0x0], $0xffff  }
0x336: {  	v38 =	vor.u32 s1, v6;
	_ =	sdelay $0x3  }
0x337: {  	[tilespmem:s2+$0xC050] =	vst v32  }
0x338: {  	v32 =	vld.idx.msk [tilespmem:v38+s28+$0x0], $0xffff  }
0x339: {  	v39 =	vor.u32 s1, v7;
	_ =	sdelay $0x3  }
0x33a: {  	[tilespmem:s2+$0xC060] =	vst v32  }
0x33b: {  	v32 =	vld.idx.msk [tilespmem:v39+s28+$0x0], $0xffff  }
0x33c: {  	v40 =	vor.u32 s1, v8;
	_ =	sdelay $0x3  }
0x33d: {  	[tilespmem:s2+$0xC070] =	vst v32  }
0x33e: {  	v32 =	vld.idx.msk [tilespmem:v40+s28+$0x0], $0xffff  }
0x33f: {  	v41 =	vor.u32 s1, v9;
	_ =	sdelay $0x3  }
0x340: {  	[tilespmem:s2+$0xC400] =	vst v32  }
0x341: {  	v32 =	vld.idx.msk [tilespmem:v41+s28+$0x0], $0xffff  }
0x342: {  	v42 =	vor.u32 s1, v10;
	_ =	sdelay $0x3  }
0x343: {  	[tilespmem:s2+$0xC410] =	vst v32  }
0x344: {  	v32 =	vld.idx.msk [tilespmem:v42+s28+$0x0], $0xffff  }
0x345: {  	v43 =	vor.u32 s1, v11;
	_ =	sdelay $0x3  }
0x346: {  	[tilespmem:s2+$0xC420] =	vst v32  }
0x347: {  	v32 =	vld.idx.msk [tilespmem:v43+s28+$0x0], $0xffff  }
0x348: {  	v44 =	vor.u32 s1, v12;
	_ =	sdelay $0x3  }
0x349: {  	[tilespmem:s2+$0xC430] =	vst v32  }
0x34a: {  	v32 =	vld.idx.msk [tilespmem:v44+s28+$0x0], $0xffff  }
0x34b: {  	v45 =	vor.u32 s1, v13;
	_ =	sdelay $0x3  }
0x34c: {  	[tilespmem:s2+$0xC440] =	vst v32  }
0x34d: {  	v32 =	vld.idx.msk [tilespmem:v45+s28+$0x0], $0xffff  }
0x34e: {  	v46 =	vor.u32 s1, v14;
	_ =	sdelay $0x3  }
0x34f: {  	[tilespmem:s2+$0xC450] =	vst v32  }
0x350: {  	v32 =	vld.idx.msk [tilespmem:v46+s28+$0x0], $0xffff  }
0x351: {  	v47 =	vor.u32 s1, v15;
	_ =	sdelay $0x3  }
0x352: {  	[tilespmem:s2+$0xC460] =	vst v32  }
0x353: {  	v32 =	vld.idx.msk [tilespmem:v47+s28+$0x0], $0xffff  }
0x354: {  	v48 =	vor.u32 s1, v16;
	_ =	sdelay $0x3  }
0x355: {  	[tilespmem:s2+$0xC470] =	vst v32  }
0x356: {  	v32 =	vld.idx.msk [tilespmem:v48+s28+$0x0], $0xffff  }
0x357: {  	v49 =	vor.u32 s1, v17;
	_ =	sdelay $0x3  }
0x358: {  	[tilespmem:s2+$0xC800] =	vst v32  }
0x359: {  	v32 =	vld.idx.msk [tilespmem:v49+s28+$0x0], $0xffff  }
0x35a: {  	v50 =	vor.u32 s1, v18;
	_ =	sdelay $0x3  }
0x35b: {  	[tilespmem:s2+$0xC810] =	vst v32  }
0x35c: {  	v32 =	vld.idx.msk [tilespmem:v50+s28+$0x0], $0xffff  }
0x35d: {  	v51 =	vor.u32 s1, v19;
	_ =	sdelay $0x3  }
0x35e: {  	[tilespmem:s2+$0xC820] =	vst v32  }
0x35f: {  	v32 =	vld.idx.msk [tilespmem:v51+s28+$0x0], $0xffff  }
0x360: {  	v52 =	vor.u32 s1, v20;
	_ =	sdelay $0x3  }
0x361: {  	[tilespmem:s2+$0xC830] =	vst v32  }
0x362: {  	v32 =	vld.idx.msk [tilespmem:v52+s28+$0x0], $0xffff  }
0x363: {  	v53 =	vor.u32 s1, v21;
	_ =	sdelay $0x3  }
0x364: {  	[tilespmem:s2+$0xC840] =	vst v32  }
0x365: {  	v32 =	vld.idx.msk [tilespmem:v53+s28+$0x0], $0xffff  }
0x366: {  	v54 =	vor.u32 s1, v22;
	_ =	sdelay $0x3  }
0x367: {  	[tilespmem:s2+$0xC850] =	vst v32  }
0x368: {  	v32 =	vld.idx.msk [tilespmem:v54+s28+$0x0], $0xffff  }
0x369: {  	v55 =	vor.u32 s1, v23;
	_ =	sdelay $0x3  }
0x36a: {  	[tilespmem:s2+$0xC860] =	vst v32  }
0x36b: {  	v32 =	vld.idx.msk [tilespmem:v55+s28+$0x0], $0xffff  }
0x36c: {  	v56 =	vor.u32 s1, v24;
	_ =	sdelay $0x3  }
0x36d: {  	[tilespmem:s2+$0xC870] =	vst v32  }
0x36e: {  	v32 =	vld.idx.msk [tilespmem:v56+s28+$0x0], $0xffff  }
0x36f: {  	v57 =	vor.u32 s1, v25;
	_ =	sdelay $0x3  }
0x370: {  	[tilespmem:s2+$0xCC00] =	vst v32  }
0x371: {  	v32 =	vld.idx.msk [tilespmem:v57+s28+$0x0], $0xffff  }
0x372: {  	v58 =	vor.u32 s1, v26;
	_ =	sdelay $0x3  }
0x373: {  	[tilespmem:s2+$0xCC10] =	vst v32  }
0x374: {  	v32 =	vld.idx.msk [tilespmem:v58+s28+$0x0], $0xffff  }
0x375: {  	v59 =	vor.u32 s1, v27;
	_ =	sdelay $0x3  }
0x376: {  	[tilespmem:s2+$0xCC20] =	vst v32  }
0x377: {  	v32 =	vld.idx.msk [tilespmem:v59+s28+$0x0], $0xffff  }
0x378: {  	v60 =	vor.u32 s1, v28;
	_ =	sdelay $0x3  }
0x379: {  	[tilespmem:s2+$0xCC30] =	vst v32  }
0x37a: {  	v32 =	vld.idx.msk [tilespmem:v60+s28+$0x0], $0xffff  }
0x37b: {  	v61 =	vor.u32 s1, v29;
	_ =	sdelay $0x3  }
0x37c: {  	[tilespmem:s2+$0xCC40] =	vst v32  }
0x37d: {  	v32 =	vld.idx.msk [tilespmem:v61+s28+$0x0], $0xffff  }
0x37e: {  	v62 =	vor.u32 s1, v30;
	_ =	sdelay $0x3  }
0x37f: {  	[tilespmem:s2+$0xCC50] =	vst v32  }
0x380: {  	v32 =	vld.idx.msk [tilespmem:v62+s28+$0x0], $0xffff  }
0x381: {  	v63 =	vor.u32 s1, v31;
	_ =	sdelay $0x3  }
0x382: {  	[tilespmem:s2+$0xCC60] =	vst v32  }
0x383: {  	s22 =	sadd.s32 $0x1, s22;
	v32 =	vld.idx.msk [tilespmem:v63+s28+$0x0], $0xffff  }
0x384: {  	p0 =	sne.s32 s22, $0x18  }
.Ltmp2:
0x385: {  	_ = 	snop;
	(pc) =	sbr.rel @p0 .LBB2_2-.Ltmp2, $4  }
0x386: {  	_ = 	snop  }
0x387: {  	s30 =	sshll.u32 s16, $0x10  }
0x388: {  	s31 =	simm.s32 $0xC000;
	s1 =	sadd.s32 s30, s21;
	[tilespmem:s2+$0xCC70] =	vst v32  }
0x389: {  	[hbm4b:s1+s3] =	stream.linear.scatter [tilespmem:s31], [sflag:$0x4], $0x4000, $0x38;
	[tilespmem:$0x10000] =	vst v63  }
0x38a: {  	s1 =	simm.s32 $0x3  }
0x38b: {  	_ =	swait.ge [sflag:s1], $0x4000  }
0x38c: {  	[sflag:s1] =	ssyncset.done $0x0  }
0x38d: {  	s2 =	simm.s32 $0x4;
	[sflag:s1] =	ssyncadd.s32 $0xFFFFC000  }
0x38e: {  	_ =	swait.ge [sflag:s2], $0x4000  }
0x38f: {  	s4 =	rddreg [dreg:$0xc]  }
0x390: {  	s31 =	rddreg [dreg:$0xb];
	s4 =	sadd.s32 $0x1, s4  }
0x391: {  	p0 =	sne.s32 s4, s31  }
.Ltmp3:
0x392: {  	_ = 	snop;
	(pc) =	sbr.rel @p0 .LBB2_1-.Ltmp3, $3  }
0x393: {  	_ =	sdelay $0x1  }
0x394: {  	[sflag:s2] =	ssyncset.done $0x0  }
0x395: {  	[sflag:s2] =	ssyncadd.s32 $0xFFFFC000  }
0x396: {  	_ =	sfence.sel $0x180000  }
0x397: {  	[bflag:$0x0] =	sbarrier.arrive $0xFFFF  }
0x398: {  	_ =	strace $0x90000047  }
0x399: {  	s0 =	stileid.u32;
	[bflag:$0x2] =	sbarrier.arrive $0xFFFF  }
0x39a: {  	p0 =	sne.s32 s0, $0x0;
	s0 =	rddreg [dreg:$0x2]  }
0x39b: {  	s0 =	sadd.s32 @!p0 $0x100000, s0  }
0x39c: {  	[sflag:s0] =	ssyncadd.tile.s32 @!p0 $0x1;
	_ =	shalt  }
.Lfunc_end2:
_tile_overlayer_lowered:
.L_overlay_start_2:
0x39d: {  	(tag) =	ssettag $0x2  }
0x39e: {  	s0 =	rddreg [dreg:$0x0];
	s2 =	stileid.u32  }
0x39f: {  	s1 =	rddreg [dreg:$0x1];
	p0 =	sne.s32 s2, $0x0  }
0x3a0: {  	s3 =	rddreg [dreg:$0x2];
	[bflag:$0x3] =	sbarrier.arrive $0xFFFF;
	s2 =	simm.s32 @!p0 $0x1C05  }
0x3a1: {  	[timem:s3], [sflag:s2] =	dma.local @!p0 [hbm:s0], s1  }
0x3a2: {  	s0 =	simm.s32 @!p0 $0x5  }
0x3a3: {  	_ =	swait.ge @!p0 [sflag:s0], s1  }
0x3a4: {  	s1 =	ssub.s32 @!p0 $0x0, s1;
	[sflag:s0] =	ssyncset.done @!p0 $0x0  }
0x3a5: {  	[sflag:s0] =	ssyncadd.s32 @!p0 s1  }
0x3a6: {  	[bflag:$0x3] =	sbarrier.arrive $0xFFFF  }
0x3a7: {  	_ =	shalt  }

</sc_bundles>
